<compile_context>
chip_gen: v7x
topology: tpu7x:2x2x1
jax: 0.10.2.dev20260603
libtpu: 0.0.44.dev20260713+nightly
codegen_flags: <defaults>
</compile_context>

<pallas_src>
import functools

import jax
import jax.numpy as jnp
from jax import lax
from jax.experimental import pallas as pl
from jax.experimental.pallas import tpu as pltpu
from jax.experimental.pallas import tpu_sc as plsc

N = 10000
E = 320000
D = 128
EPS = 1e-6

NC = 2
NS = 16
NW = NC * NS
EW = E // NW
CH = 104
K = 3
NFULL = EW // CH
TAIL = EW - NFULL * CH
N_PAD = 10240
RPT = N_PAD // NS
NZ = RPT // CH
ZT = RPT - NZ * CH

_MESH = dict(core_axis_name="c", subcore_axis_name="s")


def _zero_rows(buf, nrows):

    def fill(i, _):
        for j in range(D // 16):
            buf[i, pl.ds(j * 16, 16)] = jnp.zeros((16,), jnp.float32)
        return 0

    lax.fori_loop(0, nrows, fill, 0)


def _zero_acc(zbuf, acc_sh, r0):
    def zspm(j, _):
        pltpu.sync_copy(zbuf, acc_sh.at[pl.ds(r0 + j * CH, CH)])
        return 0

    lax.fori_loop(0, NZ, zspm, 0)
    pltpu.sync_copy(zbuf.at[pl.ds(0, ZT)], acc_sh.at[pl.ds(r0 + NZ * CH, ZT)])


def _agg_pipe(h, src, dst, acc_sh, src_v, dst_v, rows, ss, sd, gs, ebase):

    def issue_loads(g, b):
        off = ebase + g * CH
        pltpu.async_copy(src.at[pl.ds(off, CH)], src_v.at[b], ss[b])
        pltpu.async_copy(dst.at[pl.ds(off, CH)], dst_v.at[b], sd[b])

    def start_gather(b):
        pltpu.make_async_copy(src.at[pl.ds(0, CH)], src_v.at[b],
                              ss[b]).wait()
        pltpu.async_copy(h.at[src_v.at[b]], rows[b], gs[b])

    def finish_scatter(b):
        pltpu.make_async_copy(h.at[src_v.at[b]], rows[b], gs[b]).wait()
        pltpu.make_async_copy(dst.at[pl.ds(0, CH)], dst_v.at[b],
                              sd[b]).wait()
        pltpu.sync_copy(rows[b], acc_sh.at[dst_v.at[b]], add=True)

    for b in range(K):
        issue_loads(b, b)
    for b in range(K):
        start_gather(b)

    def pipe(i, _):
        g0 = K * i
        for b in range(K):
            finish_scatter(b)
            issue_loads(g0 + K + b, b)
            start_gather(b)
        return 0

    lax.fori_loop(0, NFULL // K - 1, pipe, 0)
    for b in range(K):
        finish_scatter(b)


def _agg_tail(h, src, dst, acc_sh, src_t, dst_t, rows_t, st, ebase):
    offt = ebase + NFULL * CH
    pltpu.sync_copy(src.at[pl.ds(offt, TAIL)], src_t)
    pltpu.sync_copy(dst.at[pl.ds(offt, TAIL)], dst_t.at[0])
    pltpu.async_copy(h.at[src_t], rows_t, st).wait()
    pltpu.sync_copy(rows_t, acc_sh.at[dst_t.at[0]], add=True)


def _deg_pipe(dst, acc_sh, dst_v, dst_t, ones, sd, ebase):

    def load_dst(g, b):
        pltpu.async_copy(dst.at[pl.ds(ebase + g * CH, CH)], dst_v.at[b],
                         sd[b])

    def deg_scatter(b):
        pltpu.make_async_copy(dst.at[pl.ds(0, CH)], dst_v.at[b],
                              sd[b]).wait()
        pltpu.sync_copy(ones, acc_sh.at[dst_v.at[b]], add=True)

    load_dst(0, 0)
    load_dst(1, 1)

    def pipe(i, _):
        g0 = 2 * i
        deg_scatter(0)
        load_dst(g0 + 2, 0)
        deg_scatter(1)
        load_dst(g0 + 3, 1)
        return 0

    lax.fori_loop(0, NFULL // 2 - 1, pipe, 0)
    deg_scatter(0)
    deg_scatter(1)
    offt = ebase + NFULL * CH
    pltpu.sync_copy(dst.at[pl.ds(offt, TAIL)], dst_t.at[0])
    pltpu.sync_copy(ones.at[pl.ds(0, TAIL)], acc_sh.at[dst_t.at[0]],
                    add=True)


def _agg_deg_body(h, src, dst, agg_out, deg_out, src_v, dst_v, src_t, dst_t,
                  r0b, r1b, r2b, rows_t, acc_sh, ss0, sd0, gs0, ss1, sd1,
                  gs1, ss2, sd2, gs2, st):
    cid = lax.axis_index("c")
    sid = lax.axis_index("s")
    wid = sid * NC + cid
    r0 = sid * RPT
    ebase = wid * EW
    rows = (r0b, r1b, r2b)
    ss, sd, gs = (ss0, ss1, ss2), (sd0, sd1, sd2), (gs0, gs1, gs2)

    _zero_rows(r0b, CH)
    _zero_acc(r0b, acc_sh, r0)

    def fill1(i, _):
        for j in range(D // 16):
            r0b[i, pl.ds(j * 16, 16)] = jnp.ones((16,), jnp.float32)
        return 0

    lax.fori_loop(0, CH, fill1, 0)
    plsc.subcore_barrier()
    _deg_pipe(dst, acc_sh, dst_v, dst_t, r0b, sd, ebase)
    plsc.subcore_barrier()
    pltpu.sync_copy(acc_sh.at[pl.ds(r0, RPT)], deg_out.at[cid, pl.ds(r0, RPT)])

    _zero_rows(r1b, CH)
    _zero_acc(r1b, acc_sh, r0)
    plsc.subcore_barrier()

    _agg_pipe(h, src, dst, acc_sh, src_v, dst_v, rows, ss, sd, gs, ebase)
    _agg_tail(h, src, dst, acc_sh, src_t, dst_t, rows_t, st, ebase)
    plsc.subcore_barrier()
    pltpu.sync_copy(acc_sh.at[pl.ds(r0, RPT)], agg_out.at[cid, pl.ds(r0, RPT)])


def _agg_body(h, src, dst, agg_out, src_v, dst_v, src_t, dst_t, r0b, r1b,
              r2b, rows_t, acc_sh, ss0, sd0, gs0, ss1, sd1, gs1, ss2, sd2,
              gs2, st):
    cid = lax.axis_index("c")
    sid = lax.axis_index("s")
    wid = sid * NC + cid
    r0 = sid * RPT
    ebase = wid * EW
    rows = (r0b, r1b, r2b)
    ss, sd, gs = (ss0, ss1, ss2), (sd0, sd1, sd2), (gs0, gs1, gs2)

    _zero_rows(r0b, CH)
    _zero_acc(r0b, acc_sh, r0)
    plsc.subcore_barrier()

    _agg_pipe(h, src, dst, acc_sh, src_v, dst_v, rows, ss, sd, gs, ebase)
    _agg_tail(h, src, dst, acc_sh, src_t, dst_t, rows_t, st, ebase)
    plsc.subcore_barrier()
    pltpu.sync_copy(acc_sh.at[pl.ds(r0, RPT)], agg_out.at[cid, pl.ds(r0, RPT)])


_SC_SCRATCH = [
    pltpu.VMEM((K, CH), jnp.int32),
    pltpu.VMEM((K, CH), jnp.int32),
    pltpu.VMEM((TAIL,), jnp.int32),
    pltpu.VMEM((1, TAIL), jnp.int32),
    pltpu.VMEM((CH, D), jnp.float32),
    pltpu.VMEM((CH, D), jnp.float32),
    pltpu.VMEM((CH, D), jnp.float32),
    pltpu.VMEM((TAIL, D), jnp.float32),
    pltpu.VMEM_SHARED((N_PAD, D), jnp.float32),
] + [pltpu.SemaphoreType.DMA] * 10


def _make_agg_deg():
    return functools.partial(
        pl.kernel,
        mesh=plsc.VectorSubcoreMesh(**_MESH),
        out_type=[jax.ShapeDtypeStruct((NC, N_PAD, D), jnp.float32),
                  jax.ShapeDtypeStruct((NC, N_PAD, D), jnp.float32)],
        scratch_types=list(_SC_SCRATCH),
    )(_agg_deg_body)


def _make_agg():
    return functools.partial(
        pl.kernel,
        mesh=plsc.VectorSubcoreMesh(**_MESH),
        out_type=jax.ShapeDtypeStruct((NC, N_PAD, D), jnp.float32),
        scratch_types=list(_SC_SCRATCH),
    )(_agg_body)


def _logmap_body(x_ref, o_ref):
    v = x_ref[...]
    n = jnp.sqrt(jnp.sum(v * v, axis=1, keepdims=True))
    nc = jnp.clip(n, EPS, 1.0 - 1e-5)
    o_ref[...] = (0.5 * jnp.log((1.0 + nc) / (1.0 - nc))) * v / nc


def _tc_logmap(x):
    blk = 1000
    return pl.pallas_call(
        _logmap_body,
        out_shape=jax.ShapeDtypeStruct((N, D), jnp.float32),
        grid=(N // blk,),
        in_specs=[pl.BlockSpec((blk, D), lambda i: (i, 0))],
        out_specs=pl.BlockSpec((blk, D), lambda i: (i, 0)),
    )(x)


def _combine_body(agg_ref, deg_ref, w_ref, o_ref, *, last):
    a = agg_ref[0] + agg_ref[1]
    d = jnp.sum(deg_ref[...], axis=(0, 2)) * (1.0 / D)
    a = a / jnp.clip(d, 1.0, None)[:, None]
    out = jnp.dot(a, w_ref[...], preferred_element_type=jnp.float32)
    n = jnp.sqrt(jnp.sum(out * out, axis=1, keepdims=True))
    nc = jnp.clip(n, EPS, None)
    y = jnp.tanh(nc) * out / nc
    if not last:
        m = jnp.sqrt(jnp.sum(y * y, axis=1, keepdims=True))
        mc = jnp.clip(m, EPS, 1.0 - 1e-5)
        y = (0.5 * jnp.log((1.0 + mc) / (1.0 - mc))) * y / mc
    o_ref[...] = y


def _tc_combine(agg, deg, w, last):
    blk = 1024
    return pl.pallas_call(
        functools.partial(_combine_body, last=last),
        out_shape=jax.ShapeDtypeStruct((N_PAD, D), jnp.float32),
        grid=(N_PAD // blk,),
        in_specs=[
            pl.BlockSpec((NC, blk, D), lambda i: (0, i, 0)),
            pl.BlockSpec((NC, blk, D), lambda i: (0, i, 0)),
            pl.BlockSpec((D, D), lambda i: (0, 0)),
        ],
        out_specs=pl.BlockSpec((blk, D), lambda i: (i, 0)),
    )(agg, deg, w)


def kernel(x, edge_index, W0, W1):
    src = edge_index[0].astype(jnp.int32)
    dst = edge_index[1].astype(jnp.int32)
    h0 = _tc_logmap(x)
    agg1, deg = _make_agg_deg()(h0, src, dst)
    h1 = _tc_combine(agg1, deg, W0, last=False)
    agg2 = _make_agg()(h1, src, dst)
    y = _tc_combine(agg2, deg, W1, last=True)
    return y[:N]

# --- scband reference (transcript-rebuilt; emitter-appended) ---
"""Pipeline reference for scband-hyperbolic-graph-encoder-4612794876303 (READ-ONLY COPY).

The authoritative reference and input builder live on the scoring server;
editing this copy changes nothing except your own understanding.
"""

import jax, jax.numpy as jnp
import numpy as np

EPS = 1e-6

def _expmap0(v):
    n = jnp.linalg.norm(v, axis=-1, keepdims=True)
    n_c = jnp.clip(n, EPS, None)
    return jnp.tanh(n_c) * v / n_c

def _logmap0(y):
    n = jnp.linalg.norm(y, axis=-1, keepdims=True)
    n_c = jnp.clip(n, EPS, 1.0 - 1e-5)
    return jnp.arctanh(n_c) * y / n_c

N, E, D = 10000, 320000, 128

def setup_inputs(seed: int = 0):
    key = jax.random.key(seed)
    k1, k2, k3, k4 = jax.random.split(key, 4)
    # node features lie on the Poincare ball (input to logmap0 must have norm < 1)
    x = _expmap0(0.1 * jax.random.normal(k1, (N, D), dtype=jnp.float32))
    edge_index = jax.random.randint(k2, (2, E), 0, N)
    W0 = jax.random.normal(k3, (D, D), dtype=jnp.float32) * (1.0 / np.sqrt(D))
    W1 = jax.random.normal(k4, (D, D), dtype=jnp.float32) * (1.0 / np.sqrt(D))
    return {"x": x, "edge_index": edge_index, "W0": W0, "W1": W1}

def _gcn_layer(h, src, dst, W, num_nodes):
    # gather messages from source nodes, scatter-add to destination nodes, degree-normalize
    msg = jnp.take(h, src, axis=0)
    agg = jax.ops.segment_sum(msg, dst, num_segments=num_nodes)
    deg = jax.ops.segment_sum(jnp.ones((src.shape[0],), dtype=h.dtype), dst, num_segments=num_nodes)
    agg = agg / jnp.clip(deg, 1.0, None)[:, None]
    return agg @ W

def reference(x, edge_index, W0, W1):
    src = edge_index[0]
    dst = edge_index[1]
    num_nodes = x.shape[0]
    for W in (W0, W1):
        h = _logmap0(x)            # map to tangent space at origin
        out = _gcn_layer(h, src, dst, W, num_nodes)  # Euclidean GNN layer
        x = _expmap0(out)          # map back onto the Poincare ball
    return x

if __name__ == "__main__":
    import jax
    _d = setup_inputs()
    print(jax.jit(kernel)(*tuple(_d.values())))

</pallas_src>

<mosaic_0001>
#map = affine_map<(d0, d1) -> (0, 0)>
#map1 = affine_map<(d0, d1) -> (0)>
#map2 = affine_map<(d0, d1) -> (0, 0, 0)>
module attributes {stable_mosaic.version = 14 : i64} {
  func.func @_agg_deg_body(%arg0: i32, %arg1: i32, %arg2: memref<10000x128xf32, #tpu.memory_space<hbm>>, %arg3: memref<320000xi32, #tpu.memory_space<hbm>>, %arg4: memref<320000xi32, #tpu.memory_space<hbm>>, %arg5: memref<2x10240x128xf32, #tpu.memory_space<hbm>>, %arg6: memref<2x10240x128xf32, #tpu.memory_space<hbm>>, %arg7: memref<3x104xi32, #tpu.memory_space<vmem>>, %arg8: memref<3x104xi32, #tpu.memory_space<vmem>>, %arg9: memref<16xi32, #tpu.memory_space<vmem>>, %arg10: memref<1x16xi32, #tpu.memory_space<vmem>>, %arg11: memref<104x128xf32, #tpu.memory_space<vmem>>, %arg12: memref<104x128xf32, #tpu.memory_space<vmem>>, %arg13: memref<104x128xf32, #tpu.memory_space<vmem>>, %arg14: memref<16x128xf32, #tpu.memory_space<vmem>>, %arg15: memref<10240x128xf32, #tpu.memory_space<vmem_shared>>, %arg16: memref<!tpu.dma_semaphore, #tpu.memory_space<semaphore_mem>>, %arg17: memref<!tpu.dma_semaphore, #tpu.memory_space<semaphore_mem>>, %arg18: memref<!tpu.dma_semaphore, #tpu.memory_space<semaphore_mem>>, %arg19: memref<!tpu.dma_semaphore, #tpu.memory_space<semaphore_mem>>, %arg20: memref<!tpu.dma_semaphore, #tpu.memory_space<semaphore_mem>>, %arg21: memref<!tpu.dma_semaphore, #tpu.memory_space<semaphore_mem>>, %arg22: memref<!tpu.dma_semaphore, #tpu.memory_space<semaphore_mem>>, %arg23: memref<!tpu.dma_semaphore, #tpu.memory_space<semaphore_mem>>, %arg24: memref<!tpu.dma_semaphore, #tpu.memory_space<semaphore_mem>>, %arg25: memref<!tpu.dma_semaphore, #tpu.memory_space<semaphore_mem>>) attributes {dimension_semantics = [#tpu.dimension_semantics<core_parallel>, #tpu.dimension_semantics<subcore_parallel>], iteration_bounds = array<i64: 2, 16>, scalar_prefetch = 0 : i64, scratch_operands = 19 : i64, tpu.core_type = #tpu.core_type<sc_vector_subcore>, window_params = [{transform_indices = #map}, {transform_indices = #map1}, {transform_indices = #map1}, {transform_indices = #map2}, {transform_indices = #map2}]} {
    %mul3A = arith.constant 2 : i32
    %mul3A_0 = arith.muli %arg1, %mul3A : i32
    %add3A = arith.addi %mul3A_0, %arg0 : i32
    %mul3A_1 = arith.constant 640 : i32
    %mul3A_2 = arith.muli %arg1, %mul3A_1 : i32
    %mul3A_3 = arith.constant 10000 : i32
    %mul3A_4 = arith.muli %add3A, %mul3A_3 : i32
    %scan3A = arith.constant 0 : i32
    %scan3A_5 = arith.constant 0 : i32
    %scan3A_6 = arith.constant 104 : i32
    %scan3A_7 = arith.addi %scan3A_5, %scan3A_6 : i32
    %scan3A_8 = arith.constant 1 : i32
    %scan3A_9 = scf.for %scan3A_288 = %scan3A_5 to %scan3A_7 step %scan3A_8 iter_args(%scan3A_289 = %scan3A) -> (i32)  : i32 {
      %broadcast_in_dim3A = arith.constant 0.000000e+00 : f32
      %broadcast_in_dim3A_290 = vector.broadcast %broadcast_in_dim3A : f32 to vector<16xf32>
      %swap3A = arith.index_cast %scan3A_288 : i32 to index
      %swap3A_291 = arith.constant 0 : index
      %swap3A_292 = tpu.vector_load %arg11[%swap3A, %swap3A_291] {strides = array<i32>} : memref<104x128xf32, #tpu.memory_space<vmem>>, vector<1x16xf32>,
      %swap3A_293 = vector.shape_cast %swap3A_292 : vector<1x16xf32> to vector<16xf32>
      %swap3A_294 = vector.shape_cast %broadcast_in_dim3A_290 : vector<16xf32> to vector<1x16xf32>
      tpu.vector_store %arg11[%swap3A, %swap3A_291], %swap3A_294 {strides = array<i32>} : memref<104x128xf32, #tpu.memory_space<vmem>>, vector<1x16xf32>,
      %broadcast_in_dim3A_295 = arith.constant 0.000000e+00 : f32
      %broadcast_in_dim3A_296 = vector.broadcast %broadcast_in_dim3A_295 : f32 to vector<16xf32>
      %swap3A_297 = arith.index_cast %scan3A_288 : i32 to index
      %swap3A_298 = arith.constant 16 : index
      %swap3A_299 = tpu.vector_load %arg11[%swap3A_297, %swap3A_298] {strides = array<i32>} : memref<104x128xf32, #tpu.memory_space<vmem>>, vector<1x16xf32>,
      %swap3A_300 = vector.shape_cast %swap3A_299 : vector<1x16xf32> to vector<16xf32>
      %swap3A_301 = vector.shape_cast %broadcast_in_dim3A_296 : vector<16xf32> to vector<1x16xf32>
      tpu.vector_store %arg11[%swap3A_297, %swap3A_298], %swap3A_301 {strides = array<i32>} : memref<104x128xf32, #tpu.memory_space<vmem>>, vector<1x16xf32>,
      %broadcast_in_dim3A_302 = arith.constant 0.000000e+00 : f32
      %broadcast_in_dim3A_303 = vector.broadcast %broadcast_in_dim3A_302 : f32 to vector<16xf32>
      %swap3A_304 = arith.index_cast %scan3A_288 : i32 to index
      %swap3A_305 = arith.constant 32 : index
      %swap3A_306 = tpu.vector_load %arg11[%swap3A_304, %swap3A_305] {strides = array<i32>} : memref<104x128xf32, #tpu.memory_space<vmem>>, vector<1x16xf32>,
      %swap3A_307 = vector.shape_cast %swap3A_306 : vector<1x16xf32> to vector<16xf32>
      %swap3A_308 = vector.shape_cast %broadcast_in_dim3A_303 : vector<16xf32> to vector<1x16xf32>
      tpu.vector_store %arg11[%swap3A_304, %swap3A_305], %swap3A_308 {strides = array<i32>} : memref<104x128xf32, #tpu.memory_space<vmem>>, vector<1x16xf32>,
      %broadcast_in_dim3A_309 = arith.constant 0.000000e+00 : f32
      %broadcast_in_dim3A_310 = vector.broadcast %broadcast_in_dim3A_309 : f32 to vector<16xf32>
      %swap3A_311 = arith.index_cast %scan3A_288 : i32 to index
      %swap3A_312 = arith.constant 48 : index
      %swap3A_313 = tpu.vector_load %arg11[%swap3A_311, %swap3A_312] {strides = array<i32>} : memref<104x128xf32, #tpu.memory_space<vmem>>, vector<1x16xf32>,
      %swap3A_314 = vector.shape_cast %swap3A_313 : vector<1x16xf32> to vector<16xf32>
      %swap3A_315 = vector.shape_cast %broadcast_in_dim3A_310 : vector<16xf32> to vector<1x16xf32>
      tpu.vector_store %arg11[%swap3A_311, %swap3A_312], %swap3A_315 {strides = array<i32>} : memref<104x128xf32, #tpu.memory_space<vmem>>, vector<1x16xf32>,
      %broadcast_in_dim3A_316 = arith.constant 0.000000e+00 : f32
      %broadcast_in_dim3A_317 = vector.broadcast %broadcast_in_dim3A_316 : f32 to vector<16xf32>
      %swap3A_318 = arith.index_cast %scan3A_288 : i32 to index
      %swap3A_319 = arith.constant 64 : index
      %swap3A_320 = tpu.vector_load %arg11[%swap3A_318, %swap3A_319] {strides = array<i32>} : memref<104x128xf32, #tpu.memory_space<vmem>>, vector<1x16xf32>,
      %swap3A_321 = vector.shape_cast %swap3A_320 : vector<1x16xf32> to vector<16xf32>
      %swap3A_322 = vector.shape_cast %broadcast_in_dim3A_317 : vector<16xf32> to vector<1x16xf32>
      tpu.vector_store %arg11[%swap3A_318, %swap3A_319], %swap3A_322 {strides = array<i32>} : memref<104x128xf32, #tpu.memory_space<vmem>>, vector<1x16xf32>,
      %broadcast_in_dim3A_323 = arith.constant 0.000000e+00 : f32
      %broadcast_in_dim3A_324 = vector.broadcast %broadcast_in_dim3A_323 : f32 to vector<16xf32>
      %swap3A_325 = arith.index_cast %scan3A_288 : i32 to index
      %swap3A_326 = arith.constant 80 : index
      %swap3A_327 = tpu.vector_load %arg11[%swap3A_325, %swap3A_326] {strides = array<i32>} : memref<104x128xf32, #tpu.memory_space<vmem>>, vector<1x16xf32>,
      %swap3A_328 = vector.shape_cast %swap3A_327 : vector<1x16xf32> to vector<16xf32>
      %swap3A_329 = vector.shape_cast %broadcast_in_dim3A_324 : vector<16xf32> to vector<1x16xf32>
      tpu.vector_store %arg11[%swap3A_325, %swap3A_326], %swap3A_329 {strides = array<i32>} : memref<104x128xf32, #tpu.memory_space<vmem>>, vector<1x16xf32>,
      %broadcast_in_dim3A_330 = arith.constant 0.000000e+00 : f32
      %broadcast_in_dim3A_331 = vector.broadcast %broadcast_in_dim3A_330 : f32 to vector<16xf32>
      %swap3A_332 = arith.index_cast %scan3A_288 : i32 to index
      %swap3A_333 = arith.constant 96 : index
      %swap3A_334 = tpu.vector_load %arg11[%swap3A_332, %swap3A_333] {strides = array<i32>} : memref<104x128xf32, #tpu.memory_space<vmem>>, vector<1x16xf32>,
      %swap3A_335 = vector.shape_cast %swap3A_334 : vector<1x16xf32> to vector<16xf32>
      %swap3A_336 = vector.shape_cast %broadcast_in_dim3A_331 : vector<16xf32> to vector<1x16xf32>
      tpu.vector_store %arg11[%swap3A_332, %swap3A_333], %swap3A_336 {strides = array<i32>} : memref<104x128xf32, #tpu.memory_space<vmem>>, vector<1x16xf32>,
      %broadcast_in_dim3A_337 = arith.constant 0.000000e+00 : f32
      %broadcast_in_dim3A_338 = vector.broadcast %broadcast_in_dim3A_337 : f32 to vector<16xf32>
      %swap3A_339 = arith.index_cast %scan3A_288 : i32 to index
      %swap3A_340 = arith.constant 112 : index
      %swap3A_341 = tpu.vector_load %arg11[%swap3A_339, %swap3A_340] {strides = array<i32>} : memref<104x128xf32, #tpu.memory_space<vmem>>, vector<1x16xf32>,
      %swap3A_342 = vector.shape_cast %swap3A_341 : vector<1x16xf32> to vector<16xf32>
      %swap3A_343 = vector.shape_cast %broadcast_in_dim3A_338 : vector<16xf32> to vector<1x16xf32>
      tpu.vector_store %arg11[%swap3A_339, %swap3A_340], %swap3A_343 {strides = array<i32>} : memref<104x128xf32, #tpu.memory_space<vmem>>, vector<1x16xf32>,
      %scan3A_344 = arith.constant 0 : i32
      scf.yield %scan3A_344 : i32
    }
    %scan3A_10 = arith.constant 104 : i32
    %scan3A_11 = arith.constant 0 : i32
    %scan3A_12 = arith.constant 0 : i32
    %scan3A_13 = arith.constant 6 : i32
    %scan3A_14 = arith.addi %scan3A_12, %scan3A_13 : i32
    %scan3A_15 = arith.constant 1 : i32
    %scan3A_16 = scf.for %scan3A_288 = %scan3A_12 to %scan3A_14 step %scan3A_15 iter_args(%scan3A_289 = %scan3A_11) -> (i32)  : i32 {
      %mul3A_290 = arith.constant 104 : i32
      %mul3A_291 = arith.muli %scan3A_288, %mul3A_290 : i32
      %add3A_292 = arith.addi %mul3A_2, %mul3A_291 : i32
      "tpu.region"() ({
        %run_scoped3A_294 = tpu.sem_alloc : memref<!tpu.dma_semaphore, #tpu.memory_space<semaphore_mem>>
        %dma_start3A_295 = arith.constant 0 : i32
        %dma_start3A_296 = tpu.memref_slice %arg15[%add3A_292, %dma_start3A_295] : memref<10240x128xf32, #tpu.memory_space<vmem_shared>> -> memref<104x128xf32, #tpu.memory_space<vmem_shared>>
        %dma_start3A_297 = arith.constant 0 : i32
        %dma_start3A_298 = tpu.memref_slice %arg15[%add3A_292, %dma_start3A_297] : memref<10240x128xf32, #tpu.memory_space<vmem_shared>> -> memref<104x128xf32, #tpu.memory_space<vmem_shared>>
        tpu.enqueue_dma source(%arg11 : memref<104x128xf32, #tpu.memory_space<vmem>>) target(%dma_start3A_298 : memref<104x128xf32, #tpu.memory_space<vmem_shared>>) target_semaphore(%run_scoped3A_294 : memref<!tpu.dma_semaphore, #tpu.memory_space<semaphore_mem>>)
        %dma_wait3A_299 = arith.constant 0 : i32
        %dma_wait3A_300 = tpu.memref_slice %arg15[%add3A_292, %dma_wait3A_299] : memref<10240x128xf32, #tpu.memory_space<vmem_shared>> -> memref<104x128xf32, #tpu.memory_space<vmem_shared>>
        %dma_wait3A_301 = arith.constant 0 : i32
        %dma_wait3A_302 = tpu.memref_slice %arg15[%add3A_292, %dma_wait3A_301] : memref<10240x128xf32, #tpu.memory_space<vmem_shared>> -> memref<104x128xf32, #tpu.memory_space<vmem_shared>>
        tpu.wait_dma2 semaphore(%run_scoped3A_294 : memref<!tpu.dma_semaphore, #tpu.memory_space<semaphore_mem>>) src(%arg11 : memref<104x128xf32, #tpu.memory_space<vmem>>) dst(%dma_wait3A_302 : memref<104x128xf32, #tpu.memory_space<vmem_shared>>)
        tpu.yield
      }) : () -> ()
      %scan3A_293 = arith.constant 0 : i32
      scf.yield %scan3A_293 : i32
    }
    %scan3A_17 = arith.constant 6 : i32
    %add3A_18 = arith.constant 624 : i32
    %add3A_19 = arith.addi %mul3A_2, %add3A_18 : i32
    "tpu.region"() ({
      %run_scoped3A_288 = tpu.sem_alloc : memref<!tpu.dma_semaphore, #tpu.memory_space<semaphore_mem>>
      %dma_start3A_289 = arith.constant 0 : i32
      %dma_start3A_290 = arith.constant 0 : i32
      %dma_start3A_291 = tpu.memref_slice %arg11[%dma_start3A_289, %dma_start3A_290] : memref<104x128xf32, #tpu.memory_space<vmem>> -> memref<16x128xf32, #tpu.memory_space<vmem>>
      %dma_start3A_292 = arith.constant 0 : i32
      %dma_start3A_293 = tpu.memref_slice %arg15[%add3A_19, %dma_start3A_292] : memref<10240x128xf32, #tpu.memory_space<vmem_shared>> -> memref<16x128xf32, #tpu.memory_space<vmem_shared>>
      %dma_start3A_294 = arith.constant 0 : i32
      %dma_start3A_295 = tpu.memref_slice %arg15[%add3A_19, %dma_start3A_294] : memref<10240x128xf32, #tpu.memory_space<vmem_shared>> -> memref<16x128xf32, #tpu.memory_space<vmem_shared>>
      %dma_start3A_296 = arith.constant 0 : i32
      %dma_start3A_297 = arith.constant 0 : i32
      %dma_start3A_298 = tpu.memref_slice %arg11[%dma_start3A_296, %dma_start3A_297] : memref<104x128xf32, #tpu.memory_space<vmem>> -> memref<16x128xf32, #tpu.memory_space<vmem>>
      tpu.enqueue_dma source(%dma_start3A_298 : memref<16x128xf32, #tpu.memory_space<vmem>>) target(%dma_start3A_295 : memref<16x128xf32, #tpu.memory_space<vmem_shared>>) target_semaphore(%run_scoped3A_288 : memref<!tpu.dma_semaphore, #tpu.memory_space<semaphore_mem>>)
      %dma_wait3A_299 = arith.constant 0 : i32
      %dma_wait3A_300 = arith.constant 0 : i32
      %dma_wait3A_301 = tpu.memref_slice %arg11[%dma_wait3A_299, %dma_wait3A_300] : memref<104x128xf32, #tpu.memory_space<vmem>> -> memref<16x128xf32, #tpu.memory_space<vmem>>
      %dma_wait3A_302 = arith.constant 0 : i32
      %dma_wait3A_303 = tpu.memref_slice %arg15[%add3A_19, %dma_wait3A_302] : memref<10240x128xf32, #tpu.memory_space<vmem_shared>> -> memref<16x128xf32, #tpu.memory_space<vmem_shared>>
      %dma_wait3A_304 = arith.constant 0 : i32
      %dma_wait3A_305 = tpu.memref_slice %arg15[%add3A_19, %dma_wait3A_304] : memref<10240x128xf32, #tpu.memory_space<vmem_shared>> -> memref<16x128xf32, #tpu.memory_space<vmem_shared>>
      %dma_wait3A_306 = arith.constant 0 : i32
      %dma_wait3A_307 = arith.constant 0 : i32
      %dma_wait3A_308 = tpu.memref_slice %arg11[%dma_wait3A_306, %dma_wait3A_307] : memref<104x128xf32, #tpu.memory_space<vmem>> -> memref<16x128xf32, #tpu.memory_space<vmem>>
      tpu.wait_dma2 semaphore(%run_scoped3A_288 : memref<!tpu.dma_semaphore, #tpu.memory_space<semaphore_mem>>) src(%dma_wait3A_308 : memref<16x128xf32, #tpu.memory_space<vmem>>) dst(%dma_wait3A_305 : memref<16x128xf32, #tpu.memory_space<vmem_shared>>)
      tpu.yield
    }) : () -> ()
    %scan3A_20 = arith.constant 0 : i32
    %scan3A_21 = arith.constant 0 : i32
    %scan3A_22 = arith.constant 104 : i32
    %scan3A_23 = arith.addi %scan3A_21, %scan3A_22 : i32
    %scan3A_24 = arith.constant 1 : i32
    %scan3A_25 = scf.for %scan3A_288 = %scan3A_21 to %scan3A_23 step %scan3A_24 iter_args(%scan3A_289 = %scan3A_20) -> (i32)  : i32 {
      %broadcast_in_dim3A = arith.constant 1.000000e+00 : f32
      %broadcast_in_dim3A_290 = vector.broadcast %broadcast_in_dim3A : f32 to vector<16xf32>
      %swap3A = arith.index_cast %scan3A_288 : i32 to index
      %swap3A_291 = arith.constant 0 : index
      %swap3A_292 = tpu.vector_load %arg11[%swap3A, %swap3A_291] {strides = array<i32>} : memref<104x128xf32, #tpu.memory_space<vmem>>, vector<1x16xf32>,
      %swap3A_293 = vector.shape_cast %swap3A_292 : vector<1x16xf32> to vector<16xf32>
      %swap3A_294 = vector.shape_cast %broadcast_in_dim3A_290 : vector<16xf32> to vector<1x16xf32>
      tpu.vector_store %arg11[%swap3A, %swap3A_291], %swap3A_294 {strides = array<i32>} : memref<104x128xf32, #tpu.memory_space<vmem>>, vector<1x16xf32>,
      %broadcast_in_dim3A_295 = arith.constant 1.000000e+00 : f32
      %broadcast_in_dim3A_296 = vector.broadcast %broadcast_in_dim3A_295 : f32 to vector<16xf32>
      %swap3A_297 = arith.index_cast %scan3A_288 : i32 to index
      %swap3A_298 = arith.constant 16 : index
      %swap3A_299 = tpu.vector_load %arg11[%swap3A_297, %swap3A_298] {strides = array<i32>} : memref<104x128xf32, #tpu.memory_space<vmem>>, vector<1x16xf32>,
      %swap3A_300 = vector.shape_cast %swap3A_299 : vector<1x16xf32> to vector<16xf32>
      %swap3A_301 = vector.shape_cast %broadcast_in_dim3A_296 : vector<16xf32> to vector<1x16xf32>
      tpu.vector_store %arg11[%swap3A_297, %swap3A_298], %swap3A_301 {strides = array<i32>} : memref<104x128xf32, #tpu.memory_space<vmem>>, vector<1x16xf32>,
      %broadcast_in_dim3A_302 = arith.constant 1.000000e+00 : f32
      %broadcast_in_dim3A_303 = vector.broadcast %broadcast_in_dim3A_302 : f32 to vector<16xf32>
      %swap3A_304 = arith.index_cast %scan3A_288 : i32 to index
      %swap3A_305 = arith.constant 32 : index
      %swap3A_306 = tpu.vector_load %arg11[%swap3A_304, %swap3A_305] {strides = array<i32>} : memref<104x128xf32, #tpu.memory_space<vmem>>, vector<1x16xf32>,
      %swap3A_307 = vector.shape_cast %swap3A_306 : vector<1x16xf32> to vector<16xf32>
      %swap3A_308 = vector.shape_cast %broadcast_in_dim3A_303 : vector<16xf32> to vector<1x16xf32>
      tpu.vector_store %arg11[%swap3A_304, %swap3A_305], %swap3A_308 {strides = array<i32>} : memref<104x128xf32, #tpu.memory_space<vmem>>, vector<1x16xf32>,
      %broadcast_in_dim3A_309 = arith.constant 1.000000e+00 : f32
      %broadcast_in_dim3A_310 = vector.broadcast %broadcast_in_dim3A_309 : f32 to vector<16xf32>
      %swap3A_311 = arith.index_cast %scan3A_288 : i32 to index
      %swap3A_312 = arith.constant 48 : index
      %swap3A_313 = tpu.vector_load %arg11[%swap3A_311, %swap3A_312] {strides = array<i32>} : memref<104x128xf32, #tpu.memory_space<vmem>>, vector<1x16xf32>,
      %swap3A_314 = vector.shape_cast %swap3A_313 : vector<1x16xf32> to vector<16xf32>
      %swap3A_315 = vector.shape_cast %broadcast_in_dim3A_310 : vector<16xf32> to vector<1x16xf32>
      tpu.vector_store %arg11[%swap3A_311, %swap3A_312], %swap3A_315 {strides = array<i32>} : memref<104x128xf32, #tpu.memory_space<vmem>>, vector<1x16xf32>,
      %broadcast_in_dim3A_316 = arith.constant 1.000000e+00 : f32
      %broadcast_in_dim3A_317 = vector.broadcast %broadcast_in_dim3A_316 : f32 to vector<16xf32>
      %swap3A_318 = arith.index_cast %scan3A_288 : i32 to index
      %swap3A_319 = arith.constant 64 : index
      %swap3A_320 = tpu.vector_load %arg11[%swap3A_318, %swap3A_319] {strides = array<i32>} : memref<104x128xf32, #tpu.memory_space<vmem>>, vector<1x16xf32>,
      %swap3A_321 = vector.shape_cast %swap3A_320 : vector<1x16xf32> to vector<16xf32>
      %swap3A_322 = vector.shape_cast %broadcast_in_dim3A_317 : vector<16xf32> to vector<1x16xf32>
      tpu.vector_store %arg11[%swap3A_318, %swap3A_319], %swap3A_322 {strides = array<i32>} : memref<104x128xf32, #tpu.memory_space<vmem>>, vector<1x16xf32>,
      %broadcast_in_dim3A_323 = arith.constant 1.000000e+00 : f32
      %broadcast_in_dim3A_324 = vector.broadcast %broadcast_in_dim3A_323 : f32 to vector<16xf32>
      %swap3A_325 = arith.index_cast %scan3A_288 : i32 to index
      %swap3A_326 = arith.constant 80 : index
      %swap3A_327 = tpu.vector_load %arg11[%swap3A_325, %swap3A_326] {strides = array<i32>} : memref<104x128xf32, #tpu.memory_space<vmem>>, vector<1x16xf32>,
      %swap3A_328 = vector.shape_cast %swap3A_327 : vector<1x16xf32> to vector<16xf32>
      %swap3A_329 = vector.shape_cast %broadcast_in_dim3A_324 : vector<16xf32> to vector<1x16xf32>
      tpu.vector_store %arg11[%swap3A_325, %swap3A_326], %swap3A_329 {strides = array<i32>} : memref<104x128xf32, #tpu.memory_space<vmem>>, vector<1x16xf32>,
      %broadcast_in_dim3A_330 = arith.constant 1.000000e+00 : f32
      %broadcast_in_dim3A_331 = vector.broadcast %broadcast_in_dim3A_330 : f32 to vector<16xf32>
      %swap3A_332 = arith.index_cast %scan3A_288 : i32 to index
      %swap3A_333 = arith.constant 96 : index
      %swap3A_334 = tpu.vector_load %arg11[%swap3A_332, %swap3A_333] {strides = array<i32>} : memref<104x128xf32, #tpu.memory_space<vmem>>, vector<1x16xf32>,
      %swap3A_335 = vector.shape_cast %swap3A_334 : vector<1x16xf32> to vector<16xf32>
      %swap3A_336 = vector.shape_cast %broadcast_in_dim3A_331 : vector<16xf32> to vector<1x16xf32>
      tpu.vector_store %arg11[%swap3A_332, %swap3A_333], %swap3A_336 {strides = array<i32>} : memref<104x128xf32, #tpu.memory_space<vmem>>, vector<1x16xf32>,
      %broadcast_in_dim3A_337 = arith.constant 1.000000e+00 : f32
      %broadcast_in_dim3A_338 = vector.broadcast %broadcast_in_dim3A_337 : f32 to vector<16xf32>
      %swap3A_339 = arith.index_cast %scan3A_288 : i32 to index
      %swap3A_340 = arith.constant 112 : index
      %swap3A_341 = tpu.vector_load %arg11[%swap3A_339, %swap3A_340] {strides = array<i32>} : memref<104x128xf32, #tpu.memory_space<vmem>>, vector<1x16xf32>,
      %swap3A_342 = vector.shape_cast %swap3A_341 : vector<1x16xf32> to vector<16xf32>
      %swap3A_343 = vector.shape_cast %broadcast_in_dim3A_338 : vector<16xf32> to vector<1x16xf32>
      tpu.vector_store %arg11[%swap3A_339, %swap3A_340], %swap3A_343 {strides = array<i32>} : memref<104x128xf32, #tpu.memory_space<vmem>>, vector<1x16xf32>,
      %scan3A_344 = arith.constant 0 : i32
      scf.yield %scan3A_344 : i32
    }
    %scan3A_26 = arith.constant 104 : i32
    %barrier3A = arith.constant 0 : index
    tpu.barrier barrier_id(%barrier3A)
    %add3A_27 = arith.constant 0 : i32
    %add3A_28 = arith.addi %mul3A_4, %add3A_27 : i32
    %dma_start3A = arith.constant 0 : i32
    %dma_start3A_29 = arith.constant 0 : i32
    %dma_start3A_30 = tpu.memref_slice %arg8[%dma_start3A, %dma_start3A_29] : memref<3x104xi32, #tpu.memory_space<vmem>> -> memref<1x104xi32, #tpu.memory_space<vmem>>
    %dma_start3A_31 = tpu.memref_squeeze %dma_start3A_30 : memref<1x104xi32, #tpu.memory_space<vmem>> -> memref<104xi32, #tpu.memory_space<vmem>>
    %dma_start3A_32 = tpu.memref_slice %arg4[%add3A_28] : memref<320000xi32, #tpu.memory_space<hbm>> -> memref<104xi32, #tpu.memory_space<hbm>>
    %dma_start3A_33 = arith.constant 0 : i32
    %dma_start3A_34 = tpu.memref_slice %arg8[%dma_start3A, %dma_start3A_33] : memref<3x104xi32, #tpu.memory_space<vmem>> -> memref<1x104xi32, #tpu.memory_space<vmem>>
    %dma_start3A_35 = tpu.memref_squeeze %dma_start3A_34 : memref<1x104xi32, #tpu.memory_space<vmem>> -> memref<104xi32, #tpu.memory_space<vmem>>
    %dma_start3A_36 = tpu.memref_slice %arg4[%add3A_28] : memref<320000xi32, #tpu.memory_space<hbm>> -> memref<104xi32, #tpu.memory_space<hbm>>
    tpu.enqueue_dma source(%dma_start3A_36 : memref<104xi32, #tpu.memory_space<hbm>>) target(%dma_start3A_35 : memref<104xi32, #tpu.memory_space<vmem>>) target_semaphore(%arg17 : memref<!tpu.dma_semaphore, #tpu.memory_space<semaphore_mem>>)
    %add3A_37 = arith.constant 104 : i32
    %add3A_38 = arith.addi %mul3A_4, %add3A_37 : i32
    %dma_start3A_39 = arith.constant 1 : i32
    %dma_start3A_40 = arith.constant 0 : i32
    %dma_start3A_41 = tpu.memref_slice %arg8[%dma_start3A_39, %dma_start3A_40] : memref<3x104xi32, #tpu.memory_space<vmem>> -> memref<1x104xi32, #tpu.memory_space<vmem>>
    %dma_start3A_42 = tpu.memref_squeeze %dma_start3A_41 : memref<1x104xi32, #tpu.memory_space<vmem>> -> memref<104xi32, #tpu.memory_space<vmem>>
    %dma_start3A_43 = tpu.memref_slice %arg4[%add3A_38] : memref<320000xi32, #tpu.memory_space<hbm>> -> memref<104xi32, #tpu.memory_space<hbm>>
    %dma_start3A_44 = arith.constant 0 : i32
    %dma_start3A_45 = tpu.memref_slice %arg8[%dma_start3A_39, %dma_start3A_44] : memref<3x104xi32, #tpu.memory_space<vmem>> -> memref<1x104xi32, #tpu.memory_space<vmem>>
    %dma_start3A_46 = tpu.memref_squeeze %dma_start3A_45 : memref<1x104xi32, #tpu.memory_space<vmem>> -> memref<104xi32, #tpu.memory_space<vmem>>
    %dma_start3A_47 = tpu.memref_slice %arg4[%add3A_38] : memref<320000xi32, #tpu.memory_space<hbm>> -> memref<104xi32, #tpu.memory_space<hbm>>
    tpu.enqueue_dma source(%dma_start3A_47 : memref<104xi32, #tpu.memory_space<hbm>>) target(%dma_start3A_46 : memref<104xi32, #tpu.memory_space<vmem>>) target_semaphore(%arg20 : memref<!tpu.dma_semaphore, #tpu.memory_space<semaphore_mem>>)
    %scan3A_48 = arith.constant 0 : i32
    %scan3A_49 = arith.constant 0 : i32
    %scan3A_50 = arith.constant 47 : i32
    %scan3A_51 = arith.addi %scan3A_49, %scan3A_50 : i32
    %scan3A_52 = arith.constant 1 : i32
    %scan3A_53 = scf.for %scan3A_288 = %scan3A_49 to %scan3A_51 step %scan3A_52 iter_args(%scan3A_289 = %scan3A_48) -> (i32)  : i32 {
      %mul3A_290 = arith.constant 2 : i32
      %mul3A_291 = arith.muli %mul3A_290, %scan3A_288 : i32
      %dma_wait3A_292 = arith.constant 0 : i32
      %dma_wait3A_293 = arith.constant 0 : i32
      %dma_wait3A_294 = tpu.memref_slice %arg8[%dma_wait3A_292, %dma_wait3A_293] : memref<3x104xi32, #tpu.memory_space<vmem>> -> memref<1x104xi32, #tpu.memory_space<vmem>>
      %dma_wait3A_295 = tpu.memref_squeeze %dma_wait3A_294 : memref<1x104xi32, #tpu.memory_space<vmem>> -> memref<104xi32, #tpu.memory_space<vmem>>
      %dma_wait3A_296 = arith.constant 0 : i32
      %dma_wait3A_297 = tpu.memref_slice %arg4[%dma_wait3A_296] : memref<320000xi32, #tpu.memory_space<hbm>> -> memref<104xi32, #tpu.memory_space<hbm>>
      %dma_wait3A_298 = arith.constant 0 : i32
      %dma_wait3A_299 = tpu.memref_slice %arg8[%dma_wait3A_292, %dma_wait3A_298] : memref<3x104xi32, #tpu.memory_space<vmem>> -> memref<1x104xi32, #tpu.memory_space<vmem>>
      %dma_wait3A_300 = tpu.memref_squeeze %dma_wait3A_299 : memref<1x104xi32, #tpu.memory_space<vmem>> -> memref<104xi32, #tpu.memory_space<vmem>>
      %dma_wait3A_301 = arith.constant 0 : i32
      %dma_wait3A_302 = tpu.memref_slice %arg4[%dma_wait3A_301] : memref<320000xi32, #tpu.memory_space<hbm>> -> memref<104xi32, #tpu.memory_space<hbm>>
      tpu.wait_dma2 semaphore(%arg17 : memref<!tpu.dma_semaphore, #tpu.memory_space<semaphore_mem>>) src(%dma_wait3A_302 : memref<104xi32, #tpu.memory_space<hbm>>) dst(%dma_wait3A_300 : memref<104xi32, #tpu.memory_space<vmem>>)
      %run_scoped3A_303 = arith.constant 0 : i32
      "tpu.region"() ({
        %run_scoped3A_345 = tpu.sem_alloc : memref<!tpu.dma_semaphore, #tpu.memory_space<semaphore_mem>>
        %dma_start3A_346 = arith.constant 0 : i32
        %dma_start3A_347 = tpu.memref_slice %arg8[%run_scoped3A_303, %dma_start3A_346] : memref<3x104xi32, #tpu.memory_space<vmem>> -> memref<1x104xi32, #tpu.memory_space<vmem>>
        %dma_start3A_348 = tpu.memref_squeeze %dma_start3A_347 : memref<1x104xi32, #tpu.memory_space<vmem>> -> memref<104xi32, #tpu.memory_space<vmem>>
        %dma_start3A_349 = arith.constant 0 : i32
        %dma_start3A_350 = arith.constant 0 : i32
        %dma_start3A_351 = tpu.memref_slice %arg15[%dma_start3A_349, %dma_start3A_350] : memref<10240x128xf32, #tpu.memory_space<vmem_shared>> -> memref<10240x128xf32, #tpu.memory_space<vmem_shared>>
        tpu.enqueue_indirect_dma source(%arg11 : memref<104x128xf32, #tpu.memory_space<vmem>>) target(%dma_start3A_351 : memref<10240x128xf32, #tpu.memory_space<vmem_shared>>) offsets(%dma_start3A_348 : memref<104xi32, #tpu.memory_space<vmem>>) semaphore(%run_scoped3A_345 : memref<!tpu.dma_semaphore, #tpu.memory_space<semaphore_mem>>) {add = true}
        %dma_wait3A_352 = arith.constant 0 : i32
        %dma_wait3A_353 = tpu.memref_slice %arg8[%run_scoped3A_303, %dma_wait3A_352] : memref<3x104xi32, #tpu.memory_space<vmem>> -> memref<1x104xi32, #tpu.memory_space<vmem>>
        %dma_wait3A_354 = tpu.memref_squeeze %dma_wait3A_353 : memref<1x104xi32, #tpu.memory_space<vmem>> -> memref<104xi32, #tpu.memory_space<vmem>>
        %dma_wait3A_355 = arith.constant 0 : i32
        %dma_wait3A_356 = arith.constant 0 : i32
        %dma_wait3A_357 = tpu.memref_slice %arg15[%dma_wait3A_355, %dma_wait3A_356] : memref<10240x128xf32, #tpu.memory_space<vmem_shared>> -> memref<10240x128xf32, #tpu.memory_space<vmem_shared>>
        tpu.wait_indirect_dma semaphore(%run_scoped3A_345 : memref<!tpu.dma_semaphore, #tpu.memory_space<semaphore_mem>>) src(%arg11 : memref<104x128xf32, #tpu.memory_space<vmem>>) dst(%dma_wait3A_357 : memref<10240x128xf32, #tpu.memory_space<vmem_shared>>)
        tpu.yield
      }) : () -> ()
      %add3A_304 = arith.constant 2 : i32
      %add3A_305 = arith.addi %mul3A_291, %add3A_304 : i32
      %mul3A_306 = arith.constant 104 : i32
      %mul3A_307 = arith.muli %add3A_305, %mul3A_306 : i32
      %add3A_308 = arith.addi %mul3A_4, %mul3A_307 : i32
      %dma_start3A_309 = arith.constant 0 : i32
      %dma_start3A_310 = arith.constant 0 : i32
      %dma_start3A_311 = tpu.memref_slice %arg8[%dma_start3A_309, %dma_start3A_310] : memref<3x104xi32, #tpu.memory_space<vmem>> -> memref<1x104xi32, #tpu.memory_space<vmem>>
      %dma_start3A_312 = tpu.memref_squeeze %dma_start3A_311 : memref<1x104xi32, #tpu.memory_space<vmem>> -> memref<104xi32, #tpu.memory_space<vmem>>
      %dma_start3A_313 = tpu.memref_slice %arg4[%add3A_308] : memref<320000xi32, #tpu.memory_space<hbm>> -> memref<104xi32, #tpu.memory_space<hbm>>
      %dma_start3A_314 = arith.constant 0 : i32
      %dma_start3A_315 = tpu.memref_slice %arg8[%dma_start3A_309, %dma_start3A_314] : memref<3x104xi32, #tpu.memory_space<vmem>> -> memref<1x104xi32, #tpu.memory_space<vmem>>
      %dma_start3A_316 = tpu.memref_squeeze %dma_start3A_315 : memref<1x104xi32, #tpu.memory_space<vmem>> -> memref<104xi32, #tpu.memory_space<vmem>>
      %dma_start3A_317 = tpu.memref_slice %arg4[%add3A_308] : memref<320000xi32, #tpu.memory_space<hbm>> -> memref<104xi32, #tpu.memory_space<hbm>>
      tpu.enqueue_dma source(%dma_start3A_317 : memref<104xi32, #tpu.memory_space<hbm>>) target(%dma_start3A_316 : memref<104xi32, #tpu.memory_space<vmem>>) target_semaphore(%arg17 : memref<!tpu.dma_semaphore, #tpu.memory_space<semaphore_mem>>)
      %dma_wait3A_318 = arith.constant 1 : i32
      %dma_wait3A_319 = arith.constant 0 : i32
      %dma_wait3A_320 = tpu.memref_slice %arg8[%dma_wait3A_318, %dma_wait3A_319] : memref<3x104xi32, #tpu.memory_space<vmem>> -> memref<1x104xi32, #tpu.memory_space<vmem>>
      %dma_wait3A_321 = tpu.memref_squeeze %dma_wait3A_320 : memref<1x104xi32, #tpu.memory_space<vmem>> -> memref<104xi32, #tpu.memory_space<vmem>>
      %dma_wait3A_322 = arith.constant 0 : i32
      %dma_wait3A_323 = tpu.memref_slice %arg4[%dma_wait3A_322] : memref<320000xi32, #tpu.memory_space<hbm>> -> memref<104xi32, #tpu.memory_space<hbm>>
      %dma_wait3A_324 = arith.constant 0 : i32
      %dma_wait3A_325 = tpu.memref_slice %arg8[%dma_wait3A_318, %dma_wait3A_324] : memref<3x104xi32, #tpu.memory_space<vmem>> -> memref<1x104xi32, #tpu.memory_space<vmem>>
      %dma_wait3A_326 = tpu.memref_squeeze %dma_wait3A_325 : memref<1x104xi32, #tpu.memory_space<vmem>> -> memref<104xi32, #tpu.memory_space<vmem>>
      %dma_wait3A_327 = arith.constant 0 : i32
      %dma_wait3A_328 = tpu.memref_slice %arg4[%dma_wait3A_327] : memref<320000xi32, #tpu.memory_space<hbm>> -> memref<104xi32, #tpu.memory_space<hbm>>
      tpu.wait_dma2 semaphore(%arg20 : memref<!tpu.dma_semaphore, #tpu.memory_space<semaphore_mem>>) src(%dma_wait3A_328 : memref<104xi32, #tpu.memory_space<hbm>>) dst(%dma_wait3A_326 : memref<104xi32, #tpu.memory_space<vmem>>)
      %run_scoped3A_329 = arith.constant 1 : i32
      "tpu.region"() ({
        %run_scoped3A_345 = tpu.sem_alloc : memref<!tpu.dma_semaphore, #tpu.memory_space<semaphore_mem>>
        %dma_start3A_346 = arith.constant 0 : i32
        %dma_start3A_347 = tpu.memref_slice %arg8[%run_scoped3A_329, %dma_start3A_346] : memref<3x104xi32, #tpu.memory_space<vmem>> -> memref<1x104xi32, #tpu.memory_space<vmem>>
        %dma_start3A_348 = tpu.memref_squeeze %dma_start3A_347 : memref<1x104xi32, #tpu.memory_space<vmem>> -> memref<104xi32, #tpu.memory_space<vmem>>
        %dma_start3A_349 = arith.constant 0 : i32
        %dma_start3A_350 = arith.constant 0 : i32
        %dma_start3A_351 = tpu.memref_slice %arg15[%dma_start3A_349, %dma_start3A_350] : memref<10240x128xf32, #tpu.memory_space<vmem_shared>> -> memref<10240x128xf32, #tpu.memory_space<vmem_shared>>
        tpu.enqueue_indirect_dma source(%arg11 : memref<104x128xf32, #tpu.memory_space<vmem>>) target(%dma_start3A_351 : memref<10240x128xf32, #tpu.memory_space<vmem_shared>>) offsets(%dma_start3A_348 : memref<104xi32, #tpu.memory_space<vmem>>) semaphore(%run_scoped3A_345 : memref<!tpu.dma_semaphore, #tpu.memory_space<semaphore_mem>>) {add = true}
        %dma_wait3A_352 = arith.constant 0 : i32
        %dma_wait3A_353 = tpu.memref_slice %arg8[%run_scoped3A_329, %dma_wait3A_352] : memref<3x104xi32, #tpu.memory_space<vmem>> -> memref<1x104xi32, #tpu.memory_space<vmem>>
        %dma_wait3A_354 = tpu.memref_squeeze %dma_wait3A_353 : memref<1x104xi32, #tpu.memory_space<vmem>> -> memref<104xi32, #tpu.memory_space<vmem>>
        %dma_wait3A_355 = arith.constant 0 : i32
        %dma_wait3A_356 = arith.constant 0 : i32
        %dma_wait3A_357 = tpu.memref_slice %arg15[%dma_wait3A_355, %dma_wait3A_356] : memref<10240x128xf32, #tpu.memory_space<vmem_shared>> -> memref<10240x128xf32, #tpu.memory_space<vmem_shared>>
        tpu.wait_indirect_dma semaphore(%run_scoped3A_345 : memref<!tpu.dma_semaphore, #tpu.memory_space<semaphore_mem>>) src(%arg11 : memref<104x128xf32, #tpu.memory_space<vmem>>) dst(%dma_wait3A_357 : memref<10240x128xf32, #tpu.memory_space<vmem_shared>>)
        tpu.yield
      }) : () -> ()
      %add3A_330 = arith.constant 3 : i32
      %add3A_331 = arith.addi %mul3A_291, %add3A_330 : i32
      %mul3A_332 = arith.constant 104 : i32
      %mul3A_333 = arith.muli %add3A_331, %mul3A_332 : i32
      %add3A_334 = arith.addi %mul3A_4, %mul3A_333 : i32
      %dma_start3A_335 = arith.constant 1 : i32
      %dma_start3A_336 = arith.constant 0 : i32
      %dma_start3A_337 = tpu.memref_slice %arg8[%dma_start3A_335, %dma_start3A_336] : memref<3x104xi32, #tpu.memory_space<vmem>> -> memref<1x104xi32, #tpu.memory_space<vmem>>
      %dma_start3A_338 = tpu.memref_squeeze %dma_start3A_337 : memref<1x104xi32, #tpu.memory_space<vmem>> -> memref<104xi32, #tpu.memory_space<vmem>>
      %dma_start3A_339 = tpu.memref_slice %arg4[%add3A_334] : memref<320000xi32, #tpu.memory_space<hbm>> -> memref<104xi32, #tpu.memory_space<hbm>>
      %dma_start3A_340 = arith.constant 0 : i32
      %dma_start3A_341 = tpu.memref_slice %arg8[%dma_start3A_335, %dma_start3A_340] : memref<3x104xi32, #tpu.memory_space<vmem>> -> memref<1x104xi32, #tpu.memory_space<vmem>>
      %dma_start3A_342 = tpu.memref_squeeze %dma_start3A_341 : memref<1x104xi32, #tpu.memory_space<vmem>> -> memref<104xi32, #tpu.memory_space<vmem>>
      %dma_start3A_343 = tpu.memref_slice %arg4[%add3A_334] : memref<320000xi32, #tpu.memory_space<hbm>> -> memref<104xi32, #tpu.memory_space<hbm>>
      tpu.enqueue_dma source(%dma_start3A_343 : memref<104xi32, #tpu.memory_space<hbm>>) target(%dma_start3A_342 : memref<104xi32, #tpu.memory_space<vmem>>) target_semaphore(%arg20 : memref<!tpu.dma_semaphore, #tpu.memory_space<semaphore_mem>>)
      %scan3A_344 = arith.constant 0 : i32
      scf.yield %scan3A_344 : i32
    }
    %scan3A_54 = arith.constant 47 : i32
    %dma_wait3A = arith.constant 0 : i32
    %dma_wait3A_55 = arith.constant 0 : i32
    %dma_wait3A_56 = tpu.memref_slice %arg8[%dma_wait3A, %dma_wait3A_55] : memref<3x104xi32, #tpu.memory_space<vmem>> -> memref<1x104xi32, #tpu.memory_space<vmem>>
    %dma_wait3A_57 = tpu.memref_squeeze %dma_wait3A_56 : memref<1x104xi32, #tpu.memory_space<vmem>> -> memref<104xi32, #tpu.memory_space<vmem>>
    %dma_wait3A_58 = arith.constant 0 : i32
    %dma_wait3A_59 = tpu.memref_slice %arg4[%dma_wait3A_58] : memref<320000xi32, #tpu.memory_space<hbm>> -> memref<104xi32, #tpu.memory_space<hbm>>
    %dma_wait3A_60 = arith.constant 0 : i32
    %dma_wait3A_61 = tpu.memref_slice %arg8[%dma_wait3A, %dma_wait3A_60] : memref<3x104xi32, #tpu.memory_space<vmem>> -> memref<1x104xi32, #tpu.memory_space<vmem>>
    %dma_wait3A_62 = tpu.memref_squeeze %dma_wait3A_61 : memref<1x104xi32, #tpu.memory_space<vmem>> -> memref<104xi32, #tpu.memory_space<vmem>>
    %dma_wait3A_63 = arith.constant 0 : i32
    %dma_wait3A_64 = tpu.memref_slice %arg4[%dma_wait3A_63] : memref<320000xi32, #tpu.memory_space<hbm>> -> memref<104xi32, #tpu.memory_space<hbm>>
    tpu.wait_dma2 semaphore(%arg17 : memref<!tpu.dma_semaphore, #tpu.memory_space<semaphore_mem>>) src(%dma_wait3A_64 : memref<104xi32, #tpu.memory_space<hbm>>) dst(%dma_wait3A_62 : memref<104xi32, #tpu.memory_space<vmem>>)
    %run_scoped3A = arith.constant 0 : i32
    "tpu.region"() ({
      %run_scoped3A_288 = tpu.sem_alloc : memref<!tpu.dma_semaphore, #tpu.memory_space<semaphore_mem>>
      %dma_start3A_289 = arith.constant 0 : i32
      %dma_start3A_290 = tpu.memref_slice %arg8[%run_scoped3A, %dma_start3A_289] : memref<3x104xi32, #tpu.memory_space<vmem>> -> memref<1x104xi32, #tpu.memory_space<vmem>>
      %dma_start3A_291 = tpu.memref_squeeze %dma_start3A_290 : memref<1x104xi32, #tpu.memory_space<vmem>> -> memref<104xi32, #tpu.memory_space<vmem>>
      %dma_start3A_292 = arith.constant 0 : i32
      %dma_start3A_293 = arith.constant 0 : i32
      %dma_start3A_294 = tpu.memref_slice %arg15[%dma_start3A_292, %dma_start3A_293] : memref<10240x128xf32, #tpu.memory_space<vmem_shared>> -> memref<10240x128xf32, #tpu.memory_space<vmem_shared>>
      tpu.enqueue_indirect_dma source(%arg11 : memref<104x128xf32, #tpu.memory_space<vmem>>) target(%dma_start3A_294 : memref<10240x128xf32, #tpu.memory_space<vmem_shared>>) offsets(%dma_start3A_291 : memref<104xi32, #tpu.memory_space<vmem>>) semaphore(%run_scoped3A_288 : memref<!tpu.dma_semaphore, #tpu.memory_space<semaphore_mem>>) {add = true}
      %dma_wait3A_295 = arith.constant 0 : i32
      %dma_wait3A_296 = tpu.memref_slice %arg8[%run_scoped3A, %dma_wait3A_295] : memref<3x104xi32, #tpu.memory_space<vmem>> -> memref<1x104xi32, #tpu.memory_space<vmem>>
      %dma_wait3A_297 = tpu.memref_squeeze %dma_wait3A_296 : memref<1x104xi32, #tpu.memory_space<vmem>> -> memref<104xi32, #tpu.memory_space<vmem>>
      %dma_wait3A_298 = arith.constant 0 : i32
      %dma_wait3A_299 = arith.constant 0 : i32
      %dma_wait3A_300 = tpu.memref_slice %arg15[%dma_wait3A_298, %dma_wait3A_299] : memref<10240x128xf32, #tpu.memory_space<vmem_shared>> -> memref<10240x128xf32, #tpu.memory_space<vmem_shared>>
      tpu.wait_indirect_dma semaphore(%run_scoped3A_288 : memref<!tpu.dma_semaphore, #tpu.memory_space<semaphore_mem>>) src(%arg11 : memref<104x128xf32, #tpu.memory_space<vmem>>) dst(%dma_wait3A_300 : memref<10240x128xf32, #tpu.memory_space<vmem_shared>>)
      tpu.yield
    }) : () -> ()
    %dma_wait3A_65 = arith.constant 1 : i32
    %dma_wait3A_66 = arith.constant 0 : i32
    %dma_wait3A_67 = tpu.memref_slice %arg8[%dma_wait3A_65, %dma_wait3A_66] : memref<3x104xi32, #tpu.memory_space<vmem>> -> memref<1x104xi32, #tpu.memory_space<vmem>>
    %dma_wait3A_68 = tpu.memref_squeeze %dma_wait3A_67 : memref<1x104xi32, #tpu.memory_space<vmem>> -> memref<104xi32, #tpu.memory_space<vmem>>
    %dma_wait3A_69 = arith.constant 0 : i32
    %dma_wait3A_70 = tpu.memref_slice %arg4[%dma_wait3A_69] : memref<320000xi32, #tpu.memory_space<hbm>> -> memref<104xi32, #tpu.memory_space<hbm>>
    %dma_wait3A_71 = arith.constant 0 : i32
    %dma_wait3A_72 = tpu.memref_slice %arg8[%dma_wait3A_65, %dma_wait3A_71] : memref<3x104xi32, #tpu.memory_space<vmem>> -> memref<1x104xi32, #tpu.memory_space<vmem>>
    %dma_wait3A_73 = tpu.memref_squeeze %dma_wait3A_72 : memref<1x104xi32, #tpu.memory_space<vmem>> -> memref<104xi32, #tpu.memory_space<vmem>>
    %dma_wait3A_74 = arith.constant 0 : i32
    %dma_wait3A_75 = tpu.memref_slice %arg4[%dma_wait3A_74] : memref<320000xi32, #tpu.memory_space<hbm>> -> memref<104xi32, #tpu.memory_space<hbm>>
    tpu.wait_dma2 semaphore(%arg20 : memref<!tpu.dma_semaphore, #tpu.memory_space<semaphore_mem>>) src(%dma_wait3A_75 : memref<104xi32, #tpu.memory_space<hbm>>) dst(%dma_wait3A_73 : memref<104xi32, #tpu.memory_space<vmem>>)
    %run_scoped3A_76 = arith.constant 1 : i32
    "tpu.region"() ({
      %run_scoped3A_288 = tpu.sem_alloc : memref<!tpu.dma_semaphore, #tpu.memory_space<semaphore_mem>>
      %dma_start3A_289 = arith.constant 0 : i32
      %dma_start3A_290 = tpu.memref_slice %arg8[%run_scoped3A_76, %dma_start3A_289] : memref<3x104xi32, #tpu.memory_space<vmem>> -> memref<1x104xi32, #tpu.memory_space<vmem>>
      %dma_start3A_291 = tpu.memref_squeeze %dma_start3A_290 : memref<1x104xi32, #tpu.memory_space<vmem>> -> memref<104xi32, #tpu.memory_space<vmem>>
      %dma_start3A_292 = arith.constant 0 : i32
      %dma_start3A_293 = arith.constant 0 : i32
      %dma_start3A_294 = tpu.memref_slice %arg15[%dma_start3A_292, %dma_start3A_293] : memref<10240x128xf32, #tpu.memory_space<vmem_shared>> -> memref<10240x128xf32, #tpu.memory_space<vmem_shared>>
      tpu.enqueue_indirect_dma source(%arg11 : memref<104x128xf32, #tpu.memory_space<vmem>>) target(%dma_start3A_294 : memref<10240x128xf32, #tpu.memory_space<vmem_shared>>) offsets(%dma_start3A_291 : memref<104xi32, #tpu.memory_space<vmem>>) semaphore(%run_scoped3A_288 : memref<!tpu.dma_semaphore, #tpu.memory_space<semaphore_mem>>) {add = true}
      %dma_wait3A_295 = arith.constant 0 : i32
      %dma_wait3A_296 = tpu.memref_slice %arg8[%run_scoped3A_76, %dma_wait3A_295] : memref<3x104xi32, #tpu.memory_space<vmem>> -> memref<1x104xi32, #tpu.memory_space<vmem>>
      %dma_wait3A_297 = tpu.memref_squeeze %dma_wait3A_296 : memref<1x104xi32, #tpu.memory_space<vmem>> -> memref<104xi32, #tpu.memory_space<vmem>>
      %dma_wait3A_298 = arith.constant 0 : i32
      %dma_wait3A_299 = arith.constant 0 : i32
      %dma_wait3A_300 = tpu.memref_slice %arg15[%dma_wait3A_298, %dma_wait3A_299] : memref<10240x128xf32, #tpu.memory_space<vmem_shared>> -> memref<10240x128xf32, #tpu.memory_space<vmem_shared>>
      tpu.wait_indirect_dma semaphore(%run_scoped3A_288 : memref<!tpu.dma_semaphore, #tpu.memory_space<semaphore_mem>>) src(%arg11 : memref<104x128xf32, #tpu.memory_space<vmem>>) dst(%dma_wait3A_300 : memref<10240x128xf32, #tpu.memory_space<vmem_shared>>)
      tpu.yield
    }) : () -> ()
    %add3A_77 = arith.constant 9984 : i32
    %add3A_78 = arith.addi %mul3A_4, %add3A_77 : i32
    %run_scoped3A_79 = arith.constant 0 : i32
    "tpu.region"() ({
      %run_scoped3A_288 = tpu.sem_alloc : memref<!tpu.dma_semaphore, #tpu.memory_space<semaphore_mem>>
      %dma_start3A_289 = arith.constant 0 : i32
      %dma_start3A_290 = tpu.memref_slice %arg10[%run_scoped3A_79, %dma_start3A_289] : memref<1x16xi32, #tpu.memory_space<vmem>> -> memref<1x16xi32, #tpu.memory_space<vmem>>
      %dma_start3A_291 = tpu.memref_squeeze %dma_start3A_290 : memref<1x16xi32, #tpu.memory_space<vmem>> -> memref<16xi32, #tpu.memory_space<vmem>>
      %dma_start3A_292 = tpu.memref_slice %arg4[%add3A_78] : memref<320000xi32, #tpu.memory_space<hbm>> -> memref<16xi32, #tpu.memory_space<hbm>>
      %dma_start3A_293 = arith.constant 0 : i32
      %dma_start3A_294 = tpu.memref_slice %arg10[%run_scoped3A_79, %dma_start3A_293] : memref<1x16xi32, #tpu.memory_space<vmem>> -> memref<1x16xi32, #tpu.memory_space<vmem>>
      %dma_start3A_295 = tpu.memref_squeeze %dma_start3A_294 : memref<1x16xi32, #tpu.memory_space<vmem>> -> memref<16xi32, #tpu.memory_space<vmem>>
      %dma_start3A_296 = tpu.memref_slice %arg4[%add3A_78] : memref<320000xi32, #tpu.memory_space<hbm>> -> memref<16xi32, #tpu.memory_space<hbm>>
      tpu.enqueue_dma source(%dma_start3A_296 : memref<16xi32, #tpu.memory_space<hbm>>) target(%dma_start3A_295 : memref<16xi32, #tpu.memory_space<vmem>>) target_semaphore(%run_scoped3A_288 : memref<!tpu.dma_semaphore, #tpu.memory_space<semaphore_mem>>)
      %dma_wait3A_297 = arith.constant 0 : i32
      %dma_wait3A_298 = tpu.memref_slice %arg10[%run_scoped3A_79, %dma_wait3A_297] : memref<1x16xi32, #tpu.memory_space<vmem>> -> memref<1x16xi32, #tpu.memory_space<vmem>>
      %dma_wait3A_299 = tpu.memref_squeeze %dma_wait3A_298 : memref<1x16xi32, #tpu.memory_space<vmem>> -> memref<16xi32, #tpu.memory_space<vmem>>
      %dma_wait3A_300 = tpu.memref_slice %arg4[%add3A_78] : memref<320000xi32, #tpu.memory_space<hbm>> -> memref<16xi32, #tpu.memory_space<hbm>>
      %dma_wait3A_301 = arith.constant 0 : i32
      %dma_wait3A_302 = tpu.memref_slice %arg10[%run_scoped3A_79, %dma_wait3A_301] : memref<1x16xi32, #tpu.memory_space<vmem>> -> memref<1x16xi32, #tpu.memory_space<vmem>>
      %dma_wait3A_303 = tpu.memref_squeeze %dma_wait3A_302 : memref<1x16xi32, #tpu.memory_space<vmem>> -> memref<16xi32, #tpu.memory_space<vmem>>
      %dma_wait3A_304 = tpu.memref_slice %arg4[%add3A_78] : memref<320000xi32, #tpu.memory_space<hbm>> -> memref<16xi32, #tpu.memory_space<hbm>>
      tpu.wait_dma2 semaphore(%run_scoped3A_288 : memref<!tpu.dma_semaphore, #tpu.memory_space<semaphore_mem>>) src(%dma_wait3A_304 : memref<16xi32, #tpu.memory_space<hbm>>) dst(%dma_wait3A_303 : memref<16xi32, #tpu.memory_space<vmem>>)
      tpu.yield
    }) : () -> ()
    %run_scoped3A_80 = arith.constant 0 : i32
    "tpu.region"() ({
      %run_scoped3A_288 = tpu.sem_alloc : memref<!tpu.dma_semaphore, #tpu.memory_space<semaphore_mem>>
      %dma_start3A_289 = arith.constant 0 : i32
      %dma_start3A_290 = arith.constant 0 : i32
      %dma_start3A_291 = tpu.memref_slice %arg11[%dma_start3A_289, %dma_start3A_290] : memref<104x128xf32, #tpu.memory_space<vmem>> -> memref<16x128xf32, #tpu.memory_space<vmem>>
      %dma_start3A_292 = arith.constant 0 : i32
      %dma_start3A_293 = tpu.memref_slice %arg10[%run_scoped3A_80, %dma_start3A_292] : memref<1x16xi32, #tpu.memory_space<vmem>> -> memref<1x16xi32, #tpu.memory_space<vmem>>
      %dma_start3A_294 = tpu.memref_squeeze %dma_start3A_293 : memref<1x16xi32, #tpu.memory_space<vmem>> -> memref<16xi32, #tpu.memory_space<vmem>>
      %dma_start3A_295 = arith.constant 0 : i32
      %dma_start3A_296 = arith.constant 0 : i32
      %dma_start3A_297 = tpu.memref_slice %arg15[%dma_start3A_295, %dma_start3A_296] : memref<10240x128xf32, #tpu.memory_space<vmem_shared>> -> memref<10240x128xf32, #tpu.memory_space<vmem_shared>>
      tpu.enqueue_indirect_dma source(%dma_start3A_291 : memref<16x128xf32, #tpu.memory_space<vmem>>) target(%dma_start3A_297 : memref<10240x128xf32, #tpu.memory_space<vmem_shared>>) offsets(%dma_start3A_294 : memref<16xi32, #tpu.memory_space<vmem>>) semaphore(%run_scoped3A_288 : memref<!tpu.dma_semaphore, #tpu.memory_space<semaphore_mem>>) {add = true}
      %dma_wait3A_298 = arith.constant 0 : i32
      %dma_wait3A_299 = arith.constant 0 : i32
      %dma_wait3A_300 = tpu.memref_slice %arg11[%dma_wait3A_298, %dma_wait3A_299] : memref<104x128xf32, #tpu.memory_space<vmem>> -> memref<16x128xf32, #tpu.memory_space<vmem>>
      %dma_wait3A_301 = arith.constant 0 : i32
      %dma_wait3A_302 = tpu.memref_slice %arg10[%run_scoped3A_80, %dma_wait3A_301] : memref<1x16xi32, #tpu.memory_space<vmem>> -> memref<1x16xi32, #tpu.memory_space<vmem>>
      %dma_wait3A_303 = tpu.memref_squeeze %dma_wait3A_302 : memref<1x16xi32, #tpu.memory_space<vmem>> -> memref<16xi32, #tpu.memory_space<vmem>>
      %dma_wait3A_304 = arith.constant 0 : i32
      %dma_wait3A_305 = arith.constant 0 : i32
      %dma_wait3A_306 = tpu.memref_slice %arg15[%dma_wait3A_304, %dma_wait3A_305] : memref<10240x128xf32, #tpu.memory_space<vmem_shared>> -> memref<10240x128xf32, #tpu.memory_space<vmem_shared>>
      tpu.wait_indirect_dma semaphore(%run_scoped3A_288 : memref<!tpu.dma_semaphore, #tpu.memory_space<semaphore_mem>>) src(%dma_wait3A_300 : memref<16x128xf32, #tpu.memory_space<vmem>>) dst(%dma_wait3A_306 : memref<10240x128xf32, #tpu.memory_space<vmem_shared>>)
      tpu.yield
    }) : () -> ()
    %barrier3A_81 = arith.constant 0 : index
    tpu.barrier barrier_id(%barrier3A_81)
    "tpu.region"() ({
      %run_scoped3A_288 = tpu.sem_alloc : memref<!tpu.dma_semaphore, #tpu.memory_space<semaphore_mem>>
      %dma_start3A_289 = arith.constant 0 : i32
      %dma_start3A_290 = tpu.memref_slice %arg6[%arg0, %mul3A_2, %dma_start3A_289] : memref<2x10240x128xf32, #tpu.memory_space<hbm>> -> memref<1x640x128xf32, #tpu.memory_space<hbm>>
      %dma_start3A_291 = tpu.memref_squeeze %dma_start3A_290 : memref<1x640x128xf32, #tpu.memory_space<hbm>> -> memref<640x128xf32, #tpu.memory_space<hbm>>
      %dma_start3A_292 = arith.constant 0 : i32
      %dma_start3A_293 = tpu.memref_slice %arg15[%mul3A_2, %dma_start3A_292] : memref<10240x128xf32, #tpu.memory_space<vmem_shared>> -> memref<640x128xf32, #tpu.memory_space<vmem_shared>>
      tpu.enqueue_dma source(%dma_start3A_293 : memref<640x128xf32, #tpu.memory_space<vmem_shared>>) target(%dma_start3A_291 : memref<640x128xf32, #tpu.memory_space<hbm>>) target_semaphore(%run_scoped3A_288 : memref<!tpu.dma_semaphore, #tpu.memory_space<semaphore_mem>>)
      %dma_wait3A_294 = arith.constant 0 : i32
      %dma_wait3A_295 = tpu.memref_slice %arg6[%arg0, %mul3A_2, %dma_wait3A_294] : memref<2x10240x128xf32, #tpu.memory_space<hbm>> -> memref<1x640x128xf32, #tpu.memory_space<hbm>>
      %dma_wait3A_296 = tpu.memref_squeeze %dma_wait3A_295 : memref<1x640x128xf32, #tpu.memory_space<hbm>> -> memref<640x128xf32, #tpu.memory_space<hbm>>
      %dma_wait3A_297 = arith.constant 0 : i32
      %dma_wait3A_298 = tpu.memref_slice %arg15[%mul3A_2, %dma_wait3A_297] : memref<10240x128xf32, #tpu.memory_space<vmem_shared>> -> memref<640x128xf32, #tpu.memory_space<vmem_shared>>
      tpu.wait_dma2 semaphore(%run_scoped3A_288 : memref<!tpu.dma_semaphore, #tpu.memory_space<semaphore_mem>>) src(%dma_wait3A_298 : memref<640x128xf32, #tpu.memory_space<vmem_shared>>) dst(%dma_wait3A_296 : memref<640x128xf32, #tpu.memory_space<hbm>>)
      tpu.yield
    }) : () -> ()
    %scan3A_82 = arith.constant 0 : i32
    %scan3A_83 = arith.constant 0 : i32
    %scan3A_84 = arith.constant 104 : i32
    %scan3A_85 = arith.addi %scan3A_83, %scan3A_84 : i32
    %scan3A_86 = arith.constant 1 : i32
    %scan3A_87 = scf.for %scan3A_288 = %scan3A_83 to %scan3A_85 step %scan3A_86 iter_args(%scan3A_289 = %scan3A_82) -> (i32)  : i32 {
      %broadcast_in_dim3A = arith.constant 0.000000e+00 : f32
      %broadcast_in_dim3A_290 = vector.broadcast %broadcast_in_dim3A : f32 to vector<16xf32>
      %swap3A = arith.index_cast %scan3A_288 : i32 to index
      %swap3A_291 = arith.constant 0 : index
      %swap3A_292 = tpu.vector_load %arg12[%swap3A, %swap3A_291] {strides = array<i32>} : memref<104x128xf32, #tpu.memory_space<vmem>>, vector<1x16xf32>,
      %swap3A_293 = vector.shape_cast %swap3A_292 : vector<1x16xf32> to vector<16xf32>
      %swap3A_294 = vector.shape_cast %broadcast_in_dim3A_290 : vector<16xf32> to vector<1x16xf32>
      tpu.vector_store %arg12[%swap3A, %swap3A_291], %swap3A_294 {strides = array<i32>} : memref<104x128xf32, #tpu.memory_space<vmem>>, vector<1x16xf32>,
      %broadcast_in_dim3A_295 = arith.constant 0.000000e+00 : f32
      %broadcast_in_dim3A_296 = vector.broadcast %broadcast_in_dim3A_295 : f32 to vector<16xf32>
      %swap3A_297 = arith.index_cast %scan3A_288 : i32 to index
      %swap3A_298 = arith.constant 16 : index
      %swap3A_299 = tpu.vector_load %arg12[%swap3A_297, %swap3A_298] {strides = array<i32>} : memref<104x128xf32, #tpu.memory_space<vmem>>, vector<1x16xf32>,
      %swap3A_300 = vector.shape_cast %swap3A_299 : vector<1x16xf32> to vector<16xf32>
      %swap3A_301 = vector.shape_cast %broadcast_in_dim3A_296 : vector<16xf32> to vector<1x16xf32>
      tpu.vector_store %arg12[%swap3A_297, %swap3A_298], %swap3A_301 {strides = array<i32>} : memref<104x128xf32, #tpu.memory_space<vmem>>, vector<1x16xf32>,
      %broadcast_in_dim3A_302 = arith.constant 0.000000e+00 : f32
      %broadcast_in_dim3A_303 = vector.broadcast %broadcast_in_dim3A_302 : f32 to vector<16xf32>
      %swap3A_304 = arith.index_cast %scan3A_288 : i32 to index
      %swap3A_305 = arith.constant 32 : index
      %swap3A_306 = tpu.vector_load %arg12[%swap3A_304, %swap3A_305] {strides = array<i32>} : memref<104x128xf32, #tpu.memory_space<vmem>>, vector<1x16xf32>,
      %swap3A_307 = vector.shape_cast %swap3A_306 : vector<1x16xf32> to vector<16xf32>
      %swap3A_308 = vector.shape_cast %broadcast_in_dim3A_303 : vector<16xf32> to vector<1x16xf32>
      tpu.vector_store %arg12[%swap3A_304, %swap3A_305], %swap3A_308 {strides = array<i32>} : memref<104x128xf32, #tpu.memory_space<vmem>>, vector<1x16xf32>,
      %broadcast_in_dim3A_309 = arith.constant 0.000000e+00 : f32
      %broadcast_in_dim3A_310 = vector.broadcast %broadcast_in_dim3A_309 : f32 to vector<16xf32>
      %swap3A_311 = arith.index_cast %scan3A_288 : i32 to index
      %swap3A_312 = arith.constant 48 : index
      %swap3A_313 = tpu.vector_load %arg12[%swap3A_311, %swap3A_312] {strides = array<i32>} : memref<104x128xf32, #tpu.memory_space<vmem>>, vector<1x16xf32>,
      %swap3A_314 = vector.shape_cast %swap3A_313 : vector<1x16xf32> to vector<16xf32>
      %swap3A_315 = vector.shape_cast %broadcast_in_dim3A_310 : vector<16xf32> to vector<1x16xf32>
      tpu.vector_store %arg12[%swap3A_311, %swap3A_312], %swap3A_315 {strides = array<i32>} : memref<104x128xf32, #tpu.memory_space<vmem>>, vector<1x16xf32>,
      %broadcast_in_dim3A_316 = arith.constant 0.000000e+00 : f32
      %broadcast_in_dim3A_317 = vector.broadcast %broadcast_in_dim3A_316 : f32 to vector<16xf32>
      %swap3A_318 = arith.index_cast %scan3A_288 : i32 to index
      %swap3A_319 = arith.constant 64 : index
      %swap3A_320 = tpu.vector_load %arg12[%swap3A_318, %swap3A_319] {strides = array<i32>} : memref<104x128xf32, #tpu.memory_space<vmem>>, vector<1x16xf32>,
      %swap3A_321 = vector.shape_cast %swap3A_320 : vector<1x16xf32> to vector<16xf32>
      %swap3A_322 = vector.shape_cast %broadcast_in_dim3A_317 : vector<16xf32> to vector<1x16xf32>
      tpu.vector_store %arg12[%swap3A_318, %swap3A_319], %swap3A_322 {strides = array<i32>} : memref<104x128xf32, #tpu.memory_space<vmem>>, vector<1x16xf32>,
      %broadcast_in_dim3A_323 = arith.constant 0.000000e+00 : f32
      %broadcast_in_dim3A_324 = vector.broadcast %broadcast_in_dim3A_323 : f32 to vector<16xf32>
      %swap3A_325 = arith.index_cast %scan3A_288 : i32 to index
      %swap3A_326 = arith.constant 80 : index
      %swap3A_327 = tpu.vector_load %arg12[%swap3A_325, %swap3A_326] {strides = array<i32>} : memref<104x128xf32, #tpu.memory_space<vmem>>, vector<1x16xf32>,
      %swap3A_328 = vector.shape_cast %swap3A_327 : vector<1x16xf32> to vector<16xf32>
      %swap3A_329 = vector.shape_cast %broadcast_in_dim3A_324 : vector<16xf32> to vector<1x16xf32>
      tpu.vector_store %arg12[%swap3A_325, %swap3A_326], %swap3A_329 {strides = array<i32>} : memref<104x128xf32, #tpu.memory_space<vmem>>, vector<1x16xf32>,
      %broadcast_in_dim3A_330 = arith.constant 0.000000e+00 : f32
      %broadcast_in_dim3A_331 = vector.broadcast %broadcast_in_dim3A_330 : f32 to vector<16xf32>
      %swap3A_332 = arith.index_cast %scan3A_288 : i32 to index
      %swap3A_333 = arith.constant 96 : index
      %swap3A_334 = tpu.vector_load %arg12[%swap3A_332, %swap3A_333] {strides = array<i32>} : memref<104x128xf32, #tpu.memory_space<vmem>>, vector<1x16xf32>,
      %swap3A_335 = vector.shape_cast %swap3A_334 : vector<1x16xf32> to vector<16xf32>
      %swap3A_336 = vector.shape_cast %broadcast_in_dim3A_331 : vector<16xf32> to vector<1x16xf32>
      tpu.vector_store %arg12[%swap3A_332, %swap3A_333], %swap3A_336 {strides = array<i32>} : memref<104x128xf32, #tpu.memory_space<vmem>>, vector<1x16xf32>,
      %broadcast_in_dim3A_337 = arith.constant 0.000000e+00 : f32
      %broadcast_in_dim3A_338 = vector.broadcast %broadcast_in_dim3A_337 : f32 to vector<16xf32>
      %swap3A_339 = arith.index_cast %scan3A_288 : i32 to index
      %swap3A_340 = arith.constant 112 : index
      %swap3A_341 = tpu.vector_load %arg12[%swap3A_339, %swap3A_340] {strides = array<i32>} : memref<104x128xf32, #tpu.memory_space<vmem>>, vector<1x16xf32>,
      %swap3A_342 = vector.shape_cast %swap3A_341 : vector<1x16xf32> to vector<16xf32>
      %swap3A_343 = vector.shape_cast %broadcast_in_dim3A_338 : vector<16xf32> to vector<1x16xf32>
      tpu.vector_store %arg12[%swap3A_339, %swap3A_340], %swap3A_343 {strides = array<i32>} : memref<104x128xf32, #tpu.memory_space<vmem>>, vector<1x16xf32>,
      %scan3A_344 = arith.constant 0 : i32
      scf.yield %scan3A_344 : i32
    }
    %scan3A_88 = arith.constant 104 : i32
    %scan3A_89 = arith.constant 0 : i32
    %scan3A_90 = arith.constant 0 : i32
    %scan3A_91 = arith.constant 6 : i32
    %scan3A_92 = arith.addi %scan3A_90, %scan3A_91 : i32
    %scan3A_93 = arith.constant 1 : i32
    %scan3A_94 = scf.for %scan3A_288 = %scan3A_90 to %scan3A_92 step %scan3A_93 iter_args(%scan3A_289 = %scan3A_89) -> (i32)  : i32 {
      %mul3A_290 = arith.constant 104 : i32
      %mul3A_291 = arith.muli %scan3A_288, %mul3A_290 : i32
      %add3A_292 = arith.addi %mul3A_2, %mul3A_291 : i32
      "tpu.region"() ({
        %run_scoped3A_294 = tpu.sem_alloc : memref<!tpu.dma_semaphore, #tpu.memory_space<semaphore_mem>>
        %dma_start3A_295 = arith.constant 0 : i32
        %dma_start3A_296 = tpu.memref_slice %arg15[%add3A_292, %dma_start3A_295] : memref<10240x128xf32, #tpu.memory_space<vmem_shared>> -> memref<104x128xf32, #tpu.memory_space<vmem_shared>>
        %dma_start3A_297 = arith.constant 0 : i32
        %dma_start3A_298 = tpu.memref_slice %arg15[%add3A_292, %dma_start3A_297] : memref<10240x128xf32, #tpu.memory_space<vmem_shared>> -> memref<104x128xf32, #tpu.memory_space<vmem_shared>>
        tpu.enqueue_dma source(%arg12 : memref<104x128xf32, #tpu.memory_space<vmem>>) target(%dma_start3A_298 : memref<104x128xf32, #tpu.memory_space<vmem_shared>>) target_semaphore(%run_scoped3A_294 : memref<!tpu.dma_semaphore, #tpu.memory_space<semaphore_mem>>)
        %dma_wait3A_299 = arith.constant 0 : i32
        %dma_wait3A_300 = tpu.memref_slice %arg15[%add3A_292, %dma_wait3A_299] : memref<10240x128xf32, #tpu.memory_space<vmem_shared>> -> memref<104x128xf32, #tpu.memory_space<vmem_shared>>
        %dma_wait3A_301 = arith.constant 0 : i32
        %dma_wait3A_302 = tpu.memref_slice %arg15[%add3A_292, %dma_wait3A_301] : memref<10240x128xf32, #tpu.memory_space<vmem_shared>> -> memref<104x128xf32, #tpu.memory_space<vmem_shared>>
        tpu.wait_dma2 semaphore(%run_scoped3A_294 : memref<!tpu.dma_semaphore, #tpu.memory_space<semaphore_mem>>) src(%arg12 : memref<104x128xf32, #tpu.memory_space<vmem>>) dst(%dma_wait3A_302 : memref<104x128xf32, #tpu.memory_space<vmem_shared>>)
        tpu.yield
      }) : () -> ()
      %scan3A_293 = arith.constant 0 : i32
      scf.yield %scan3A_293 : i32
    }
    %scan3A_95 = arith.constant 6 : i32
    %add3A_96 = arith.constant 624 : i32
    %add3A_97 = arith.addi %mul3A_2, %add3A_96 : i32
    "tpu.region"() ({
      %run_scoped3A_288 = tpu.sem_alloc : memref<!tpu.dma_semaphore, #tpu.memory_space<semaphore_mem>>
      %dma_start3A_289 = arith.constant 0 : i32
      %dma_start3A_290 = arith.constant 0 : i32
      %dma_start3A_291 = tpu.memref_slice %arg12[%dma_start3A_289, %dma_start3A_290] : memref<104x128xf32, #tpu.memory_space<vmem>> -> memref<16x128xf32, #tpu.memory_space<vmem>>
      %dma_start3A_292 = arith.constant 0 : i32
      %dma_start3A_293 = tpu.memref_slice %arg15[%add3A_97, %dma_start3A_292] : memref<10240x128xf32, #tpu.memory_space<vmem_shared>> -> memref<16x128xf32, #tpu.memory_space<vmem_shared>>
      %dma_start3A_294 = arith.constant 0 : i32
      %dma_start3A_295 = tpu.memref_slice %arg15[%add3A_97, %dma_start3A_294] : memref<10240x128xf32, #tpu.memory_space<vmem_shared>> -> memref<16x128xf32, #tpu.memory_space<vmem_shared>>
      %dma_start3A_296 = arith.constant 0 : i32
      %dma_start3A_297 = arith.constant 0 : i32
      %dma_start3A_298 = tpu.memref_slice %arg12[%dma_start3A_296, %dma_start3A_297] : memref<104x128xf32, #tpu.memory_space<vmem>> -> memref<16x128xf32, #tpu.memory_space<vmem>>
      tpu.enqueue_dma source(%dma_start3A_298 : memref<16x128xf32, #tpu.memory_space<vmem>>) target(%dma_start3A_295 : memref<16x128xf32, #tpu.memory_space<vmem_shared>>) target_semaphore(%run_scoped3A_288 : memref<!tpu.dma_semaphore, #tpu.memory_space<semaphore_mem>>)
      %dma_wait3A_299 = arith.constant 0 : i32
      %dma_wait3A_300 = arith.constant 0 : i32
      %dma_wait3A_301 = tpu.memref_slice %arg12[%dma_wait3A_299, %dma_wait3A_300] : memref<104x128xf32, #tpu.memory_space<vmem>> -> memref<16x128xf32, #tpu.memory_space<vmem>>
      %dma_wait3A_302 = arith.constant 0 : i32
      %dma_wait3A_303 = tpu.memref_slice %arg15[%add3A_97, %dma_wait3A_302] : memref<10240x128xf32, #tpu.memory_space<vmem_shared>> -> memref<16x128xf32, #tpu.memory_space<vmem_shared>>
      %dma_wait3A_304 = arith.constant 0 : i32
      %dma_wait3A_305 = tpu.memref_slice %arg15[%add3A_97, %dma_wait3A_304] : memref<10240x128xf32, #tpu.memory_space<vmem_shared>> -> memref<16x128xf32, #tpu.memory_space<vmem_shared>>
      %dma_wait3A_306 = arith.constant 0 : i32
      %dma_wait3A_307 = arith.constant 0 : i32
      %dma_wait3A_308 = tpu.memref_slice %arg12[%dma_wait3A_306, %dma_wait3A_307] : memref<104x128xf32, #tpu.memory_space<vmem>> -> memref<16x128xf32, #tpu.memory_space<vmem>>
      tpu.wait_dma2 semaphore(%run_scoped3A_288 : memref<!tpu.dma_semaphore, #tpu.memory_space<semaphore_mem>>) src(%dma_wait3A_308 : memref<16x128xf32, #tpu.memory_space<vmem>>) dst(%dma_wait3A_305 : memref<16x128xf32, #tpu.memory_space<vmem_shared>>)
      tpu.yield
    }) : () -> ()
    %barrier3A_98 = arith.constant 0 : index
    tpu.barrier barrier_id(%barrier3A_98)
    %add3A_99 = arith.constant 0 : i32
    %add3A_100 = arith.addi %mul3A_4, %add3A_99 : i32
    %dma_start3A_101 = arith.constant 0 : i32
    %dma_start3A_102 = arith.constant 0 : i32
    %dma_start3A_103 = tpu.memref_slice %arg7[%dma_start3A_101, %dma_start3A_102] : memref<3x104xi32, #tpu.memory_space<vmem>> -> memref<1x104xi32, #tpu.memory_space<vmem>>
    %dma_start3A_104 = tpu.memref_squeeze %dma_start3A_103 : memref<1x104xi32, #tpu.memory_space<vmem>> -> memref<104xi32, #tpu.memory_space<vmem>>
    %dma_start3A_105 = tpu.memref_slice %arg3[%add3A_100] : memref<320000xi32, #tpu.memory_space<hbm>> -> memref<104xi32, #tpu.memory_space<hbm>>
    %dma_start3A_106 = arith.constant 0 : i32
    %dma_start3A_107 = tpu.memref_slice %arg7[%dma_start3A_101, %dma_start3A_106] : memref<3x104xi32, #tpu.memory_space<vmem>> -> memref<1x104xi32, #tpu.memory_space<vmem>>
    %dma_start3A_108 = tpu.memref_squeeze %dma_start3A_107 : memref<1x104xi32, #tpu.memory_space<vmem>> -> memref<104xi32, #tpu.memory_space<vmem>>
    %dma_start3A_109 = tpu.memref_slice %arg3[%add3A_100] : memref<320000xi32, #tpu.memory_space<hbm>> -> memref<104xi32, #tpu.memory_space<hbm>>
    tpu.enqueue_dma source(%dma_start3A_109 : memref<104xi32, #tpu.memory_space<hbm>>) target(%dma_start3A_108 : memref<104xi32, #tpu.memory_space<vmem>>) target_semaphore(%arg16 : memref<!tpu.dma_semaphore, #tpu.memory_space<semaphore_mem>>)
    %dma_start3A_110 = arith.constant 0 : i32
    %dma_start3A_111 = arith.constant 0 : i32
    %dma_start3A_112 = tpu.memref_slice %arg8[%dma_start3A_110, %dma_start3A_111] : memref<3x104xi32, #tpu.memory_space<vmem>> -> memref<1x104xi32, #tpu.memory_space<vmem>>
    %dma_start3A_113 = tpu.memref_squeeze %dma_start3A_112 : memref<1x104xi32, #tpu.memory_space<vmem>> -> memref<104xi32, #tpu.memory_space<vmem>>
    %dma_start3A_114 = tpu.memref_slice %arg4[%add3A_100] : memref<320000xi32, #tpu.memory_space<hbm>> -> memref<104xi32, #tpu.memory_space<hbm>>
    %dma_start3A_115 = arith.constant 0 : i32
    %dma_start3A_116 = tpu.memref_slice %arg8[%dma_start3A_110, %dma_start3A_115] : memref<3x104xi32, #tpu.memory_space<vmem>> -> memref<1x104xi32, #tpu.memory_space<vmem>>
    %dma_start3A_117 = tpu.memref_squeeze %dma_start3A_116 : memref<1x104xi32, #tpu.memory_space<vmem>> -> memref<104xi32, #tpu.memory_space<vmem>>
    %dma_start3A_118 = tpu.memref_slice %arg4[%add3A_100] : memref<320000xi32, #tpu.memory_space<hbm>> -> memref<104xi32, #tpu.memory_space<hbm>>
    tpu.enqueue_dma source(%dma_start3A_118 : memref<104xi32, #tpu.memory_space<hbm>>) target(%dma_start3A_117 : memref<104xi32, #tpu.memory_space<vmem>>) target_semaphore(%arg17 : memref<!tpu.dma_semaphore, #tpu.memory_space<semaphore_mem>>)
    %add3A_119 = arith.constant 104 : i32
    %add3A_120 = arith.addi %mul3A_4, %add3A_119 : i32
    %dma_start3A_121 = arith.constant 1 : i32
    %dma_start3A_122 = arith.constant 0 : i32
    %dma_start3A_123 = tpu.memref_slice %arg7[%dma_start3A_121, %dma_start3A_122] : memref<3x104xi32, #tpu.memory_space<vmem>> -> memref<1x104xi32, #tpu.memory_space<vmem>>
    %dma_start3A_124 = tpu.memref_squeeze %dma_start3A_123 : memref<1x104xi32, #tpu.memory_space<vmem>> -> memref<104xi32, #tpu.memory_space<vmem>>
    %dma_start3A_125 = tpu.memref_slice %arg3[%add3A_120] : memref<320000xi32, #tpu.memory_space<hbm>> -> memref<104xi32, #tpu.memory_space<hbm>>
    %dma_start3A_126 = arith.constant 0 : i32
    %dma_start3A_127 = tpu.memref_slice %arg7[%dma_start3A_121, %dma_start3A_126] : memref<3x104xi32, #tpu.memory_space<vmem>> -> memref<1x104xi32, #tpu.memory_space<vmem>>
    %dma_start3A_128 = tpu.memref_squeeze %dma_start3A_127 : memref<1x104xi32, #tpu.memory_space<vmem>> -> memref<104xi32, #tpu.memory_space<vmem>>
    %dma_start3A_129 = tpu.memref_slice %arg3[%add3A_120] : memref<320000xi32, #tpu.memory_space<hbm>> -> memref<104xi32, #tpu.memory_space<hbm>>
    tpu.enqueue_dma source(%dma_start3A_129 : memref<104xi32, #tpu.memory_space<hbm>>) target(%dma_start3A_128 : memref<104xi32, #tpu.memory_space<vmem>>) target_semaphore(%arg19 : memref<!tpu.dma_semaphore, #tpu.memory_space<semaphore_mem>>)
    %dma_start3A_130 = arith.constant 1 : i32
    %dma_start3A_131 = arith.constant 0 : i32
    %dma_start3A_132 = tpu.memref_slice %arg8[%dma_start3A_130, %dma_start3A_131] : memref<3x104xi32, #tpu.memory_space<vmem>> -> memref<1x104xi32, #tpu.memory_space<vmem>>
    %dma_start3A_133 = tpu.memref_squeeze %dma_start3A_132 : memref<1x104xi32, #tpu.memory_space<vmem>> -> memref<104xi32, #tpu.memory_space<vmem>>
    %dma_start3A_134 = tpu.memref_slice %arg4[%add3A_120] : memref<320000xi32, #tpu.memory_space<hbm>> -> memref<104xi32, #tpu.memory_space<hbm>>
    %dma_start3A_135 = arith.constant 0 : i32
    %dma_start3A_136 = tpu.memref_slice %arg8[%dma_start3A_130, %dma_start3A_135] : memref<3x104xi32, #tpu.memory_space<vmem>> -> memref<1x104xi32, #tpu.memory_space<vmem>>
    %dma_start3A_137 = tpu.memref_squeeze %dma_start3A_136 : memref<1x104xi32, #tpu.memory_space<vmem>> -> memref<104xi32, #tpu.memory_space<vmem>>
    %dma_start3A_138 = tpu.memref_slice %arg4[%add3A_120] : memref<320000xi32, #tpu.memory_space<hbm>> -> memref<104xi32, #tpu.memory_space<hbm>>
    tpu.enqueue_dma source(%dma_start3A_138 : memref<104xi32, #tpu.memory_space<hbm>>) target(%dma_start3A_137 : memref<104xi32, #tpu.memory_space<vmem>>) target_semaphore(%arg20 : memref<!tpu.dma_semaphore, #tpu.memory_space<semaphore_mem>>)
    %add3A_139 = arith.constant 208 : i32
    %add3A_140 = arith.addi %mul3A_4, %add3A_139 : i32
    %dma_start3A_141 = arith.constant 2 : i32
    %dma_start3A_142 = arith.constant 0 : i32
    %dma_start3A_143 = tpu.memref_slice %arg7[%dma_start3A_141, %dma_start3A_142] : memref<3x104xi32, #tpu.memory_space<vmem>> -> memref<1x104xi32, #tpu.memory_space<vmem>>
    %dma_start3A_144 = tpu.memref_squeeze %dma_start3A_143 : memref<1x104xi32, #tpu.memory_space<vmem>> -> memref<104xi32, #tpu.memory_space<vmem>>
    %dma_start3A_145 = tpu.memref_slice %arg3[%add3A_140] : memref<320000xi32, #tpu.memory_space<hbm>> -> memref<104xi32, #tpu.memory_space<hbm>>
    %dma_start3A_146 = arith.constant 0 : i32
    %dma_start3A_147 = tpu.memref_slice %arg7[%dma_start3A_141, %dma_start3A_146] : memref<3x104xi32, #tpu.memory_space<vmem>> -> memref<1x104xi32, #tpu.memory_space<vmem>>
    %dma_start3A_148 = tpu.memref_squeeze %dma_start3A_147 : memref<1x104xi32, #tpu.memory_space<vmem>> -> memref<104xi32, #tpu.memory_space<vmem>>
    %dma_start3A_149 = tpu.memref_slice %arg3[%add3A_140] : memref<320000xi32, #tpu.memory_space<hbm>> -> memref<104xi32, #tpu.memory_space<hbm>>
    tpu.enqueue_dma source(%dma_start3A_149 : memref<104xi32, #tpu.memory_space<hbm>>) target(%dma_start3A_148 : memref<104xi32, #tpu.memory_space<vmem>>) target_semaphore(%arg22 : memref<!tpu.dma_semaphore, #tpu.memory_space<semaphore_mem>>)
    %dma_start3A_150 = arith.constant 2 : i32
    %dma_start3A_151 = arith.constant 0 : i32
    %dma_start3A_152 = tpu.memref_slice %arg8[%dma_start3A_150, %dma_start3A_151] : memref<3x104xi32, #tpu.memory_space<vmem>> -> memref<1x104xi32, #tpu.memory_space<vmem>>
    %dma_start3A_153 = tpu.memref_squeeze %dma_start3A_152 : memref<1x104xi32, #tpu.memory_space<vmem>> -> memref<104xi32, #tpu.memory_space<vmem>>
    %dma_start3A_154 = tpu.memref_slice %arg4[%add3A_140] : memref<320000xi32, #tpu.memory_space<hbm>> -> memref<104xi32, #tpu.memory_space<hbm>>
    %dma_start3A_155 = arith.constant 0 : i32
    %dma_start3A_156 = tpu.memref_slice %arg8[%dma_start3A_150, %dma_start3A_155] : memref<3x104xi32, #tpu.memory_space<vmem>> -> memref<1x104xi32, #tpu.memory_space<vmem>>
    %dma_start3A_157 = tpu.memref_squeeze %dma_start3A_156 : memref<1x104xi32, #tpu.memory_space<vmem>> -> memref<104xi32, #tpu.memory_space<vmem>>
    %dma_start3A_158 = tpu.memref_slice %arg4[%add3A_140] : memref<320000xi32, #tpu.memory_space<hbm>> -> memref<104xi32, #tpu.memory_space<hbm>>
    tpu.enqueue_dma source(%dma_start3A_158 : memref<104xi32, #tpu.memory_space<hbm>>) target(%dma_start3A_157 : memref<104xi32, #tpu.memory_space<vmem>>) target_semaphore(%arg23 : memref<!tpu.dma_semaphore, #tpu.memory_space<semaphore_mem>>)
    %dma_wait3A_159 = arith.constant 0 : i32
    %dma_wait3A_160 = arith.constant 0 : i32
    %dma_wait3A_161 = tpu.memref_slice %arg7[%dma_wait3A_159, %dma_wait3A_160] : memref<3x104xi32, #tpu.memory_space<vmem>> -> memref<1x104xi32, #tpu.memory_space<vmem>>
    %dma_wait3A_162 = tpu.memref_squeeze %dma_wait3A_161 : memref<1x104xi32, #tpu.memory_space<vmem>> -> memref<104xi32, #tpu.memory_space<vmem>>
    %dma_wait3A_163 = arith.constant 0 : i32
    %dma_wait3A_164 = tpu.memref_slice %arg3[%dma_wait3A_163] : memref<320000xi32, #tpu.memory_space<hbm>> -> memref<104xi32, #tpu.memory_space<hbm>>
    %dma_wait3A_165 = arith.constant 0 : i32
    %dma_wait3A_166 = tpu.memref_slice %arg7[%dma_wait3A_159, %dma_wait3A_165] : memref<3x104xi32, #tpu.memory_space<vmem>> -> memref<1x104xi32, #tpu.memory_space<vmem>>
    %dma_wait3A_167 = tpu.memref_squeeze %dma_wait3A_166 : memref<1x104xi32, #tpu.memory_space<vmem>> -> memref<104xi32, #tpu.memory_space<vmem>>
    %dma_wait3A_168 = arith.constant 0 : i32
    %dma_wait3A_169 = tpu.memref_slice %arg3[%dma_wait3A_168] : memref<320000xi32, #tpu.memory_space<hbm>> -> memref<104xi32, #tpu.memory_space<hbm>>
    tpu.wait_dma2 semaphore(%arg16 : memref<!tpu.dma_semaphore, #tpu.memory_space<semaphore_mem>>) src(%dma_wait3A_169 : memref<104xi32, #tpu.memory_space<hbm>>) dst(%dma_wait3A_167 : memref<104xi32, #tpu.memory_space<vmem>>)
    %dma_start3A_170 = arith.constant 0 : i32
    %dma_start3A_171 = arith.constant 0 : i32
    %dma_start3A_172 = tpu.memref_slice %arg7[%dma_start3A_170, %dma_start3A_171] : memref<3x104xi32, #tpu.memory_space<vmem>> -> memref<1x104xi32, #tpu.memory_space<vmem>>
    %dma_start3A_173 = tpu.memref_squeeze %dma_start3A_172 : memref<1x104xi32, #tpu.memory_space<vmem>> -> memref<104xi32, #tpu.memory_space<vmem>>
    %dma_start3A_174 = arith.constant 0 : i32
    %dma_start3A_175 = arith.constant 0 : i32
    %dma_start3A_176 = tpu.memref_slice %arg2[%dma_start3A_174, %dma_start3A_175] : memref<10000x128xf32, #tpu.memory_space<hbm>> -> memref<10000x128xf32, #tpu.memory_space<hbm>>
    tpu.enqueue_indirect_dma source(%dma_start3A_176 : memref<10000x128xf32, #tpu.memory_space<hbm>>) target(%arg11 : memref<104x128xf32, #tpu.memory_space<vmem>>) offsets(%dma_start3A_173 : memref<104xi32, #tpu.memory_space<vmem>>) semaphore(%arg18 : memref<!tpu.dma_semaphore, #tpu.memory_space<semaphore_mem>>)
    %dma_wait3A_177 = arith.constant 1 : i32
    %dma_wait3A_178 = arith.constant 0 : i32
    %dma_wait3A_179 = tpu.memref_slice %arg7[%dma_wait3A_177, %dma_wait3A_178] : memref<3x104xi32, #tpu.memory_space<vmem>> -> memref<1x104xi32, #tpu.memory_space<vmem>>
    %dma_wait3A_180 = tpu.memref_squeeze %dma_wait3A_179 : memref<1x104xi32, #tpu.memory_space<vmem>> -> memref<104xi32, #tpu.memory_space<vmem>>
    %dma_wait3A_181 = arith.constant 0 : i32
    %dma_wait3A_182 = tpu.memref_slice %arg3[%dma_wait3A_181] : memref<320000xi32, #tpu.memory_space<hbm>> -> memref<104xi32, #tpu.memory_space<hbm>>
    %dma_wait3A_183 = arith.constant 0 : i32
    %dma_wait3A_184 = tpu.memref_slice %arg7[%dma_wait3A_177, %dma_wait3A_183] : memref<3x104xi32, #tpu.memory_space<vmem>> -> memref<1x104xi32, #tpu.memory_space<vmem>>
    %dma_wait3A_185 = tpu.memref_squeeze %dma_wait3A_184 : memref<1x104xi32, #tpu.memory_space<vmem>> -> memref<104xi32, #tpu.memory_space<vmem>>
    %dma_wait3A_186 = arith.constant 0 : i32
    %dma_wait3A_187 = tpu.memref_slice %arg3[%dma_wait3A_186] : memref<320000xi32, #tpu.memory_space<hbm>> -> memref<104xi32, #tpu.memory_space<hbm>>
    tpu.wait_dma2 semaphore(%arg19 : memref<!tpu.dma_semaphore, #tpu.memory_space<semaphore_mem>>) src(%dma_wait3A_187 : memref<104xi32, #tpu.memory_space<hbm>>) dst(%dma_wait3A_185 : memref<104xi32, #tpu.memory_space<vmem>>)
    %dma_start3A_188 = arith.constant 1 : i32
    %dma_start3A_189 = arith.constant 0 : i32
    %dma_start3A_190 = tpu.memref_slice %arg7[%dma_start3A_188, %dma_start3A_189] : memref<3x104xi32, #tpu.memory_space<vmem>> -> memref<1x104xi32, #tpu.memory_space<vmem>>
    %dma_start3A_191 = tpu.memref_squeeze %dma_start3A_190 : memref<1x104xi32, #tpu.memory_space<vmem>> -> memref<104xi32, #tpu.memory_space<vmem>>
    %dma_start3A_192 = arith.constant 0 : i32
    %dma_start3A_193 = arith.constant 0 : i32
    %dma_start3A_194 = tpu.memref_slice %arg2[%dma_start3A_192, %dma_start3A_193] : memref<10000x128xf32, #tpu.memory_space<hbm>> -> memref<10000x128xf32, #tpu.memory_space<hbm>>
    tpu.enqueue_indirect_dma source(%dma_start3A_194 : memref<10000x128xf32, #tpu.memory_space<hbm>>) target(%arg12 : memref<104x128xf32, #tpu.memory_space<vmem>>) offsets(%dma_start3A_191 : memref<104xi32, #tpu.memory_space<vmem>>) semaphore(%arg21 : memref<!tpu.dma_semaphore, #tpu.memory_space<semaphore_mem>>)
    %dma_wait3A_195 = arith.constant 2 : i32
    %dma_wait3A_196 = arith.constant 0 : i32
    %dma_wait3A_197 = tpu.memref_slice %arg7[%dma_wait3A_195, %dma_wait3A_196] : memref<3x104xi32, #tpu.memory_space<vmem>> -> memref<1x104xi32, #tpu.memory_space<vmem>>
    %dma_wait3A_198 = tpu.memref_squeeze %dma_wait3A_197 : memref<1x104xi32, #tpu.memory_space<vmem>> -> memref<104xi32, #tpu.memory_space<vmem>>
    %dma_wait3A_199 = arith.constant 0 : i32
    %dma_wait3A_200 = tpu.memref_slice %arg3[%dma_wait3A_199] : memref<320000xi32, #tpu.memory_space<hbm>> -> memref<104xi32, #tpu.memory_space<hbm>>
    %dma_wait3A_201 = arith.constant 0 : i32
    %dma_wait3A_202 = tpu.memref_slice %arg7[%dma_wait3A_195, %dma_wait3A_201] : memref<3x104xi32, #tpu.memory_space<vmem>> -> memref<1x104xi32, #tpu.memory_space<vmem>>
    %dma_wait3A_203 = tpu.memref_squeeze %dma_wait3A_202 : memref<1x104xi32, #tpu.memory_space<vmem>> -> memref<104xi32, #tpu.memory_space<vmem>>
    %dma_wait3A_204 = arith.constant 0 : i32
    %dma_wait3A_205 = tpu.memref_slice %arg3[%dma_wait3A_204] : memref<320000xi32, #tpu.memory_space<hbm>> -> memref<104xi32, #tpu.memory_space<hbm>>
    tpu.wait_dma2 semaphore(%arg22 : memref<!tpu.dma_semaphore, #tpu.memory_space<semaphore_mem>>) src(%dma_wait3A_205 : memref<104xi32, #tpu.memory_space<hbm>>) dst(%dma_wait3A_203 : memref<104xi32, #tpu.memory_space<vmem>>)
    %dma_start3A_206 = arith.constant 2 : i32
    %dma_start3A_207 = arith.constant 0 : i32
    %dma_start3A_208 = tpu.memref_slice %arg7[%dma_start3A_206, %dma_start3A_207] : memref<3x104xi32, #tpu.memory_space<vmem>> -> memref<1x104xi32, #tpu.memory_space<vmem>>
    %dma_start3A_209 = tpu.memref_squeeze %dma_start3A_208 : memref<1x104xi32, #tpu.memory_space<vmem>> -> memref<104xi32, #tpu.memory_space<vmem>>
    %dma_start3A_210 = arith.constant 0 : i32
    %dma_start3A_211 = arith.constant 0 : i32
    %dma_start3A_212 = tpu.memref_slice %arg2[%dma_start3A_210, %dma_start3A_211] : memref<10000x128xf32, #tpu.memory_space<hbm>> -> memref<10000x128xf32, #tpu.memory_space<hbm>>
    tpu.enqueue_indirect_dma source(%dma_start3A_212 : memref<10000x128xf32, #tpu.memory_space<hbm>>) target(%arg13 : memref<104x128xf32, #tpu.memory_space<vmem>>) offsets(%dma_start3A_209 : memref<104xi32, #tpu.memory_space<vmem>>) semaphore(%arg24 : memref<!tpu.dma_semaphore, #tpu.memory_space<semaphore_mem>>)
    %scan3A_213 = arith.constant 0 : i32
    %scan3A_214 = arith.constant 0 : i32
    %scan3A_215 = arith.constant 31 : i32
    %scan3A_216 = arith.addi %scan3A_214, %scan3A_215 : i32
    %scan3A_217 = arith.constant 1 : i32
    %scan3A_218 = scf.for %scan3A_288 = %scan3A_214 to %scan3A_216 step %scan3A_217 iter_args(%scan3A_289 = %scan3A_213) -> (i32)  : i32 {
      %mul3A_290 = arith.constant 3 : i32
      %mul3A_291 = arith.muli %mul3A_290, %scan3A_288 : i32
      %dma_wait3A_292 = arith.constant 0 : i32
      %dma_wait3A_293 = arith.constant 0 : i32
      %dma_wait3A_294 = tpu.memref_slice %arg7[%dma_wait3A_292, %dma_wait3A_293] : memref<3x104xi32, #tpu.memory_space<vmem>> -> memref<1x104xi32, #tpu.memory_space<vmem>>
      %dma_wait3A_295 = tpu.memref_squeeze %dma_wait3A_294 : memref<1x104xi32, #tpu.memory_space<vmem>> -> memref<104xi32, #tpu.memory_space<vmem>>
      %dma_wait3A_296 = arith.constant 0 : i32
      %dma_wait3A_297 = arith.constant 0 : i32
      %dma_wait3A_298 = tpu.memref_slice %arg2[%dma_wait3A_296, %dma_wait3A_297] : memref<10000x128xf32, #tpu.memory_space<hbm>> -> memref<10000x128xf32, #tpu.memory_space<hbm>>
      tpu.wait_indirect_dma semaphore(%arg18 : memref<!tpu.dma_semaphore, #tpu.memory_space<semaphore_mem>>) src(%dma_wait3A_298 : memref<10000x128xf32, #tpu.memory_space<hbm>>) dst(%arg11 : memref<104x128xf32, #tpu.memory_space<vmem>>)
      %dma_wait3A_299 = arith.constant 0 : i32
      %dma_wait3A_300 = arith.constant 0 : i32
      %dma_wait3A_301 = tpu.memref_slice %arg8[%dma_wait3A_299, %dma_wait3A_300] : memref<3x104xi32, #tpu.memory_space<vmem>> -> memref<1x104xi32, #tpu.memory_space<vmem>>
      %dma_wait3A_302 = tpu.memref_squeeze %dma_wait3A_301 : memref<1x104xi32, #tpu.memory_space<vmem>> -> memref<104xi32, #tpu.memory_space<vmem>>
      %dma_wait3A_303 = arith.constant 0 : i32
      %dma_wait3A_304 = tpu.memref_slice %arg4[%dma_wait3A_303] : memref<320000xi32, #tpu.memory_space<hbm>> -> memref<104xi32, #tpu.memory_space<hbm>>
      %dma_wait3A_305 = arith.constant 0 : i32
      %dma_wait3A_306 = tpu.memref_slice %arg8[%dma_wait3A_299, %dma_wait3A_305] : memref<3x104xi32, #tpu.memory_space<vmem>> -> memref<1x104xi32, #tpu.memory_space<vmem>>
      %dma_wait3A_307 = tpu.memref_squeeze %dma_wait3A_306 : memref<1x104xi32, #tpu.memory_space<vmem>> -> memref<104xi32, #tpu.memory_space<vmem>>
      %dma_wait3A_308 = arith.constant 0 : i32
      %dma_wait3A_309 = tpu.memref_slice %arg4[%dma_wait3A_308] : memref<320000xi32, #tpu.memory_space<hbm>> -> memref<104xi32, #tpu.memory_space<hbm>>
      tpu.wait_dma2 semaphore(%arg17 : memref<!tpu.dma_semaphore, #tpu.memory_space<semaphore_mem>>) src(%dma_wait3A_309 : memref<104xi32, #tpu.memory_space<hbm>>) dst(%dma_wait3A_307 : memref<104xi32, #tpu.memory_space<vmem>>)
      %run_scoped3A_310 = arith.constant 0 : i32
      "tpu.region"() ({
        %run_scoped3A_479 = tpu.sem_alloc : memref<!tpu.dma_semaphore, #tpu.memory_space<semaphore_mem>>
        %dma_start3A_480 = arith.constant 0 : i32
        %dma_start3A_481 = tpu.memref_slice %arg8[%run_scoped3A_310, %dma_start3A_480] : memref<3x104xi32, #tpu.memory_space<vmem>> -> memref<1x104xi32, #tpu.memory_space<vmem>>
        %dma_start3A_482 = tpu.memref_squeeze %dma_start3A_481 : memref<1x104xi32, #tpu.memory_space<vmem>> -> memref<104xi32, #tpu.memory_space<vmem>>
        %dma_start3A_483 = arith.constant 0 : i32
        %dma_start3A_484 = arith.constant 0 : i32
        %dma_start3A_485 = tpu.memref_slice %arg15[%dma_start3A_483, %dma_start3A_484] : memref<10240x128xf32, #tpu.memory_space<vmem_shared>> -> memref<10240x128xf32, #tpu.memory_space<vmem_shared>>
        tpu.enqueue_indirect_dma source(%arg11 : memref<104x128xf32, #tpu.memory_space<vmem>>) target(%dma_start3A_485 : memref<10240x128xf32, #tpu.memory_space<vmem_shared>>) offsets(%dma_start3A_482 : memref<104xi32, #tpu.memory_space<vmem>>) semaphore(%run_scoped3A_479 : memref<!tpu.dma_semaphore, #tpu.memory_space<semaphore_mem>>) {add = true}
        %dma_wait3A_486 = arith.constant 0 : i32
        %dma_wait3A_487 = tpu.memref_slice %arg8[%run_scoped3A_310, %dma_wait3A_486] : memref<3x104xi32, #tpu.memory_space<vmem>> -> memref<1x104xi32, #tpu.memory_space<vmem>>
        %dma_wait3A_488 = tpu.memref_squeeze %dma_wait3A_487 : memref<1x104xi32, #tpu.memory_space<vmem>> -> memref<104xi32, #tpu.memory_space<vmem>>
        %dma_wait3A_489 = arith.constant 0 : i32
        %dma_wait3A_490 = arith.constant 0 : i32
        %dma_wait3A_491 = tpu.memref_slice %arg15[%dma_wait3A_489, %dma_wait3A_490] : memref<10240x128xf32, #tpu.memory_space<vmem_shared>> -> memref<10240x128xf32, #tpu.memory_space<vmem_shared>>
        tpu.wait_indirect_dma semaphore(%run_scoped3A_479 : memref<!tpu.dma_semaphore, #tpu.memory_space<semaphore_mem>>) src(%arg11 : memref<104x128xf32, #tpu.memory_space<vmem>>) dst(%dma_wait3A_491 : memref<10240x128xf32, #tpu.memory_space<vmem_shared>>)
        tpu.yield
      }) : () -> ()
      %add3A_311 = arith.constant 3 : i32
      %add3A_312 = arith.addi %mul3A_291, %add3A_311 : i32
      %add3A_313 = arith.constant 0 : i32
      %add3A_314 = arith.addi %add3A_312, %add3A_313 : i32
      %mul3A_315 = arith.constant 104 : i32
      %mul3A_316 = arith.muli %add3A_314, %mul3A_315 : i32
      %add3A_317 = arith.addi %mul3A_4, %mul3A_316 : i32
      %dma_start3A_318 = arith.constant 0 : i32
      %dma_start3A_319 = arith.constant 0 : i32
      %dma_start3A_320 = tpu.memref_slice %arg7[%dma_start3A_318, %dma_start3A_319] : memref<3x104xi32, #tpu.memory_space<vmem>> -> memref<1x104xi32, #tpu.memory_space<vmem>>
      %dma_start3A_321 = tpu.memref_squeeze %dma_start3A_320 : memref<1x104xi32, #tpu.memory_space<vmem>> -> memref<104xi32, #tpu.memory_space<vmem>>
      %dma_start3A_322 = tpu.memref_slice %arg3[%add3A_317] : memref<320000xi32, #tpu.memory_space<hbm>> -> memref<104xi32, #tpu.memory_space<hbm>>
      %dma_start3A_323 = arith.constant 0 : i32
      %dma_start3A_324 = tpu.memref_slice %arg7[%dma_start3A_318, %dma_start3A_323] : memref<3x104xi32, #tpu.memory_space<vmem>> -> memref<1x104xi32, #tpu.memory_space<vmem>>
      %dma_start3A_325 = tpu.memref_squeeze %dma_start3A_324 : memref<1x104xi32, #tpu.memory_space<vmem>> -> memref<104xi32, #tpu.memory_space<vmem>>
      %dma_start3A_326 = tpu.memref_slice %arg3[%add3A_317] : memref<320000xi32, #tpu.memory_space<hbm>> -> memref<104xi32, #tpu.memory_space<hbm>>
      tpu.enqueue_dma source(%dma_start3A_326 : memref<104xi32, #tpu.memory_space<hbm>>) target(%dma_start3A_325 : memref<104xi32, #tpu.memory_space<vmem>>) target_semaphore(%arg16 : memref<!tpu.dma_semaphore, #tpu.memory_space<semaphore_mem>>)
      %dma_start3A_327 = arith.constant 0 : i32
      %dma_start3A_328 = arith.constant 0 : i32
      %dma_start3A_329 = tpu.memref_slice %arg8[%dma_start3A_327, %dma_start3A_328] : memref<3x104xi32, #tpu.memory_space<vmem>> -> memref<1x104xi32, #tpu.memory_space<vmem>>
      %dma_start3A_330 = tpu.memref_squeeze %dma_start3A_329 : memref<1x104xi32, #tpu.memory_space<vmem>> -> memref<104xi32, #tpu.memory_space<vmem>>
      %dma_start3A_331 = tpu.memref_slice %arg4[%add3A_317] : memref<320000xi32, #tpu.memory_space<hbm>> -> memref<104xi32, #tpu.memory_space<hbm>>
      %dma_start3A_332 = arith.constant 0 : i32
      %dma_start3A_333 = tpu.memref_slice %arg8[%dma_start3A_327, %dma_start3A_332] : memref<3x104xi32, #tpu.memory_space<vmem>> -> memref<1x104xi32, #tpu.memory_space<vmem>>
      %dma_start3A_334 = tpu.memref_squeeze %dma_start3A_333 : memref<1x104xi32, #tpu.memory_space<vmem>> -> memref<104xi32, #tpu.memory_space<vmem>>
      %dma_start3A_335 = tpu.memref_slice %arg4[%add3A_317] : memref<320000xi32, #tpu.memory_space<hbm>> -> memref<104xi32, #tpu.memory_space<hbm>>
      tpu.enqueue_dma source(%dma_start3A_335 : memref<104xi32, #tpu.memory_space<hbm>>) target(%dma_start3A_334 : memref<104xi32, #tpu.memory_space<vmem>>) target_semaphore(%arg17 : memref<!tpu.dma_semaphore, #tpu.memory_space<semaphore_mem>>)
      %dma_wait3A_336 = arith.constant 0 : i32
      %dma_wait3A_337 = arith.constant 0 : i32
      %dma_wait3A_338 = tpu.memref_slice %arg7[%dma_wait3A_336, %dma_wait3A_337] : memref<3x104xi32, #tpu.memory_space<vmem>> -> memref<1x104xi32, #tpu.memory_space<vmem>>
      %dma_wait3A_339 = tpu.memref_squeeze %dma_wait3A_338 : memref<1x104xi32, #tpu.memory_space<vmem>> -> memref<104xi32, #tpu.memory_space<vmem>>
      %dma_wait3A_340 = arith.constant 0 : i32
      %dma_wait3A_341 = tpu.memref_slice %arg3[%dma_wait3A_340] : memref<320000xi32, #tpu.memory_space<hbm>> -> memref<104xi32, #tpu.memory_space<hbm>>
      %dma_wait3A_342 = arith.constant 0 : i32
      %dma_wait3A_343 = tpu.memref_slice %arg7[%dma_wait3A_336, %dma_wait3A_342] : memref<3x104xi32, #tpu.memory_space<vmem>> -> memref<1x104xi32, #tpu.memory_space<vmem>>
      %dma_wait3A_344 = tpu.memref_squeeze %dma_wait3A_343 : memref<1x104xi32, #tpu.memory_space<vmem>> -> memref<104xi32, #tpu.memory_space<vmem>>
      %dma_wait3A_345 = arith.constant 0 : i32
      %dma_wait3A_346 = tpu.memref_slice %arg3[%dma_wait3A_345] : memref<320000xi32, #tpu.memory_space<hbm>> -> memref<104xi32, #tpu.memory_space<hbm>>
      tpu.wait_dma2 semaphore(%arg16 : memref<!tpu.dma_semaphore, #tpu.memory_space<semaphore_mem>>) src(%dma_wait3A_346 : memref<104xi32, #tpu.memory_space<hbm>>) dst(%dma_wait3A_344 : memref<104xi32, #tpu.memory_space<vmem>>)
      %dma_start3A_347 = arith.constant 0 : i32
      %dma_start3A_348 = arith.constant 0 : i32
      %dma_start3A_349 = tpu.memref_slice %arg7[%dma_start3A_347, %dma_start3A_348] : memref<3x104xi32, #tpu.memory_space<vmem>> -> memref<1x104xi32, #tpu.memory_space<vmem>>
      %dma_start3A_350 = tpu.memref_squeeze %dma_start3A_349 : memref<1x104xi32, #tpu.memory_space<vmem>> -> memref<104xi32, #tpu.memory_space<vmem>>
      %dma_start3A_351 = arith.constant 0 : i32
      %dma_start3A_352 = arith.constant 0 : i32
      %dma_start3A_353 = tpu.memref_slice %arg2[%dma_start3A_351, %dma_start3A_352] : memref<10000x128xf32, #tpu.memory_space<hbm>> -> memref<10000x128xf32, #tpu.memory_space<hbm>>
      tpu.enqueue_indirect_dma source(%dma_start3A_353 : memref<10000x128xf32, #tpu.memory_space<hbm>>) target(%arg11 : memref<104x128xf32, #tpu.memory_space<vmem>>) offsets(%dma_start3A_350 : memref<104xi32, #tpu.memory_space<vmem>>) semaphore(%arg18 : memref<!tpu.dma_semaphore, #tpu.memory_space<semaphore_mem>>)
      %dma_wait3A_354 = arith.constant 1 : i32
      %dma_wait3A_355 = arith.constant 0 : i32
      %dma_wait3A_356 = tpu.memref_slice %arg7[%dma_wait3A_354, %dma_wait3A_355] : memref<3x104xi32, #tpu.memory_space<vmem>> -> memref<1x104xi32, #tpu.memory_space<vmem>>
      %dma_wait3A_357 = tpu.memref_squeeze %dma_wait3A_356 : memref<1x104xi32, #tpu.memory_space<vmem>> -> memref<104xi32, #tpu.memory_space<vmem>>
      %dma_wait3A_358 = arith.constant 0 : i32
      %dma_wait3A_359 = arith.constant 0 : i32
      %dma_wait3A_360 = tpu.memref_slice %arg2[%dma_wait3A_358, %dma_wait3A_359] : memref<10000x128xf32, #tpu.memory_space<hbm>> -> memref<10000x128xf32, #tpu.memory_space<hbm>>
      tpu.wait_indirect_dma semaphore(%arg21 : memref<!tpu.dma_semaphore, #tpu.memory_space<semaphore_mem>>) src(%dma_wait3A_360 : memref<10000x128xf32, #tpu.memory_space<hbm>>) dst(%arg12 : memref<104x128xf32, #tpu.memory_space<vmem>>)
      %dma_wait3A_361 = arith.constant 1 : i32
      %dma_wait3A_362 = arith.constant 0 : i32
      %dma_wait3A_363 = tpu.memref_slice %arg8[%dma_wait3A_361, %dma_wait3A_362] : memref<3x104xi32, #tpu.memory_space<vmem>> -> memref<1x104xi32, #tpu.memory_space<vmem>>
      %dma_wait3A_364 = tpu.memref_squeeze %dma_wait3A_363 : memref<1x104xi32, #tpu.memory_space<vmem>> -> memref<104xi32, #tpu.memory_space<vmem>>
      %dma_wait3A_365 = arith.constant 0 : i32
      %dma_wait3A_366 = tpu.memref_slice %arg4[%dma_wait3A_365] : memref<320000xi32, #tpu.memory_space<hbm>> -> memref<104xi32, #tpu.memory_space<hbm>>
      %dma_wait3A_367 = arith.constant 0 : i32
      %dma_wait3A_368 = tpu.memref_slice %arg8[%dma_wait3A_361, %dma_wait3A_367] : memref<3x104xi32, #tpu.memory_space<vmem>> -> memref<1x104xi32, #tpu.memory_space<vmem>>
      %dma_wait3A_369 = tpu.memref_squeeze %dma_wait3A_368 : memref<1x104xi32, #tpu.memory_space<vmem>> -> memref<104xi32, #tpu.memory_space<vmem>>
      %dma_wait3A_370 = arith.constant 0 : i32
      %dma_wait3A_371 = tpu.memref_slice %arg4[%dma_wait3A_370] : memref<320000xi32, #tpu.memory_space<hbm>> -> memref<104xi32, #tpu.memory_space<hbm>>
      tpu.wait_dma2 semaphore(%arg20 : memref<!tpu.dma_semaphore, #tpu.memory_space<semaphore_mem>>) src(%dma_wait3A_371 : memref<104xi32, #tpu.memory_space<hbm>>) dst(%dma_wait3A_369 : memref<104xi32, #tpu.memory_space<vmem>>)
      %run_scoped3A_372 = arith.constant 1 : i32
      "tpu.region"() ({
        %run_scoped3A_479 = tpu.sem_alloc : memref<!tpu.dma_semaphore, #tpu.memory_space<semaphore_mem>>
        %dma_start3A_480 = arith.constant 0 : i32
        %dma_start3A_481 = tpu.memref_slice %arg8[%run_scoped3A_372, %dma_start3A_480] : memref<3x104xi32, #tpu.memory_space<vmem>> -> memref<1x104xi32, #tpu.memory_space<vmem>>
        %dma_start3A_482 = tpu.memref_squeeze %dma_start3A_481 : memref<1x104xi32, #tpu.memory_space<vmem>> -> memref<104xi32, #tpu.memory_space<vmem>>
        %dma_start3A_483 = arith.constant 0 : i32
        %dma_start3A_484 = arith.constant 0 : i32
        %dma_start3A_485 = tpu.memref_slice %arg15[%dma_start3A_483, %dma_start3A_484] : memref<10240x128xf32, #tpu.memory_space<vmem_shared>> -> memref<10240x128xf32, #tpu.memory_space<vmem_shared>>
        tpu.enqueue_indirect_dma source(%arg12 : memref<104x128xf32, #tpu.memory_space<vmem>>) target(%dma_start3A_485 : memref<10240x128xf32, #tpu.memory_space<vmem_shared>>) offsets(%dma_start3A_482 : memref<104xi32, #tpu.memory_space<vmem>>) semaphore(%run_scoped3A_479 : memref<!tpu.dma_semaphore, #tpu.memory_space<semaphore_mem>>) {add = true}
        %dma_wait3A_486 = arith.constant 0 : i32
        %dma_wait3A_487 = tpu.memref_slice %arg8[%run_scoped3A_372, %dma_wait3A_486] : memref<3x104xi32, #tpu.memory_space<vmem>> -> memref<1x104xi32, #tpu.memory_space<vmem>>
        %dma_wait3A_488 = tpu.memref_squeeze %dma_wait3A_487 : memref<1x104xi32, #tpu.memory_space<vmem>> -> memref<104xi32, #tpu.memory_space<vmem>>
        %dma_wait3A_489 = arith.constant 0 : i32
        %dma_wait3A_490 = arith.constant 0 : i32
        %dma_wait3A_491 = tpu.memref_slice %arg15[%dma_wait3A_489, %dma_wait3A_490] : memref<10240x128xf32, #tpu.memory_space<vmem_shared>> -> memref<10240x128xf32, #tpu.memory_space<vmem_shared>>
        tpu.wait_indirect_dma semaphore(%run_scoped3A_479 : memref<!tpu.dma_semaphore, #tpu.memory_space<semaphore_mem>>) src(%arg12 : memref<104x128xf32, #tpu.memory_space<vmem>>) dst(%dma_wait3A_491 : memref<10240x128xf32, #tpu.memory_space<vmem_shared>>)
        tpu.yield
      }) : () -> ()
      %add3A_373 = arith.constant 3 : i32
      %add3A_374 = arith.addi %mul3A_291, %add3A_373 : i32
      %add3A_375 = arith.constant 1 : i32
      %add3A_376 = arith.addi %add3A_374, %add3A_375 : i32
      %mul3A_377 = arith.constant 104 : i32
      %mul3A_378 = arith.muli %add3A_376, %mul3A_377 : i32
      %add3A_379 = arith.addi %mul3A_4, %mul3A_378 : i32
      %dma_start3A_380 = arith.constant 1 : i32
      %dma_start3A_381 = arith.constant 0 : i32
      %dma_start3A_382 = tpu.memref_slice %arg7[%dma_start3A_380, %dma_start3A_381] : memref<3x104xi32, #tpu.memory_space<vmem>> -> memref<1x104xi32, #tpu.memory_space<vmem>>
      %dma_start3A_383 = tpu.memref_squeeze %dma_start3A_382 : memref<1x104xi32, #tpu.memory_space<vmem>> -> memref<104xi32, #tpu.memory_space<vmem>>
      %dma_start3A_384 = tpu.memref_slice %arg3[%add3A_379] : memref<320000xi32, #tpu.memory_space<hbm>> -> memref<104xi32, #tpu.memory_space<hbm>>
      %dma_start3A_385 = arith.constant 0 : i32
      %dma_start3A_386 = tpu.memref_slice %arg7[%dma_start3A_380, %dma_start3A_385] : memref<3x104xi32, #tpu.memory_space<vmem>> -> memref<1x104xi32, #tpu.memory_space<vmem>>
      %dma_start3A_387 = tpu.memref_squeeze %dma_start3A_386 : memref<1x104xi32, #tpu.memory_space<vmem>> -> memref<104xi32, #tpu.memory_space<vmem>>
      %dma_start3A_388 = tpu.memref_slice %arg3[%add3A_379] : memref<320000xi32, #tpu.memory_space<hbm>> -> memref<104xi32, #tpu.memory_space<hbm>>
      tpu.enqueue_dma source(%dma_start3A_388 : memref<104xi32, #tpu.memory_space<hbm>>) target(%dma_start3A_387 : memref<104xi32, #tpu.memory_space<vmem>>) target_semaphore(%arg19 : memref<!tpu.dma_semaphore, #tpu.memory_space<semaphore_mem>>)
      %dma_start3A_389 = arith.constant 1 : i32
      %dma_start3A_390 = arith.constant 0 : i32
      %dma_start3A_391 = tpu.memref_slice %arg8[%dma_start3A_389, %dma_start3A_390] : memref<3x104xi32, #tpu.memory_space<vmem>> -> memref<1x104xi32, #tpu.memory_space<vmem>>
      %dma_start3A_392 = tpu.memref_squeeze %dma_start3A_391 : memref<1x104xi32, #tpu.memory_space<vmem>> -> memref<104xi32, #tpu.memory_space<vmem>>
      %dma_start3A_393 = tpu.memref_slice %arg4[%add3A_379] : memref<320000xi32, #tpu.memory_space<hbm>> -> memref<104xi32, #tpu.memory_space<hbm>>
      %dma_start3A_394 = arith.constant 0 : i32
      %dma_start3A_395 = tpu.memref_slice %arg8[%dma_start3A_389, %dma_start3A_394] : memref<3x104xi32, #tpu.memory_space<vmem>> -> memref<1x104xi32, #tpu.memory_space<vmem>>
      %dma_start3A_396 = tpu.memref_squeeze %dma_start3A_395 : memref<1x104xi32, #tpu.memory_space<vmem>> -> memref<104xi32, #tpu.memory_space<vmem>>
      %dma_start3A_397 = tpu.memref_slice %arg4[%add3A_379] : memref<320000xi32, #tpu.memory_space<hbm>> -> memref<104xi32, #tpu.memory_space<hbm>>
      tpu.enqueue_dma source(%dma_start3A_397 : memref<104xi32, #tpu.memory_space<hbm>>) target(%dma_start3A_396 : memref<104xi32, #tpu.memory_space<vmem>>) target_semaphore(%arg20 : memref<!tpu.dma_semaphore, #tpu.memory_space<semaphore_mem>>)
      %dma_wait3A_398 = arith.constant 1 : i32
      %dma_wait3A_399 = arith.constant 0 : i32
      %dma_wait3A_400 = tpu.memref_slice %arg7[%dma_wait3A_398, %dma_wait3A_399] : memref<3x104xi32, #tpu.memory_space<vmem>> -> memref<1x104xi32, #tpu.memory_space<vmem>>
      %dma_wait3A_401 = tpu.memref_squeeze %dma_wait3A_400 : memref<1x104xi32, #tpu.memory_space<vmem>> -> memref<104xi32, #tpu.memory_space<vmem>>
      %dma_wait3A_402 = arith.constant 0 : i32
      %dma_wait3A_403 = tpu.memref_slice %arg3[%dma_wait3A_402] : memref<320000xi32, #tpu.memory_space<hbm>> -> memref<104xi32, #tpu.memory_space<hbm>>
      %dma_wait3A_404 = arith.constant 0 : i32
      %dma_wait3A_405 = tpu.memref_slice %arg7[%dma_wait3A_398, %dma_wait3A_404] : memref<3x104xi32, #tpu.memory_space<vmem>> -> memref<1x104xi32, #tpu.memory_space<vmem>>
      %dma_wait3A_406 = tpu.memref_squeeze %dma_wait3A_405 : memref<1x104xi32, #tpu.memory_space<vmem>> -> memref<104xi32, #tpu.memory_space<vmem>>
      %dma_wait3A_407 = arith.constant 0 : i32
      %dma_wait3A_408 = tpu.memref_slice %arg3[%dma_wait3A_407] : memref<320000xi32, #tpu.memory_space<hbm>> -> memref<104xi32, #tpu.memory_space<hbm>>
      tpu.wait_dma2 semaphore(%arg19 : memref<!tpu.dma_semaphore, #tpu.memory_space<semaphore_mem>>) src(%dma_wait3A_408 : memref<104xi32, #tpu.memory_space<hbm>>) dst(%dma_wait3A_406 : memref<104xi32, #tpu.memory_space<vmem>>)
      %dma_start3A_409 = arith.constant 1 : i32
      %dma_start3A_410 = arith.constant 0 : i32
      %dma_start3A_411 = tpu.memref_slice %arg7[%dma_start3A_409, %dma_start3A_410] : memref<3x104xi32, #tpu.memory_space<vmem>> -> memref<1x104xi32, #tpu.memory_space<vmem>>
      %dma_start3A_412 = tpu.memref_squeeze %dma_start3A_411 : memref<1x104xi32, #tpu.memory_space<vmem>> -> memref<104xi32, #tpu.memory_space<vmem>>
      %dma_start3A_413 = arith.constant 0 : i32
      %dma_start3A_414 = arith.constant 0 : i32
      %dma_start3A_415 = tpu.memref_slice %arg2[%dma_start3A_413, %dma_start3A_414] : memref<10000x128xf32, #tpu.memory_space<hbm>> -> memref<10000x128xf32, #tpu.memory_space<hbm>>
      tpu.enqueue_indirect_dma source(%dma_start3A_415 : memref<10000x128xf32, #tpu.memory_space<hbm>>) target(%arg12 : memref<104x128xf32, #tpu.memory_space<vmem>>) offsets(%dma_start3A_412 : memref<104xi32, #tpu.memory_space<vmem>>) semaphore(%arg21 : memref<!tpu.dma_semaphore, #tpu.memory_space<semaphore_mem>>)
      %dma_wait3A_416 = arith.constant 2 : i32
      %dma_wait3A_417 = arith.constant 0 : i32
      %dma_wait3A_418 = tpu.memref_slice %arg7[%dma_wait3A_416, %dma_wait3A_417] : memref<3x104xi32, #tpu.memory_space<vmem>> -> memref<1x104xi32, #tpu.memory_space<vmem>>
      %dma_wait3A_419 = tpu.memref_squeeze %dma_wait3A_418 : memref<1x104xi32, #tpu.memory_space<vmem>> -> memref<104xi32, #tpu.memory_space<vmem>>
      %dma_wait3A_420 = arith.constant 0 : i32
      %dma_wait3A_421 = arith.constant 0 : i32
      %dma_wait3A_422 = tpu.memref_slice %arg2[%dma_wait3A_420, %dma_wait3A_421] : memref<10000x128xf32, #tpu.memory_space<hbm>> -> memref<10000x128xf32, #tpu.memory_space<hbm>>
      tpu.wait_indirect_dma semaphore(%arg24 : memref<!tpu.dma_semaphore, #tpu.memory_space<semaphore_mem>>) src(%dma_wait3A_422 : memref<10000x128xf32, #tpu.memory_space<hbm>>) dst(%arg13 : memref<104x128xf32, #tpu.memory_space<vmem>>)
      %dma_wait3A_423 = arith.constant 2 : i32
      %dma_wait3A_424 = arith.constant 0 : i32
      %dma_wait3A_425 = tpu.memref_slice %arg8[%dma_wait3A_423, %dma_wait3A_424] : memref<3x104xi32, #tpu.memory_space<vmem>> -> memref<1x104xi32, #tpu.memory_space<vmem>>
      %dma_wait3A_426 = tpu.memref_squeeze %dma_wait3A_425 : memref<1x104xi32, #tpu.memory_space<vmem>> -> memref<104xi32, #tpu.memory_space<vmem>>
      %dma_wait3A_427 = arith.constant 0 : i32
      %dma_wait3A_428 = tpu.memref_slice %arg4[%dma_wait3A_427] : memref<320000xi32, #tpu.memory_space<hbm>> -> memref<104xi32, #tpu.memory_space<hbm>>
      %dma_wait3A_429 = arith.constant 0 : i32
      %dma_wait3A_430 = tpu.memref_slice %arg8[%dma_wait3A_423, %dma_wait3A_429] : memref<3x104xi32, #tpu.memory_space<vmem>> -> memref<1x104xi32, #tpu.memory_space<vmem>>
      %dma_wait3A_431 = tpu.memref_squeeze %dma_wait3A_430 : memref<1x104xi32, #tpu.memory_space<vmem>> -> memref<104xi32, #tpu.memory_space<vmem>>
      %dma_wait3A_432 = arith.constant 0 : i32
      %dma_wait3A_433 = tpu.memref_slice %arg4[%dma_wait3A_432] : memref<320000xi32, #tpu.memory_space<hbm>> -> memref<104xi32, #tpu.memory_space<hbm>>
      tpu.wait_dma2 semaphore(%arg23 : memref<!tpu.dma_semaphore, #tpu.memory_space<semaphore_mem>>) src(%dma_wait3A_433 : memref<104xi32, #tpu.memory_space<hbm>>) dst(%dma_wait3A_431 : memref<104xi32, #tpu.memory_space<vmem>>)
      %run_scoped3A_434 = arith.constant 2 : i32
      "tpu.region"() ({
        %run_scoped3A_479 = tpu.sem_alloc : memref<!tpu.dma_semaphore, #tpu.memory_space<semaphore_mem>>
        %dma_start3A_480 = arith.constant 0 : i32
        %dma_start3A_481 = tpu.memref_slice %arg8[%run_scoped3A_434, %dma_start3A_480] : memref<3x104xi32, #tpu.memory_space<vmem>> -> memref<1x104xi32, #tpu.memory_space<vmem>>
        %dma_start3A_482 = tpu.memref_squeeze %dma_start3A_481 : memref<1x104xi32, #tpu.memory_space<vmem>> -> memref<104xi32, #tpu.memory_space<vmem>>
        %dma_start3A_483 = arith.constant 0 : i32
        %dma_start3A_484 = arith.constant 0 : i32
        %dma_start3A_485 = tpu.memref_slice %arg15[%dma_start3A_483, %dma_start3A_484] : memref<10240x128xf32, #tpu.memory_space<vmem_shared>> -> memref<10240x128xf32, #tpu.memory_space<vmem_shared>>
        tpu.enqueue_indirect_dma source(%arg13 : memref<104x128xf32, #tpu.memory_space<vmem>>) target(%dma_start3A_485 : memref<10240x128xf32, #tpu.memory_space<vmem_shared>>) offsets(%dma_start3A_482 : memref<104xi32, #tpu.memory_space<vmem>>) semaphore(%run_scoped3A_479 : memref<!tpu.dma_semaphore, #tpu.memory_space<semaphore_mem>>) {add = true}
        %dma_wait3A_486 = arith.constant 0 : i32
        %dma_wait3A_487 = tpu.memref_slice %arg8[%run_scoped3A_434, %dma_wait3A_486] : memref<3x104xi32, #tpu.memory_space<vmem>> -> memref<1x104xi32, #tpu.memory_space<vmem>>
        %dma_wait3A_488 = tpu.memref_squeeze %dma_wait3A_487 : memref<1x104xi32, #tpu.memory_space<vmem>> -> memref<104xi32, #tpu.memory_space<vmem>>
        %dma_wait3A_489 = arith.constant 0 : i32
        %dma_wait3A_490 = arith.constant 0 : i32
        %dma_wait3A_491 = tpu.memref_slice %arg15[%dma_wait3A_489, %dma_wait3A_490] : memref<10240x128xf32, #tpu.memory_space<vmem_shared>> -> memref<10240x128xf32, #tpu.memory_space<vmem_shared>>
        tpu.wait_indirect_dma semaphore(%run_scoped3A_479 : memref<!tpu.dma_semaphore, #tpu.memory_space<semaphore_mem>>) src(%arg13 : memref<104x128xf32, #tpu.memory_space<vmem>>) dst(%dma_wait3A_491 : memref<10240x128xf32, #tpu.memory_space<vmem_shared>>)
        tpu.yield
      }) : () -> ()
      %add3A_435 = arith.constant 3 : i32
      %add3A_436 = arith.addi %mul3A_291, %add3A_435 : i32
      %add3A_437 = arith.constant 2 : i32
      %add3A_438 = arith.addi %add3A_436, %add3A_437 : i32
      %mul3A_439 = arith.constant 104 : i32
      %mul3A_440 = arith.muli %add3A_438, %mul3A_439 : i32
      %add3A_441 = arith.addi %mul3A_4, %mul3A_440 : i32
      %dma_start3A_442 = arith.constant 2 : i32
      %dma_start3A_443 = arith.constant 0 : i32
      %dma_start3A_444 = tpu.memref_slice %arg7[%dma_start3A_442, %dma_start3A_443] : memref<3x104xi32, #tpu.memory_space<vmem>> -> memref<1x104xi32, #tpu.memory_space<vmem>>
      %dma_start3A_445 = tpu.memref_squeeze %dma_start3A_444 : memref<1x104xi32, #tpu.memory_space<vmem>> -> memref<104xi32, #tpu.memory_space<vmem>>
      %dma_start3A_446 = tpu.memref_slice %arg3[%add3A_441] : memref<320000xi32, #tpu.memory_space<hbm>> -> memref<104xi32, #tpu.memory_space<hbm>>
      %dma_start3A_447 = arith.constant 0 : i32
      %dma_start3A_448 = tpu.memref_slice %arg7[%dma_start3A_442, %dma_start3A_447] : memref<3x104xi32, #tpu.memory_space<vmem>> -> memref<1x104xi32, #tpu.memory_space<vmem>>
      %dma_start3A_449 = tpu.memref_squeeze %dma_start3A_448 : memref<1x104xi32, #tpu.memory_space<vmem>> -> memref<104xi32, #tpu.memory_space<vmem>>
      %dma_start3A_450 = tpu.memref_slice %arg3[%add3A_441] : memref<320000xi32, #tpu.memory_space<hbm>> -> memref<104xi32, #tpu.memory_space<hbm>>
      tpu.enqueue_dma source(%dma_start3A_450 : memref<104xi32, #tpu.memory_space<hbm>>) target(%dma_start3A_449 : memref<104xi32, #tpu.memory_space<vmem>>) target_semaphore(%arg22 : memref<!tpu.dma_semaphore, #tpu.memory_space<semaphore_mem>>)
      %dma_start3A_451 = arith.constant 2 : i32
      %dma_start3A_452 = arith.constant 0 : i32
      %dma_start3A_453 = tpu.memref_slice %arg8[%dma_start3A_451, %dma_start3A_452] : memref<3x104xi32, #tpu.memory_space<vmem>> -> memref<1x104xi32, #tpu.memory_space<vmem>>
      %dma_start3A_454 = tpu.memref_squeeze %dma_start3A_453 : memref<1x104xi32, #tpu.memory_space<vmem>> -> memref<104xi32, #tpu.memory_space<vmem>>
      %dma_start3A_455 = tpu.memref_slice %arg4[%add3A_441] : memref<320000xi32, #tpu.memory_space<hbm>> -> memref<104xi32, #tpu.memory_space<hbm>>
      %dma_start3A_456 = arith.constant 0 : i32
      %dma_start3A_457 = tpu.memref_slice %arg8[%dma_start3A_451, %dma_start3A_456] : memref<3x104xi32, #tpu.memory_space<vmem>> -> memref<1x104xi32, #tpu.memory_space<vmem>>
      %dma_start3A_458 = tpu.memref_squeeze %dma_start3A_457 : memref<1x104xi32, #tpu.memory_space<vmem>> -> memref<104xi32, #tpu.memory_space<vmem>>
      %dma_start3A_459 = tpu.memref_slice %arg4[%add3A_441] : memref<320000xi32, #tpu.memory_space<hbm>> -> memref<104xi32, #tpu.memory_space<hbm>>
      tpu.enqueue_dma source(%dma_start3A_459 : memref<104xi32, #tpu.memory_space<hbm>>) target(%dma_start3A_458 : memref<104xi32, #tpu.memory_space<vmem>>) target_semaphore(%arg23 : memref<!tpu.dma_semaphore, #tpu.memory_space<semaphore_mem>>)
      %dma_wait3A_460 = arith.constant 2 : i32
      %dma_wait3A_461 = arith.constant 0 : i32
      %dma_wait3A_462 = tpu.memref_slice %arg7[%dma_wait3A_460, %dma_wait3A_461] : memref<3x104xi32, #tpu.memory_space<vmem>> -> memref<1x104xi32, #tpu.memory_space<vmem>>
      %dma_wait3A_463 = tpu.memref_squeeze %dma_wait3A_462 : memref<1x104xi32, #tpu.memory_space<vmem>> -> memref<104xi32, #tpu.memory_space<vmem>>
      %dma_wait3A_464 = arith.constant 0 : i32
      %dma_wait3A_465 = tpu.memref_slice %arg3[%dma_wait3A_464] : memref<320000xi32, #tpu.memory_space<hbm>> -> memref<104xi32, #tpu.memory_space<hbm>>
      %dma_wait3A_466 = arith.constant 0 : i32
      %dma_wait3A_467 = tpu.memref_slice %arg7[%dma_wait3A_460, %dma_wait3A_466] : memref<3x104xi32, #tpu.memory_space<vmem>> -> memref<1x104xi32, #tpu.memory_space<vmem>>
      %dma_wait3A_468 = tpu.memref_squeeze %dma_wait3A_467 : memref<1x104xi32, #tpu.memory_space<vmem>> -> memref<104xi32, #tpu.memory_space<vmem>>
      %dma_wait3A_469 = arith.constant 0 : i32
      %dma_wait3A_470 = tpu.memref_slice %arg3[%dma_wait3A_469] : memref<320000xi32, #tpu.memory_space<hbm>> -> memref<104xi32, #tpu.memory_space<hbm>>
      tpu.wait_dma2 semaphore(%arg22 : memref<!tpu.dma_semaphore, #tpu.memory_space<semaphore_mem>>) src(%dma_wait3A_470 : memref<104xi32, #tpu.memory_space<hbm>>) dst(%dma_wait3A_468 : memref<104xi32, #tpu.memory_space<vmem>>)
      %dma_start3A_471 = arith.constant 2 : i32
      %dma_start3A_472 = arith.constant 0 : i32
      %dma_start3A_473 = tpu.memref_slice %arg7[%dma_start3A_471, %dma_start3A_472] : memref<3x104xi32, #tpu.memory_space<vmem>> -> memref<1x104xi32, #tpu.memory_space<vmem>>
      %dma_start3A_474 = tpu.memref_squeeze %dma_start3A_473 : memref<1x104xi32, #tpu.memory_space<vmem>> -> memref<104xi32, #tpu.memory_space<vmem>>
      %dma_start3A_475 = arith.constant 0 : i32
      %dma_start3A_476 = arith.constant 0 : i32
      %dma_start3A_477 = tpu.memref_slice %arg2[%dma_start3A_475, %dma_start3A_476] : memref<10000x128xf32, #tpu.memory_space<hbm>> -> memref<10000x128xf32, #tpu.memory_space<hbm>>
      tpu.enqueue_indirect_dma source(%dma_start3A_477 : memref<10000x128xf32, #tpu.memory_space<hbm>>) target(%arg13 : memref<104x128xf32, #tpu.memory_space<vmem>>) offsets(%dma_start3A_474 : memref<104xi32, #tpu.memory_space<vmem>>) semaphore(%arg24 : memref<!tpu.dma_semaphore, #tpu.memory_space<semaphore_mem>>)
      %scan3A_478 = arith.constant 0 : i32
      scf.yield %scan3A_478 : i32
    }
    %scan3A_219 = arith.constant 31 : i32
    %dma_wait3A_220 = arith.constant 0 : i32
    %dma_wait3A_221 = arith.constant 0 : i32
    %dma_wait3A_222 = tpu.memref_slice %arg7[%dma_wait3A_220, %dma_wait3A_221] : memref<3x104xi32, #tpu.memory_space<vmem>> -> memref<1x104xi32, #tpu.memory_space<vmem>>
    %dma_wait3A_223 = tpu.memref_squeeze %dma_wait3A_222 : memref<1x104xi32, #tpu.memory_space<vmem>> -> memref<104xi32, #tpu.memory_space<vmem>>
    %dma_wait3A_224 = arith.constant 0 : i32
    %dma_wait3A_225 = arith.constant 0 : i32
    %dma_wait3A_226 = tpu.memref_slice %arg2[%dma_wait3A_224, %dma_wait3A_225] : memref<10000x128xf32, #tpu.memory_space<hbm>> -> memref<10000x128xf32, #tpu.memory_space<hbm>>
    tpu.wait_indirect_dma semaphore(%arg18 : memref<!tpu.dma_semaphore, #tpu.memory_space<semaphore_mem>>) src(%dma_wait3A_226 : memref<10000x128xf32, #tpu.memory_space<hbm>>) dst(%arg11 : memref<104x128xf32, #tpu.memory_space<vmem>>)
    %dma_wait3A_227 = arith.constant 0 : i32
    %dma_wait3A_228 = arith.constant 0 : i32
    %dma_wait3A_229 = tpu.memref_slice %arg8[%dma_wait3A_227, %dma_wait3A_228] : memref<3x104xi32, #tpu.memory_space<vmem>> -> memref<1x104xi32, #tpu.memory_space<vmem>>
    %dma_wait3A_230 = tpu.memref_squeeze %dma_wait3A_229 : memref<1x104xi32, #tpu.memory_space<vmem>> -> memref<104xi32, #tpu.memory_space<vmem>>
    %dma_wait3A_231 = arith.constant 0 : i32
    %dma_wait3A_232 = tpu.memref_slice %arg4[%dma_wait3A_231] : memref<320000xi32, #tpu.memory_space<hbm>> -> memref<104xi32, #tpu.memory_space<hbm>>
    %dma_wait3A_233 = arith.constant 0 : i32
    %dma_wait3A_234 = tpu.memref_slice %arg8[%dma_wait3A_227, %dma_wait3A_233] : memref<3x104xi32, #tpu.memory_space<vmem>> -> memref<1x104xi32, #tpu.memory_space<vmem>>
    %dma_wait3A_235 = tpu.memref_squeeze %dma_wait3A_234 : memref<1x104xi32, #tpu.memory_space<vmem>> -> memref<104xi32, #tpu.memory_space<vmem>>
    %dma_wait3A_236 = arith.constant 0 : i32
    %dma_wait3A_237 = tpu.memref_slice %arg4[%dma_wait3A_236] : memref<320000xi32, #tpu.memory_space<hbm>> -> memref<104xi32, #tpu.memory_space<hbm>>
    tpu.wait_dma2 semaphore(%arg17 : memref<!tpu.dma_semaphore, #tpu.memory_space<semaphore_mem>>) src(%dma_wait3A_237 : memref<104xi32, #tpu.memory_space<hbm>>) dst(%dma_wait3A_235 : memref<104xi32, #tpu.memory_space<vmem>>)
    %run_scoped3A_238 = arith.constant 0 : i32
    "tpu.region"() ({
      %run_scoped3A_288 = tpu.sem_alloc : memref<!tpu.dma_semaphore, #tpu.memory_space<semaphore_mem>>
      %dma_start3A_289 = arith.constant 0 : i32
      %dma_start3A_290 = tpu.memref_slice %arg8[%run_scoped3A_238, %dma_start3A_289] : memref<3x104xi32, #tpu.memory_space<vmem>> -> memref<1x104xi32, #tpu.memory_space<vmem>>
      %dma_start3A_291 = tpu.memref_squeeze %dma_start3A_290 : memref<1x104xi32, #tpu.memory_space<vmem>> -> memref<104xi32, #tpu.memory_space<vmem>>
      %dma_start3A_292 = arith.constant 0 : i32
      %dma_start3A_293 = arith.constant 0 : i32
      %dma_start3A_294 = tpu.memref_slice %arg15[%dma_start3A_292, %dma_start3A_293] : memref<10240x128xf32, #tpu.memory_space<vmem_shared>> -> memref<10240x128xf32, #tpu.memory_space<vmem_shared>>
      tpu.enqueue_indirect_dma source(%arg11 : memref<104x128xf32, #tpu.memory_space<vmem>>) target(%dma_start3A_294 : memref<10240x128xf32, #tpu.memory_space<vmem_shared>>) offsets(%dma_start3A_291 : memref<104xi32, #tpu.memory_space<vmem>>) semaphore(%run_scoped3A_288 : memref<!tpu.dma_semaphore, #tpu.memory_space<semaphore_mem>>) {add = true}
      %dma_wait3A_295 = arith.constant 0 : i32
      %dma_wait3A_296 = tpu.memref_slice %arg8[%run_scoped3A_238, %dma_wait3A_295] : memref<3x104xi32, #tpu.memory_space<vmem>> -> memref<1x104xi32, #tpu.memory_space<vmem>>
      %dma_wait3A_297 = tpu.memref_squeeze %dma_wait3A_296 : memref<1x104xi32, #tpu.memory_space<vmem>> -> memref<104xi32, #tpu.memory_space<vmem>>
      %dma_wait3A_298 = arith.constant 0 : i32
      %dma_wait3A_299 = arith.constant 0 : i32
      %dma_wait3A_300 = tpu.memref_slice %arg15[%dma_wait3A_298, %dma_wait3A_299] : memref<10240x128xf32, #tpu.memory_space<vmem_shared>> -> memref<10240x128xf32, #tpu.memory_space<vmem_shared>>
      tpu.wait_indirect_dma semaphore(%run_scoped3A_288 : memref<!tpu.dma_semaphore, #tpu.memory_space<semaphore_mem>>) src(%arg11 : memref<104x128xf32, #tpu.memory_space<vmem>>) dst(%dma_wait3A_300 : memref<10240x128xf32, #tpu.memory_space<vmem_shared>>)
      tpu.yield
    }) : () -> ()
    %dma_wait3A_239 = arith.constant 1 : i32
    %dma_wait3A_240 = arith.constant 0 : i32
    %dma_wait3A_241 = tpu.memref_slice %arg7[%dma_wait3A_239, %dma_wait3A_240] : memref<3x104xi32, #tpu.memory_space<vmem>> -> memref<1x104xi32, #tpu.memory_space<vmem>>
    %dma_wait3A_242 = tpu.memref_squeeze %dma_wait3A_241 : memref<1x104xi32, #tpu.memory_space<vmem>> -> memref<104xi32, #tpu.memory_space<vmem>>
    %dma_wait3A_243 = arith.constant 0 : i32
    %dma_wait3A_244 = arith.constant 0 : i32
    %dma_wait3A_245 = tpu.memref_slice %arg2[%dma_wait3A_243, %dma_wait3A_244] : memref<10000x128xf32, #tpu.memory_space<hbm>> -> memref<10000x128xf32, #tpu.memory_space<hbm>>
    tpu.wait_indirect_dma semaphore(%arg21 : memref<!tpu.dma_semaphore, #tpu.memory_space<semaphore_mem>>) src(%dma_wait3A_245 : memref<10000x128xf32, #tpu.memory_space<hbm>>) dst(%arg12 : memref<104x128xf32, #tpu.memory_space<vmem>>)
    %dma_wait3A_246 = arith.constant 1 : i32
    %dma_wait3A_247 = arith.constant 0 : i32
    %dma_wait3A_248 = tpu.memref_slice %arg8[%dma_wait3A_246, %dma_wait3A_247] : memref<3x104xi32, #tpu.memory_space<vmem>> -> memref<1x104xi32, #tpu.memory_space<vmem>>
    %dma_wait3A_249 = tpu.memref_squeeze %dma_wait3A_248 : memref<1x104xi32, #tpu.memory_space<vmem>> -> memref<104xi32, #tpu.memory_space<vmem>>
    %dma_wait3A_250 = arith.constant 0 : i32
    %dma_wait3A_251 = tpu.memref_slice %arg4[%dma_wait3A_250] : memref<320000xi32, #tpu.memory_space<hbm>> -> memref<104xi32, #tpu.memory_space<hbm>>
    %dma_wait3A_252 = arith.constant 0 : i32
    %dma_wait3A_253 = tpu.memref_slice %arg8[%dma_wait3A_246, %dma_wait3A_252] : memref<3x104xi32, #tpu.memory_space<vmem>> -> memref<1x104xi32, #tpu.memory_space<vmem>>
    %dma_wait3A_254 = tpu.memref_squeeze %dma_wait3A_253 : memref<1x104xi32, #tpu.memory_space<vmem>> -> memref<104xi32, #tpu.memory_space<vmem>>
    %dma_wait3A_255 = arith.constant 0 : i32
    %dma_wait3A_256 = tpu.memref_slice %arg4[%dma_wait3A_255] : memref<320000xi32, #tpu.memory_space<hbm>> -> memref<104xi32, #tpu.memory_space<hbm>>
    tpu.wait_dma2 semaphore(%arg20 : memref<!tpu.dma_semaphore, #tpu.memory_space<semaphore_mem>>) src(%dma_wait3A_256 : memref<104xi32, #tpu.memory_space<hbm>>) dst(%dma_wait3A_254 : memref<104xi32, #tpu.memory_space<vmem>>)
    %run_scoped3A_257 = arith.constant 1 : i32
    "tpu.region"() ({
      %run_scoped3A_288 = tpu.sem_alloc : memref<!tpu.dma_semaphore, #tpu.memory_space<semaphore_mem>>
      %dma_start3A_289 = arith.constant 0 : i32
      %dma_start3A_290 = tpu.memref_slice %arg8[%run_scoped3A_257, %dma_start3A_289] : memref<3x104xi32, #tpu.memory_space<vmem>> -> memref<1x104xi32, #tpu.memory_space<vmem>>
      %dma_start3A_291 = tpu.memref_squeeze %dma_start3A_290 : memref<1x104xi32, #tpu.memory_space<vmem>> -> memref<104xi32, #tpu.memory_space<vmem>>
      %dma_start3A_292 = arith.constant 0 : i32
      %dma_start3A_293 = arith.constant 0 : i32
      %dma_start3A_294 = tpu.memref_slice %arg15[%dma_start3A_292, %dma_start3A_293] : memref<10240x128xf32, #tpu.memory_space<vmem_shared>> -> memref<10240x128xf32, #tpu.memory_space<vmem_shared>>
      tpu.enqueue_indirect_dma source(%arg12 : memref<104x128xf32, #tpu.memory_space<vmem>>) target(%dma_start3A_294 : memref<10240x128xf32, #tpu.memory_space<vmem_shared>>) offsets(%dma_start3A_291 : memref<104xi32, #tpu.memory_space<vmem>>) semaphore(%run_scoped3A_288 : memref<!tpu.dma_semaphore, #tpu.memory_space<semaphore_mem>>) {add = true}
      %dma_wait3A_295 = arith.constant 0 : i32
      %dma_wait3A_296 = tpu.memref_slice %arg8[%run_scoped3A_257, %dma_wait3A_295] : memref<3x104xi32, #tpu.memory_space<vmem>> -> memref<1x104xi32, #tpu.memory_space<vmem>>
      %dma_wait3A_297 = tpu.memref_squeeze %dma_wait3A_296 : memref<1x104xi32, #tpu.memory_space<vmem>> -> memref<104xi32, #tpu.memory_space<vmem>>
      %dma_wait3A_298 = arith.constant 0 : i32
      %dma_wait3A_299 = arith.constant 0 : i32
      %dma_wait3A_300 = tpu.memref_slice %arg15[%dma_wait3A_298, %dma_wait3A_299] : memref<10240x128xf32, #tpu.memory_space<vmem_shared>> -> memref<10240x128xf32, #tpu.memory_space<vmem_shared>>
      tpu.wait_indirect_dma semaphore(%run_scoped3A_288 : memref<!tpu.dma_semaphore, #tpu.memory_space<semaphore_mem>>) src(%arg12 : memref<104x128xf32, #tpu.memory_space<vmem>>) dst(%dma_wait3A_300 : memref<10240x128xf32, #tpu.memory_space<vmem_shared>>)
      tpu.yield
    }) : () -> ()
    %dma_wait3A_258 = arith.constant 2 : i32
    %dma_wait3A_259 = arith.constant 0 : i32
    %dma_wait3A_260 = tpu.memref_slice %arg7[%dma_wait3A_258, %dma_wait3A_259] : memref<3x104xi32, #tpu.memory_space<vmem>> -> memref<1x104xi32, #tpu.memory_space<vmem>>
    %dma_wait3A_261 = tpu.memref_squeeze %dma_wait3A_260 : memref<1x104xi32, #tpu.memory_space<vmem>> -> memref<104xi32, #tpu.memory_space<vmem>>
    %dma_wait3A_262 = arith.constant 0 : i32
    %dma_wait3A_263 = arith.constant 0 : i32
    %dma_wait3A_264 = tpu.memref_slice %arg2[%dma_wait3A_262, %dma_wait3A_263] : memref<10000x128xf32, #tpu.memory_space<hbm>> -> memref<10000x128xf32, #tpu.memory_space<hbm>>
    tpu.wait_indirect_dma semaphore(%arg24 : memref<!tpu.dma_semaphore, #tpu.memory_space<semaphore_mem>>) src(%dma_wait3A_264 : memref<10000x128xf32, #tpu.memory_space<hbm>>) dst(%arg13 : memref<104x128xf32, #tpu.memory_space<vmem>>)
    %dma_wait3A_265 = arith.constant 2 : i32
    %dma_wait3A_266 = arith.constant 0 : i32
    %dma_wait3A_267 = tpu.memref_slice %arg8[%dma_wait3A_265, %dma_wait3A_266] : memref<3x104xi32, #tpu.memory_space<vmem>> -> memref<1x104xi32, #tpu.memory_space<vmem>>
    %dma_wait3A_268 = tpu.memref_squeeze %dma_wait3A_267 : memref<1x104xi32, #tpu.memory_space<vmem>> -> memref<104xi32, #tpu.memory_space<vmem>>
    %dma_wait3A_269 = arith.constant 0 : i32
    %dma_wait3A_270 = tpu.memref_slice %arg4[%dma_wait3A_269] : memref<320000xi32, #tpu.memory_space<hbm>> -> memref<104xi32, #tpu.memory_space<hbm>>
    %dma_wait3A_271 = arith.constant 0 : i32
    %dma_wait3A_272 = tpu.memref_slice %arg8[%dma_wait3A_265, %dma_wait3A_271] : memref<3x104xi32, #tpu.memory_space<vmem>> -> memref<1x104xi32, #tpu.memory_space<vmem>>
    %dma_wait3A_273 = tpu.memref_squeeze %dma_wait3A_272 : memref<1x104xi32, #tpu.memory_space<vmem>> -> memref<104xi32, #tpu.memory_space<vmem>>
    %dma_wait3A_274 = arith.constant 0 : i32
    %dma_wait3A_275 = tpu.memref_slice %arg4[%dma_wait3A_274] : memref<320000xi32, #tpu.memory_space<hbm>> -> memref<104xi32, #tpu.memory_space<hbm>>
    tpu.wait_dma2 semaphore(%arg23 : memref<!tpu.dma_semaphore, #tpu.memory_space<semaphore_mem>>) src(%dma_wait3A_275 : memref<104xi32, #tpu.memory_space<hbm>>) dst(%dma_wait3A_273 : memref<104xi32, #tpu.memory_space<vmem>>)
    %run_scoped3A_276 = arith.constant 2 : i32
    "tpu.region"() ({
      %run_scoped3A_288 = tpu.sem_alloc : memref<!tpu.dma_semaphore, #tpu.memory_space<semaphore_mem>>
      %dma_start3A_289 = arith.constant 0 : i32
      %dma_start3A_290 = tpu.memref_slice %arg8[%run_scoped3A_276, %dma_start3A_289] : memref<3x104xi32, #tpu.memory_space<vmem>> -> memref<1x104xi32, #tpu.memory_space<vmem>>
      %dma_start3A_291 = tpu.memref_squeeze %dma_start3A_290 : memref<1x104xi32, #tpu.memory_space<vmem>> -> memref<104xi32, #tpu.memory_space<vmem>>
      %dma_start3A_292 = arith.constant 0 : i32
      %dma_start3A_293 = arith.constant 0 : i32
      %dma_start3A_294 = tpu.memref_slice %arg15[%dma_start3A_292, %dma_start3A_293] : memref<10240x128xf32, #tpu.memory_space<vmem_shared>> -> memref<10240x128xf32, #tpu.memory_space<vmem_shared>>
      tpu.enqueue_indirect_dma source(%arg13 : memref<104x128xf32, #tpu.memory_space<vmem>>) target(%dma_start3A_294 : memref<10240x128xf32, #tpu.memory_space<vmem_shared>>) offsets(%dma_start3A_291 : memref<104xi32, #tpu.memory_space<vmem>>) semaphore(%run_scoped3A_288 : memref<!tpu.dma_semaphore, #tpu.memory_space<semaphore_mem>>) {add = true}
      %dma_wait3A_295 = arith.constant 0 : i32
      %dma_wait3A_296 = tpu.memref_slice %arg8[%run_scoped3A_276, %dma_wait3A_295] : memref<3x104xi32, #tpu.memory_space<vmem>> -> memref<1x104xi32, #tpu.memory_space<vmem>>
      %dma_wait3A_297 = tpu.memref_squeeze %dma_wait3A_296 : memref<1x104xi32, #tpu.memory_space<vmem>> -> memref<104xi32, #tpu.memory_space<vmem>>
      %dma_wait3A_298 = arith.constant 0 : i32
      %dma_wait3A_299 = arith.constant 0 : i32
      %dma_wait3A_300 = tpu.memref_slice %arg15[%dma_wait3A_298, %dma_wait3A_299] : memref<10240x128xf32, #tpu.memory_space<vmem_shared>> -> memref<10240x128xf32, #tpu.memory_space<vmem_shared>>
      tpu.wait_indirect_dma semaphore(%run_scoped3A_288 : memref<!tpu.dma_semaphore, #tpu.memory_space<semaphore_mem>>) src(%arg13 : memref<104x128xf32, #tpu.memory_space<vmem>>) dst(%dma_wait3A_300 : memref<10240x128xf32, #tpu.memory_space<vmem_shared>>)
      tpu.yield
    }) : () -> ()
    %add3A_277 = arith.constant 9984 : i32
    %add3A_278 = arith.addi %mul3A_4, %add3A_277 : i32
    "tpu.region"() ({
      %run_scoped3A_288 = tpu.sem_alloc : memref<!tpu.dma_semaphore, #tpu.memory_space<semaphore_mem>>
      %dma_start3A_289 = tpu.memref_slice %arg3[%add3A_278] : memref<320000xi32, #tpu.memory_space<hbm>> -> memref<16xi32, #tpu.memory_space<hbm>>
      %dma_start3A_290 = tpu.memref_slice %arg3[%add3A_278] : memref<320000xi32, #tpu.memory_space<hbm>> -> memref<16xi32, #tpu.memory_space<hbm>>
      tpu.enqueue_dma source(%dma_start3A_290 : memref<16xi32, #tpu.memory_space<hbm>>) target(%arg9 : memref<16xi32, #tpu.memory_space<vmem>>) target_semaphore(%run_scoped3A_288 : memref<!tpu.dma_semaphore, #tpu.memory_space<semaphore_mem>>)
      %dma_wait3A_291 = tpu.memref_slice %arg3[%add3A_278] : memref<320000xi32, #tpu.memory_space<hbm>> -> memref<16xi32, #tpu.memory_space<hbm>>
      %dma_wait3A_292 = tpu.memref_slice %arg3[%add3A_278] : memref<320000xi32, #tpu.memory_space<hbm>> -> memref<16xi32, #tpu.memory_space<hbm>>
      tpu.wait_dma2 semaphore(%run_scoped3A_288 : memref<!tpu.dma_semaphore, #tpu.memory_space<semaphore_mem>>) src(%dma_wait3A_292 : memref<16xi32, #tpu.memory_space<hbm>>) dst(%arg9 : memref<16xi32, #tpu.memory_space<vmem>>)
      tpu.yield
    }) : () -> ()
    %run_scoped3A_279 = arith.constant 0 : i32
    "tpu.region"() ({
      %run_scoped3A_288 = tpu.sem_alloc : memref<!tpu.dma_semaphore, #tpu.memory_space<semaphore_mem>>
      %dma_start3A_289 = arith.constant 0 : i32
      %dma_start3A_290 = tpu.memref_slice %arg10[%run_scoped3A_279, %dma_start3A_289] : memref<1x16xi32, #tpu.memory_space<vmem>> -> memref<1x16xi32, #tpu.memory_space<vmem>>
      %dma_start3A_291 = tpu.memref_squeeze %dma_start3A_290 : memref<1x16xi32, #tpu.memory_space<vmem>> -> memref<16xi32, #tpu.memory_space<vmem>>
      %dma_start3A_292 = tpu.memref_slice %arg4[%add3A_278] : memref<320000xi32, #tpu.memory_space<hbm>> -> memref<16xi32, #tpu.memory_space<hbm>>
      %dma_start3A_293 = arith.constant 0 : i32
      %dma_start3A_294 = tpu.memref_slice %arg10[%run_scoped3A_279, %dma_start3A_293] : memref<1x16xi32, #tpu.memory_space<vmem>> -> memref<1x16xi32, #tpu.memory_space<vmem>>
      %dma_start3A_295 = tpu.memref_squeeze %dma_start3A_294 : memref<1x16xi32, #tpu.memory_space<vmem>> -> memref<16xi32, #tpu.memory_space<vmem>>
      %dma_start3A_296 = tpu.memref_slice %arg4[%add3A_278] : memref<320000xi32, #tpu.memory_space<hbm>> -> memref<16xi32, #tpu.memory_space<hbm>>
      tpu.enqueue_dma source(%dma_start3A_296 : memref<16xi32, #tpu.memory_space<hbm>>) target(%dma_start3A_295 : memref<16xi32, #tpu.memory_space<vmem>>) target_semaphore(%run_scoped3A_288 : memref<!tpu.dma_semaphore, #tpu.memory_space<semaphore_mem>>)
      %dma_wait3A_297 = arith.constant 0 : i32
      %dma_wait3A_298 = tpu.memref_slice %arg10[%run_scoped3A_279, %dma_wait3A_297] : memref<1x16xi32, #tpu.memory_space<vmem>> -> memref<1x16xi32, #tpu.memory_space<vmem>>
      %dma_wait3A_299 = tpu.memref_squeeze %dma_wait3A_298 : memref<1x16xi32, #tpu.memory_space<vmem>> -> memref<16xi32, #tpu.memory_space<vmem>>
      %dma_wait3A_300 = tpu.memref_slice %arg4[%add3A_278] : memref<320000xi32, #tpu.memory_space<hbm>> -> memref<16xi32, #tpu.memory_space<hbm>>
      %dma_wait3A_301 = arith.constant 0 : i32
      %dma_wait3A_302 = tpu.memref_slice %arg10[%run_scoped3A_279, %dma_wait3A_301] : memref<1x16xi32, #tpu.memory_space<vmem>> -> memref<1x16xi32, #tpu.memory_space<vmem>>
      %dma_wait3A_303 = tpu.memref_squeeze %dma_wait3A_302 : memref<1x16xi32, #tpu.memory_space<vmem>> -> memref<16xi32, #tpu.memory_space<vmem>>
      %dma_wait3A_304 = tpu.memref_slice %arg4[%add3A_278] : memref<320000xi32, #tpu.memory_space<hbm>> -> memref<16xi32, #tpu.memory_space<hbm>>
      tpu.wait_dma2 semaphore(%run_scoped3A_288 : memref<!tpu.dma_semaphore, #tpu.memory_space<semaphore_mem>>) src(%dma_wait3A_304 : memref<16xi32, #tpu.memory_space<hbm>>) dst(%dma_wait3A_303 : memref<16xi32, #tpu.memory_space<vmem>>)
      tpu.yield
    }) : () -> ()
    %dma_start3A_280 = arith.constant 0 : i32
    %dma_start3A_281 = arith.constant 0 : i32
    %dma_start3A_282 = tpu.memref_slice %arg2[%dma_start3A_280, %dma_start3A_281] : memref<10000x128xf32, #tpu.memory_space<hbm>> -> memref<10000x128xf32, #tpu.memory_space<hbm>>
    tpu.enqueue_indirect_dma source(%dma_start3A_282 : memref<10000x128xf32, #tpu.memory_space<hbm>>) target(%arg14 : memref<16x128xf32, #tpu.memory_space<vmem>>) offsets(%arg9 : memref<16xi32, #tpu.memory_space<vmem>>) semaphore(%arg25 : memref<!tpu.dma_semaphore, #tpu.memory_space<semaphore_mem>>)
    %dma_wait3A_283 = arith.constant 0 : i32
    %dma_wait3A_284 = arith.constant 0 : i32
    %dma_wait3A_285 = tpu.memref_slice %arg2[%dma_wait3A_283, %dma_wait3A_284] : memref<10000x128xf32, #tpu.memory_space<hbm>> -> memref<10000x128xf32, #tpu.memory_space<hbm>>
    tpu.wait_indirect_dma semaphore(%arg25 : memref<!tpu.dma_semaphore, #tpu.memory_space<semaphore_mem>>) src(%dma_wait3A_285 : memref<10000x128xf32, #tpu.memory_space<hbm>>) dst(%arg14 : memref<16x128xf32, #tpu.memory_space<vmem>>)
    %run_scoped3A_286 = arith.constant 0 : i32
    "tpu.region"() ({
      %run_scoped3A_288 = tpu.sem_alloc : memref<!tpu.dma_semaphore, #tpu.memory_space<semaphore_mem>>
      %dma_start3A_289 = arith.constant 0 : i32
      %dma_start3A_290 = tpu.memref_slice %arg10[%run_scoped3A_286, %dma_start3A_289] : memref<1x16xi32, #tpu.memory_space<vmem>> -> memref<1x16xi32, #tpu.memory_space<vmem>>
      %dma_start3A_291 = tpu.memref_squeeze %dma_start3A_290 : memref<1x16xi32, #tpu.memory_space<vmem>> -> memref<16xi32, #tpu.memory_space<vmem>>
      %dma_start3A_292 = arith.constant 0 : i32
      %dma_start3A_293 = arith.constant 0 : i32
      %dma_start3A_294 = tpu.memref_slice %arg15[%dma_start3A_292, %dma_start3A_293] : memref<10240x128xf32, #tpu.memory_space<vmem_shared>> -> memref<10240x128xf32, #tpu.memory_space<vmem_shared>>
      tpu.enqueue_indirect_dma source(%arg14 : memref<16x128xf32, #tpu.memory_space<vmem>>) target(%dma_start3A_294 : memref<10240x128xf32, #tpu.memory_space<vmem_shared>>) offsets(%dma_start3A_291 : memref<16xi32, #tpu.memory_space<vmem>>) semaphore(%run_scoped3A_288 : memref<!tpu.dma_semaphore, #tpu.memory_space<semaphore_mem>>) {add = true}
      %dma_wait3A_295 = arith.constant 0 : i32
      %dma_wait3A_296 = tpu.memref_slice %arg10[%run_scoped3A_286, %dma_wait3A_295] : memref<1x16xi32, #tpu.memory_space<vmem>> -> memref<1x16xi32, #tpu.memory_space<vmem>>
      %dma_wait3A_297 = tpu.memref_squeeze %dma_wait3A_296 : memref<1x16xi32, #tpu.memory_space<vmem>> -> memref<16xi32, #tpu.memory_space<vmem>>
      %dma_wait3A_298 = arith.constant 0 : i32
      %dma_wait3A_299 = arith.constant 0 : i32
      %dma_wait3A_300 = tpu.memref_slice %arg15[%dma_wait3A_298, %dma_wait3A_299] : memref<10240x128xf32, #tpu.memory_space<vmem_shared>> -> memref<10240x128xf32, #tpu.memory_space<vmem_shared>>
      tpu.wait_indirect_dma semaphore(%run_scoped3A_288 : memref<!tpu.dma_semaphore, #tpu.memory_space<semaphore_mem>>) src(%arg14 : memref<16x128xf32, #tpu.memory_space<vmem>>) dst(%dma_wait3A_300 : memref<10240x128xf32, #tpu.memory_space<vmem_shared>>)
      tpu.yield
    }) : () -> ()
    %barrier3A_287 = arith.constant 0 : index
    tpu.barrier barrier_id(%barrier3A_287)
    "tpu.region"() ({
      %run_scoped3A_288 = tpu.sem_alloc : memref<!tpu.dma_semaphore, #tpu.memory_space<semaphore_mem>>
      %dma_start3A_289 = arith.constant 0 : i32
      %dma_start3A_290 = tpu.memref_slice %arg5[%arg0, %mul3A_2, %dma_start3A_289] : memref<2x10240x128xf32, #tpu.memory_space<hbm>> -> memref<1x640x128xf32, #tpu.memory_space<hbm>>
      %dma_start3A_291 = tpu.memref_squeeze %dma_start3A_290 : memref<1x640x128xf32, #tpu.memory_space<hbm>> -> memref<640x128xf32, #tpu.memory_space<hbm>>
      %dma_start3A_292 = arith.constant 0 : i32
      %dma_start3A_293 = tpu.memref_slice %arg15[%mul3A_2, %dma_start3A_292] : memref<10240x128xf32, #tpu.memory_space<vmem_shared>> -> memref<640x128xf32, #tpu.memory_space<vmem_shared>>
      tpu.enqueue_dma source(%dma_start3A_293 : memref<640x128xf32, #tpu.memory_space<vmem_shared>>) target(%dma_start3A_291 : memref<640x128xf32, #tpu.memory_space<hbm>>) target_semaphore(%run_scoped3A_288 : memref<!tpu.dma_semaphore, #tpu.memory_space<semaphore_mem>>)
      %dma_wait3A_294 = arith.constant 0 : i32
      %dma_wait3A_295 = tpu.memref_slice %arg5[%arg0, %mul3A_2, %dma_wait3A_294] : memref<2x10240x128xf32, #tpu.memory_space<hbm>> -> memref<1x640x128xf32, #tpu.memory_space<hbm>>
      %dma_wait3A_296 = tpu.memref_squeeze %dma_wait3A_295 : memref<1x640x128xf32, #tpu.memory_space<hbm>> -> memref<640x128xf32, #tpu.memory_space<hbm>>
      %dma_wait3A_297 = arith.constant 0 : i32
      %dma_wait3A_298 = tpu.memref_slice %arg15[%mul3A_2, %dma_wait3A_297] : memref<10240x128xf32, #tpu.memory_space<vmem_shared>> -> memref<640x128xf32, #tpu.memory_space<vmem_shared>>
      tpu.wait_dma2 semaphore(%run_scoped3A_288 : memref<!tpu.dma_semaphore, #tpu.memory_space<semaphore_mem>>) src(%dma_wait3A_298 : memref<640x128xf32, #tpu.memory_space<vmem_shared>>) dst(%dma_wait3A_296 : memref<640x128xf32, #tpu.memory_space<hbm>>)
      tpu.yield
    }) : () -> ()
    return
  }
}

#map = affine_map<(d0, d1) -> (0, 0)>
#map1 = affine_map<(d0, d1) -> (0)>
#map2 = affine_map<(d0, d1) -> (0, 0, 0)>
module attributes {stable_mosaic.version = 14 : i64} {
  func.func @_agg_body(%arg0: i32, %arg1: i32, %arg2: memref<10240x128xf32, #tpu.memory_space<hbm>>, %arg3: memref<320000xi32, #tpu.memory_space<hbm>>, %arg4: memref<320000xi32, #tpu.memory_space<hbm>>, %arg5: memref<2x10240x128xf32, #tpu.memory_space<hbm>>, %arg6: memref<3x104xi32, #tpu.memory_space<vmem>>, %arg7: memref<3x104xi32, #tpu.memory_space<vmem>>, %arg8: memref<16xi32, #tpu.memory_space<vmem>>, %arg9: memref<1x16xi32, #tpu.memory_space<vmem>>, %arg10: memref<104x128xf32, #tpu.memory_space<vmem>>, %arg11: memref<104x128xf32, #tpu.memory_space<vmem>>, %arg12: memref<104x128xf32, #tpu.memory_space<vmem>>, %arg13: memref<16x128xf32, #tpu.memory_space<vmem>>, %arg14: memref<10240x128xf32, #tpu.memory_space<vmem_shared>>, %arg15: memref<!tpu.dma_semaphore, #tpu.memory_space<semaphore_mem>>, %arg16: memref<!tpu.dma_semaphore, #tpu.memory_space<semaphore_mem>>, %arg17: memref<!tpu.dma_semaphore, #tpu.memory_space<semaphore_mem>>, %arg18: memref<!tpu.dma_semaphore, #tpu.memory_space<semaphore_mem>>, %arg19: memref<!tpu.dma_semaphore, #tpu.memory_space<semaphore_mem>>, %arg20: memref<!tpu.dma_semaphore, #tpu.memory_space<semaphore_mem>>, %arg21: memref<!tpu.dma_semaphore, #tpu.memory_space<semaphore_mem>>, %arg22: memref<!tpu.dma_semaphore, #tpu.memory_space<semaphore_mem>>, %arg23: memref<!tpu.dma_semaphore, #tpu.memory_space<semaphore_mem>>, %arg24: memref<!tpu.dma_semaphore, #tpu.memory_space<semaphore_mem>>) attributes {dimension_semantics = [#tpu.dimension_semantics<core_parallel>, #tpu.dimension_semantics<subcore_parallel>], iteration_bounds = array<i64: 2, 16>, scalar_prefetch = 0 : i64, scratch_operands = 19 : i64, tpu.core_type = #tpu.core_type<sc_vector_subcore>, window_params = [{transform_indices = #map}, {transform_indices = #map1}, {transform_indices = #map1}, {transform_indices = #map2}]} {
    %mul3A = arith.constant 2 : i32
    %mul3A_0 = arith.muli %arg1, %mul3A : i32
    %add3A = arith.addi %mul3A_0, %arg0 : i32
    %mul3A_1 = arith.constant 640 : i32
    %mul3A_2 = arith.muli %arg1, %mul3A_1 : i32
    %mul3A_3 = arith.constant 10000 : i32
    %mul3A_4 = arith.muli %add3A, %mul3A_3 : i32
    %scan3A = arith.constant 0 : i32
    %scan3A_5 = arith.constant 0 : i32
    %scan3A_6 = arith.constant 104 : i32
    %scan3A_7 = arith.addi %scan3A_5, %scan3A_6 : i32
    %scan3A_8 = arith.constant 1 : i32
    %scan3A_9 = scf.for %scan3A_206 = %scan3A_5 to %scan3A_7 step %scan3A_8 iter_args(%scan3A_207 = %scan3A) -> (i32)  : i32 {
      %broadcast_in_dim3A = arith.constant 0.000000e+00 : f32
      %broadcast_in_dim3A_208 = vector.broadcast %broadcast_in_dim3A : f32 to vector<16xf32>
      %swap3A = arith.index_cast %scan3A_206 : i32 to index
      %swap3A_209 = arith.constant 0 : index
      %swap3A_210 = tpu.vector_load %arg10[%swap3A, %swap3A_209] {strides = array<i32>} : memref<104x128xf32, #tpu.memory_space<vmem>>, vector<1x16xf32>,
      %swap3A_211 = vector.shape_cast %swap3A_210 : vector<1x16xf32> to vector<16xf32>
      %swap3A_212 = vector.shape_cast %broadcast_in_dim3A_208 : vector<16xf32> to vector<1x16xf32>
      tpu.vector_store %arg10[%swap3A, %swap3A_209], %swap3A_212 {strides = array<i32>} : memref<104x128xf32, #tpu.memory_space<vmem>>, vector<1x16xf32>,
      %broadcast_in_dim3A_213 = arith.constant 0.000000e+00 : f32
      %broadcast_in_dim3A_214 = vector.broadcast %broadcast_in_dim3A_213 : f32 to vector<16xf32>
      %swap3A_215 = arith.index_cast %scan3A_206 : i32 to index
      %swap3A_216 = arith.constant 16 : index
      %swap3A_217 = tpu.vector_load %arg10[%swap3A_215, %swap3A_216] {strides = array<i32>} : memref<104x128xf32, #tpu.memory_space<vmem>>, vector<1x16xf32>,
      %swap3A_218 = vector.shape_cast %swap3A_217 : vector<1x16xf32> to vector<16xf32>
      %swap3A_219 = vector.shape_cast %broadcast_in_dim3A_214 : vector<16xf32> to vector<1x16xf32>
      tpu.vector_store %arg10[%swap3A_215, %swap3A_216], %swap3A_219 {strides = array<i32>} : memref<104x128xf32, #tpu.memory_space<vmem>>, vector<1x16xf32>,
      %broadcast_in_dim3A_220 = arith.constant 0.000000e+00 : f32
      %broadcast_in_dim3A_221 = vector.broadcast %broadcast_in_dim3A_220 : f32 to vector<16xf32>
      %swap3A_222 = arith.index_cast %scan3A_206 : i32 to index
      %swap3A_223 = arith.constant 32 : index
      %swap3A_224 = tpu.vector_load %arg10[%swap3A_222, %swap3A_223] {strides = array<i32>} : memref<104x128xf32, #tpu.memory_space<vmem>>, vector<1x16xf32>,
      %swap3A_225 = vector.shape_cast %swap3A_224 : vector<1x16xf32> to vector<16xf32>
      %swap3A_226 = vector.shape_cast %broadcast_in_dim3A_221 : vector<16xf32> to vector<1x16xf32>
      tpu.vector_store %arg10[%swap3A_222, %swap3A_223], %swap3A_226 {strides = array<i32>} : memref<104x128xf32, #tpu.memory_space<vmem>>, vector<1x16xf32>,
      %broadcast_in_dim3A_227 = arith.constant 0.000000e+00 : f32
      %broadcast_in_dim3A_228 = vector.broadcast %broadcast_in_dim3A_227 : f32 to vector<16xf32>
      %swap3A_229 = arith.index_cast %scan3A_206 : i32 to index
      %swap3A_230 = arith.constant 48 : index
      %swap3A_231 = tpu.vector_load %arg10[%swap3A_229, %swap3A_230] {strides = array<i32>} : memref<104x128xf32, #tpu.memory_space<vmem>>, vector<1x16xf32>,
      %swap3A_232 = vector.shape_cast %swap3A_231 : vector<1x16xf32> to vector<16xf32>
      %swap3A_233 = vector.shape_cast %broadcast_in_dim3A_228 : vector<16xf32> to vector<1x16xf32>
      tpu.vector_store %arg10[%swap3A_229, %swap3A_230], %swap3A_233 {strides = array<i32>} : memref<104x128xf32, #tpu.memory_space<vmem>>, vector<1x16xf32>,
      %broadcast_in_dim3A_234 = arith.constant 0.000000e+00 : f32
      %broadcast_in_dim3A_235 = vector.broadcast %broadcast_in_dim3A_234 : f32 to vector<16xf32>
      %swap3A_236 = arith.index_cast %scan3A_206 : i32 to index
      %swap3A_237 = arith.constant 64 : index
      %swap3A_238 = tpu.vector_load %arg10[%swap3A_236, %swap3A_237] {strides = array<i32>} : memref<104x128xf32, #tpu.memory_space<vmem>>, vector<1x16xf32>,
      %swap3A_239 = vector.shape_cast %swap3A_238 : vector<1x16xf32> to vector<16xf32>
      %swap3A_240 = vector.shape_cast %broadcast_in_dim3A_235 : vector<16xf32> to vector<1x16xf32>
      tpu.vector_store %arg10[%swap3A_236, %swap3A_237], %swap3A_240 {strides = array<i32>} : memref<104x128xf32, #tpu.memory_space<vmem>>, vector<1x16xf32>,
      %broadcast_in_dim3A_241 = arith.constant 0.000000e+00 : f32
      %broadcast_in_dim3A_242 = vector.broadcast %broadcast_in_dim3A_241 : f32 to vector<16xf32>
      %swap3A_243 = arith.index_cast %scan3A_206 : i32 to index
      %swap3A_244 = arith.constant 80 : index
      %swap3A_245 = tpu.vector_load %arg10[%swap3A_243, %swap3A_244] {strides = array<i32>} : memref<104x128xf32, #tpu.memory_space<vmem>>, vector<1x16xf32>,
      %swap3A_246 = vector.shape_cast %swap3A_245 : vector<1x16xf32> to vector<16xf32>
      %swap3A_247 = vector.shape_cast %broadcast_in_dim3A_242 : vector<16xf32> to vector<1x16xf32>
      tpu.vector_store %arg10[%swap3A_243, %swap3A_244], %swap3A_247 {strides = array<i32>} : memref<104x128xf32, #tpu.memory_space<vmem>>, vector<1x16xf32>,
      %broadcast_in_dim3A_248 = arith.constant 0.000000e+00 : f32
      %broadcast_in_dim3A_249 = vector.broadcast %broadcast_in_dim3A_248 : f32 to vector<16xf32>
      %swap3A_250 = arith.index_cast %scan3A_206 : i32 to index
      %swap3A_251 = arith.constant 96 : index
      %swap3A_252 = tpu.vector_load %arg10[%swap3A_250, %swap3A_251] {strides = array<i32>} : memref<104x128xf32, #tpu.memory_space<vmem>>, vector<1x16xf32>,
      %swap3A_253 = vector.shape_cast %swap3A_252 : vector<1x16xf32> to vector<16xf32>
      %swap3A_254 = vector.shape_cast %broadcast_in_dim3A_249 : vector<16xf32> to vector<1x16xf32>
      tpu.vector_store %arg10[%swap3A_250, %swap3A_251], %swap3A_254 {strides = array<i32>} : memref<104x128xf32, #tpu.memory_space<vmem>>, vector<1x16xf32>,
      %broadcast_in_dim3A_255 = arith.constant 0.000000e+00 : f32
      %broadcast_in_dim3A_256 = vector.broadcast %broadcast_in_dim3A_255 : f32 to vector<16xf32>
      %swap3A_257 = arith.index_cast %scan3A_206 : i32 to index
      %swap3A_258 = arith.constant 112 : index
      %swap3A_259 = tpu.vector_load %arg10[%swap3A_257, %swap3A_258] {strides = array<i32>} : memref<104x128xf32, #tpu.memory_space<vmem>>, vector<1x16xf32>,
      %swap3A_260 = vector.shape_cast %swap3A_259 : vector<1x16xf32> to vector<16xf32>
      %swap3A_261 = vector.shape_cast %broadcast_in_dim3A_256 : vector<16xf32> to vector<1x16xf32>
      tpu.vector_store %arg10[%swap3A_257, %swap3A_258], %swap3A_261 {strides = array<i32>} : memref<104x128xf32, #tpu.memory_space<vmem>>, vector<1x16xf32>,
      %scan3A_262 = arith.constant 0 : i32
      scf.yield %scan3A_262 : i32
    }
    %scan3A_10 = arith.constant 104 : i32
    %scan3A_11 = arith.constant 0 : i32
    %scan3A_12 = arith.constant 0 : i32
    %scan3A_13 = arith.constant 6 : i32
    %scan3A_14 = arith.addi %scan3A_12, %scan3A_13 : i32
    %scan3A_15 = arith.constant 1 : i32
    %scan3A_16 = scf.for %scan3A_206 = %scan3A_12 to %scan3A_14 step %scan3A_15 iter_args(%scan3A_207 = %scan3A_11) -> (i32)  : i32 {
      %mul3A_208 = arith.constant 104 : i32
      %mul3A_209 = arith.muli %scan3A_206, %mul3A_208 : i32
      %add3A_210 = arith.addi %mul3A_2, %mul3A_209 : i32
      "tpu.region"() ({
        %run_scoped3A_212 = tpu.sem_alloc : memref<!tpu.dma_semaphore, #tpu.memory_space<semaphore_mem>>
        %dma_start3A_213 = arith.constant 0 : i32
        %dma_start3A_214 = tpu.memref_slice %arg14[%add3A_210, %dma_start3A_213] : memref<10240x128xf32, #tpu.memory_space<vmem_shared>> -> memref<104x128xf32, #tpu.memory_space<vmem_shared>>
        %dma_start3A_215 = arith.constant 0 : i32
        %dma_start3A_216 = tpu.memref_slice %arg14[%add3A_210, %dma_start3A_215] : memref<10240x128xf32, #tpu.memory_space<vmem_shared>> -> memref<104x128xf32, #tpu.memory_space<vmem_shared>>
        tpu.enqueue_dma source(%arg10 : memref<104x128xf32, #tpu.memory_space<vmem>>) target(%dma_start3A_216 : memref<104x128xf32, #tpu.memory_space<vmem_shared>>) target_semaphore(%run_scoped3A_212 : memref<!tpu.dma_semaphore, #tpu.memory_space<semaphore_mem>>)
        %dma_wait3A_217 = arith.constant 0 : i32
        %dma_wait3A_218 = tpu.memref_slice %arg14[%add3A_210, %dma_wait3A_217] : memref<10240x128xf32, #tpu.memory_space<vmem_shared>> -> memref<104x128xf32, #tpu.memory_space<vmem_shared>>
        %dma_wait3A_219 = arith.constant 0 : i32
        %dma_wait3A_220 = tpu.memref_slice %arg14[%add3A_210, %dma_wait3A_219] : memref<10240x128xf32, #tpu.memory_space<vmem_shared>> -> memref<104x128xf32, #tpu.memory_space<vmem_shared>>
        tpu.wait_dma2 semaphore(%run_scoped3A_212 : memref<!tpu.dma_semaphore, #tpu.memory_space<semaphore_mem>>) src(%arg10 : memref<104x128xf32, #tpu.memory_space<vmem>>) dst(%dma_wait3A_220 : memref<104x128xf32, #tpu.memory_space<vmem_shared>>)
        tpu.yield
      }) : () -> ()
      %scan3A_211 = arith.constant 0 : i32
      scf.yield %scan3A_211 : i32
    }
    %scan3A_17 = arith.constant 6 : i32
    %add3A_18 = arith.constant 624 : i32
    %add3A_19 = arith.addi %mul3A_2, %add3A_18 : i32
    "tpu.region"() ({
      %run_scoped3A_206 = tpu.sem_alloc : memref<!tpu.dma_semaphore, #tpu.memory_space<semaphore_mem>>
      %dma_start3A_207 = arith.constant 0 : i32
      %dma_start3A_208 = arith.constant 0 : i32
      %dma_start3A_209 = tpu.memref_slice %arg10[%dma_start3A_207, %dma_start3A_208] : memref<104x128xf32, #tpu.memory_space<vmem>> -> memref<16x128xf32, #tpu.memory_space<vmem>>
      %dma_start3A_210 = arith.constant 0 : i32
      %dma_start3A_211 = tpu.memref_slice %arg14[%add3A_19, %dma_start3A_210] : memref<10240x128xf32, #tpu.memory_space<vmem_shared>> -> memref<16x128xf32, #tpu.memory_space<vmem_shared>>
      %dma_start3A_212 = arith.constant 0 : i32
      %dma_start3A_213 = tpu.memref_slice %arg14[%add3A_19, %dma_start3A_212] : memref<10240x128xf32, #tpu.memory_space<vmem_shared>> -> memref<16x128xf32, #tpu.memory_space<vmem_shared>>
      %dma_start3A_214 = arith.constant 0 : i32
      %dma_start3A_215 = arith.constant 0 : i32
      %dma_start3A_216 = tpu.memref_slice %arg10[%dma_start3A_214, %dma_start3A_215] : memref<104x128xf32, #tpu.memory_space<vmem>> -> memref<16x128xf32, #tpu.memory_space<vmem>>
      tpu.enqueue_dma source(%dma_start3A_216 : memref<16x128xf32, #tpu.memory_space<vmem>>) target(%dma_start3A_213 : memref<16x128xf32, #tpu.memory_space<vmem_shared>>) target_semaphore(%run_scoped3A_206 : memref<!tpu.dma_semaphore, #tpu.memory_space<semaphore_mem>>)
      %dma_wait3A_217 = arith.constant 0 : i32
      %dma_wait3A_218 = arith.constant 0 : i32
      %dma_wait3A_219 = tpu.memref_slice %arg10[%dma_wait3A_217, %dma_wait3A_218] : memref<104x128xf32, #tpu.memory_space<vmem>> -> memref<16x128xf32, #tpu.memory_space<vmem>>
      %dma_wait3A_220 = arith.constant 0 : i32
      %dma_wait3A_221 = tpu.memref_slice %arg14[%add3A_19, %dma_wait3A_220] : memref<10240x128xf32, #tpu.memory_space<vmem_shared>> -> memref<16x128xf32, #tpu.memory_space<vmem_shared>>
      %dma_wait3A_222 = arith.constant 0 : i32
      %dma_wait3A_223 = tpu.memref_slice %arg14[%add3A_19, %dma_wait3A_222] : memref<10240x128xf32, #tpu.memory_space<vmem_shared>> -> memref<16x128xf32, #tpu.memory_space<vmem_shared>>
      %dma_wait3A_224 = arith.constant 0 : i32
      %dma_wait3A_225 = arith.constant 0 : i32
      %dma_wait3A_226 = tpu.memref_slice %arg10[%dma_wait3A_224, %dma_wait3A_225] : memref<104x128xf32, #tpu.memory_space<vmem>> -> memref<16x128xf32, #tpu.memory_space<vmem>>
      tpu.wait_dma2 semaphore(%run_scoped3A_206 : memref<!tpu.dma_semaphore, #tpu.memory_space<semaphore_mem>>) src(%dma_wait3A_226 : memref<16x128xf32, #tpu.memory_space<vmem>>) dst(%dma_wait3A_223 : memref<16x128xf32, #tpu.memory_space<vmem_shared>>)
      tpu.yield
    }) : () -> ()
    %barrier3A = arith.constant 0 : index
    tpu.barrier barrier_id(%barrier3A)
    %add3A_20 = arith.constant 0 : i32
    %add3A_21 = arith.addi %mul3A_4, %add3A_20 : i32
    %dma_start3A = arith.constant 0 : i32
    %dma_start3A_22 = arith.constant 0 : i32
    %dma_start3A_23 = tpu.memref_slice %arg6[%dma_start3A, %dma_start3A_22] : memref<3x104xi32, #tpu.memory_space<vmem>> -> memref<1x104xi32, #tpu.memory_space<vmem>>
    %dma_start3A_24 = tpu.memref_squeeze %dma_start3A_23 : memref<1x104xi32, #tpu.memory_space<vmem>> -> memref<104xi32, #tpu.memory_space<vmem>>
    %dma_start3A_25 = tpu.memref_slice %arg3[%add3A_21] : memref<320000xi32, #tpu.memory_space<hbm>> -> memref<104xi32, #tpu.memory_space<hbm>>
    %dma_start3A_26 = arith.constant 0 : i32
    %dma_start3A_27 = tpu.memref_slice %arg6[%dma_start3A, %dma_start3A_26] : memref<3x104xi32, #tpu.memory_space<vmem>> -> memref<1x104xi32, #tpu.memory_space<vmem>>
    %dma_start3A_28 = tpu.memref_squeeze %dma_start3A_27 : memref<1x104xi32, #tpu.memory_space<vmem>> -> memref<104xi32, #tpu.memory_space<vmem>>
    %dma_start3A_29 = tpu.memref_slice %arg3[%add3A_21] : memref<320000xi32, #tpu.memory_space<hbm>> -> memref<104xi32, #tpu.memory_space<hbm>>
    tpu.enqueue_dma source(%dma_start3A_29 : memref<104xi32, #tpu.memory_space<hbm>>) target(%dma_start3A_28 : memref<104xi32, #tpu.memory_space<vmem>>) target_semaphore(%arg15 : memref<!tpu.dma_semaphore, #tpu.memory_space<semaphore_mem>>)
    %dma_start3A_30 = arith.constant 0 : i32
    %dma_start3A_31 = arith.constant 0 : i32
    %dma_start3A_32 = tpu.memref_slice %arg7[%dma_start3A_30, %dma_start3A_31] : memref<3x104xi32, #tpu.memory_space<vmem>> -> memref<1x104xi32, #tpu.memory_space<vmem>>
    %dma_start3A_33 = tpu.memref_squeeze %dma_start3A_32 : memref<1x104xi32, #tpu.memory_space<vmem>> -> memref<104xi32, #tpu.memory_space<vmem>>
    %dma_start3A_34 = tpu.memref_slice %arg4[%add3A_21] : memref<320000xi32, #tpu.memory_space<hbm>> -> memref<104xi32, #tpu.memory_space<hbm>>
    %dma_start3A_35 = arith.constant 0 : i32
    %dma_start3A_36 = tpu.memref_slice %arg7[%dma_start3A_30, %dma_start3A_35] : memref<3x104xi32, #tpu.memory_space<vmem>> -> memref<1x104xi32, #tpu.memory_space<vmem>>
    %dma_start3A_37 = tpu.memref_squeeze %dma_start3A_36 : memref<1x104xi32, #tpu.memory_space<vmem>> -> memref<104xi32, #tpu.memory_space<vmem>>
    %dma_start3A_38 = tpu.memref_slice %arg4[%add3A_21] : memref<320000xi32, #tpu.memory_space<hbm>> -> memref<104xi32, #tpu.memory_space<hbm>>
    tpu.enqueue_dma source(%dma_start3A_38 : memref<104xi32, #tpu.memory_space<hbm>>) target(%dma_start3A_37 : memref<104xi32, #tpu.memory_space<vmem>>) target_semaphore(%arg16 : memref<!tpu.dma_semaphore, #tpu.memory_space<semaphore_mem>>)
    %add3A_39 = arith.constant 104 : i32
    %add3A_40 = arith.addi %mul3A_4, %add3A_39 : i32
    %dma_start3A_41 = arith.constant 1 : i32
    %dma_start3A_42 = arith.constant 0 : i32
    %dma_start3A_43 = tpu.memref_slice %arg6[%dma_start3A_41, %dma_start3A_42] : memref<3x104xi32, #tpu.memory_space<vmem>> -> memref<1x104xi32, #tpu.memory_space<vmem>>
    %dma_start3A_44 = tpu.memref_squeeze %dma_start3A_43 : memref<1x104xi32, #tpu.memory_space<vmem>> -> memref<104xi32, #tpu.memory_space<vmem>>
    %dma_start3A_45 = tpu.memref_slice %arg3[%add3A_40] : memref<320000xi32, #tpu.memory_space<hbm>> -> memref<104xi32, #tpu.memory_space<hbm>>
    %dma_start3A_46 = arith.constant 0 : i32
    %dma_start3A_47 = tpu.memref_slice %arg6[%dma_start3A_41, %dma_start3A_46] : memref<3x104xi32, #tpu.memory_space<vmem>> -> memref<1x104xi32, #tpu.memory_space<vmem>>
    %dma_start3A_48 = tpu.memref_squeeze %dma_start3A_47 : memref<1x104xi32, #tpu.memory_space<vmem>> -> memref<104xi32, #tpu.memory_space<vmem>>
    %dma_start3A_49 = tpu.memref_slice %arg3[%add3A_40] : memref<320000xi32, #tpu.memory_space<hbm>> -> memref<104xi32, #tpu.memory_space<hbm>>
    tpu.enqueue_dma source(%dma_start3A_49 : memref<104xi32, #tpu.memory_space<hbm>>) target(%dma_start3A_48 : memref<104xi32, #tpu.memory_space<vmem>>) target_semaphore(%arg18 : memref<!tpu.dma_semaphore, #tpu.memory_space<semaphore_mem>>)
    %dma_start3A_50 = arith.constant 1 : i32
    %dma_start3A_51 = arith.constant 0 : i32
    %dma_start3A_52 = tpu.memref_slice %arg7[%dma_start3A_50, %dma_start3A_51] : memref<3x104xi32, #tpu.memory_space<vmem>> -> memref<1x104xi32, #tpu.memory_space<vmem>>
    %dma_start3A_53 = tpu.memref_squeeze %dma_start3A_52 : memref<1x104xi32, #tpu.memory_space<vmem>> -> memref<104xi32, #tpu.memory_space<vmem>>
    %dma_start3A_54 = tpu.memref_slice %arg4[%add3A_40] : memref<320000xi32, #tpu.memory_space<hbm>> -> memref<104xi32, #tpu.memory_space<hbm>>
    %dma_start3A_55 = arith.constant 0 : i32
    %dma_start3A_56 = tpu.memref_slice %arg7[%dma_start3A_50, %dma_start3A_55] : memref<3x104xi32, #tpu.memory_space<vmem>> -> memref<1x104xi32, #tpu.memory_space<vmem>>
    %dma_start3A_57 = tpu.memref_squeeze %dma_start3A_56 : memref<1x104xi32, #tpu.memory_space<vmem>> -> memref<104xi32, #tpu.memory_space<vmem>>
    %dma_start3A_58 = tpu.memref_slice %arg4[%add3A_40] : memref<320000xi32, #tpu.memory_space<hbm>> -> memref<104xi32, #tpu.memory_space<hbm>>
    tpu.enqueue_dma source(%dma_start3A_58 : memref<104xi32, #tpu.memory_space<hbm>>) target(%dma_start3A_57 : memref<104xi32, #tpu.memory_space<vmem>>) target_semaphore(%arg19 : memref<!tpu.dma_semaphore, #tpu.memory_space<semaphore_mem>>)
    %add3A_59 = arith.constant 208 : i32
    %add3A_60 = arith.addi %mul3A_4, %add3A_59 : i32
    %dma_start3A_61 = arith.constant 2 : i32
    %dma_start3A_62 = arith.constant 0 : i32
    %dma_start3A_63 = tpu.memref_slice %arg6[%dma_start3A_61, %dma_start3A_62] : memref<3x104xi32, #tpu.memory_space<vmem>> -> memref<1x104xi32, #tpu.memory_space<vmem>>
    %dma_start3A_64 = tpu.memref_squeeze %dma_start3A_63 : memref<1x104xi32, #tpu.memory_space<vmem>> -> memref<104xi32, #tpu.memory_space<vmem>>
    %dma_start3A_65 = tpu.memref_slice %arg3[%add3A_60] : memref<320000xi32, #tpu.memory_space<hbm>> -> memref<104xi32, #tpu.memory_space<hbm>>
    %dma_start3A_66 = arith.constant 0 : i32
    %dma_start3A_67 = tpu.memref_slice %arg6[%dma_start3A_61, %dma_start3A_66] : memref<3x104xi32, #tpu.memory_space<vmem>> -> memref<1x104xi32, #tpu.memory_space<vmem>>
    %dma_start3A_68 = tpu.memref_squeeze %dma_start3A_67 : memref<1x104xi32, #tpu.memory_space<vmem>> -> memref<104xi32, #tpu.memory_space<vmem>>
    %dma_start3A_69 = tpu.memref_slice %arg3[%add3A_60] : memref<320000xi32, #tpu.memory_space<hbm>> -> memref<104xi32, #tpu.memory_space<hbm>>
    tpu.enqueue_dma source(%dma_start3A_69 : memref<104xi32, #tpu.memory_space<hbm>>) target(%dma_start3A_68 : memref<104xi32, #tpu.memory_space<vmem>>) target_semaphore(%arg21 : memref<!tpu.dma_semaphore, #tpu.memory_space<semaphore_mem>>)
    %dma_start3A_70 = arith.constant 2 : i32
    %dma_start3A_71 = arith.constant 0 : i32
    %dma_start3A_72 = tpu.memref_slice %arg7[%dma_start3A_70, %dma_start3A_71] : memref<3x104xi32, #tpu.memory_space<vmem>> -> memref<1x104xi32, #tpu.memory_space<vmem>>
    %dma_start3A_73 = tpu.memref_squeeze %dma_start3A_72 : memref<1x104xi32, #tpu.memory_space<vmem>> -> memref<104xi32, #tpu.memory_space<vmem>>
    %dma_start3A_74 = tpu.memref_slice %arg4[%add3A_60] : memref<320000xi32, #tpu.memory_space<hbm>> -> memref<104xi32, #tpu.memory_space<hbm>>
    %dma_start3A_75 = arith.constant 0 : i32
    %dma_start3A_76 = tpu.memref_slice %arg7[%dma_start3A_70, %dma_start3A_75] : memref<3x104xi32, #tpu.memory_space<vmem>> -> memref<1x104xi32, #tpu.memory_space<vmem>>
    %dma_start3A_77 = tpu.memref_squeeze %dma_start3A_76 : memref<1x104xi32, #tpu.memory_space<vmem>> -> memref<104xi32, #tpu.memory_space<vmem>>
    %dma_start3A_78 = tpu.memref_slice %arg4[%add3A_60] : memref<320000xi32, #tpu.memory_space<hbm>> -> memref<104xi32, #tpu.memory_space<hbm>>
    tpu.enqueue_dma source(%dma_start3A_78 : memref<104xi32, #tpu.memory_space<hbm>>) target(%dma_start3A_77 : memref<104xi32, #tpu.memory_space<vmem>>) target_semaphore(%arg22 : memref<!tpu.dma_semaphore, #tpu.memory_space<semaphore_mem>>)
    %dma_wait3A = arith.constant 0 : i32
    %dma_wait3A_79 = arith.constant 0 : i32
    %dma_wait3A_80 = tpu.memref_slice %arg6[%dma_wait3A, %dma_wait3A_79] : memref<3x104xi32, #tpu.memory_space<vmem>> -> memref<1x104xi32, #tpu.memory_space<vmem>>
    %dma_wait3A_81 = tpu.memref_squeeze %dma_wait3A_80 : memref<1x104xi32, #tpu.memory_space<vmem>> -> memref<104xi32, #tpu.memory_space<vmem>>
    %dma_wait3A_82 = arith.constant 0 : i32
    %dma_wait3A_83 = tpu.memref_slice %arg3[%dma_wait3A_82] : memref<320000xi32, #tpu.memory_space<hbm>> -> memref<104xi32, #tpu.memory_space<hbm>>
    %dma_wait3A_84 = arith.constant 0 : i32
    %dma_wait3A_85 = tpu.memref_slice %arg6[%dma_wait3A, %dma_wait3A_84] : memref<3x104xi32, #tpu.memory_space<vmem>> -> memref<1x104xi32, #tpu.memory_space<vmem>>
    %dma_wait3A_86 = tpu.memref_squeeze %dma_wait3A_85 : memref<1x104xi32, #tpu.memory_space<vmem>> -> memref<104xi32, #tpu.memory_space<vmem>>
    %dma_wait3A_87 = arith.constant 0 : i32
    %dma_wait3A_88 = tpu.memref_slice %arg3[%dma_wait3A_87] : memref<320000xi32, #tpu.memory_space<hbm>> -> memref<104xi32, #tpu.memory_space<hbm>>
    tpu.wait_dma2 semaphore(%arg15 : memref<!tpu.dma_semaphore, #tpu.memory_space<semaphore_mem>>) src(%dma_wait3A_88 : memref<104xi32, #tpu.memory_space<hbm>>) dst(%dma_wait3A_86 : memref<104xi32, #tpu.memory_space<vmem>>)
    %dma_start3A_89 = arith.constant 0 : i32
    %dma_start3A_90 = arith.constant 0 : i32
    %dma_start3A_91 = tpu.memref_slice %arg6[%dma_start3A_89, %dma_start3A_90] : memref<3x104xi32, #tpu.memory_space<vmem>> -> memref<1x104xi32, #tpu.memory_space<vmem>>
    %dma_start3A_92 = tpu.memref_squeeze %dma_start3A_91 : memref<1x104xi32, #tpu.memory_space<vmem>> -> memref<104xi32, #tpu.memory_space<vmem>>
    %dma_start3A_93 = arith.constant 0 : i32
    %dma_start3A_94 = arith.constant 0 : i32
    %dma_start3A_95 = tpu.memref_slice %arg2[%dma_start3A_93, %dma_start3A_94] : memref<10240x128xf32, #tpu.memory_space<hbm>> -> memref<10240x128xf32, #tpu.memory_space<hbm>>
    tpu.enqueue_indirect_dma source(%dma_start3A_95 : memref<10240x128xf32, #tpu.memory_space<hbm>>) target(%arg10 : memref<104x128xf32, #tpu.memory_space<vmem>>) offsets(%dma_start3A_92 : memref<104xi32, #tpu.memory_space<vmem>>) semaphore(%arg17 : memref<!tpu.dma_semaphore, #tpu.memory_space<semaphore_mem>>)
    %dma_wait3A_96 = arith.constant 1 : i32
    %dma_wait3A_97 = arith.constant 0 : i32
    %dma_wait3A_98 = tpu.memref_slice %arg6[%dma_wait3A_96, %dma_wait3A_97] : memref<3x104xi32, #tpu.memory_space<vmem>> -> memref<1x104xi32, #tpu.memory_space<vmem>>
    %dma_wait3A_99 = tpu.memref_squeeze %dma_wait3A_98 : memref<1x104xi32, #tpu.memory_space<vmem>> -> memref<104xi32, #tpu.memory_space<vmem>>
    %dma_wait3A_100 = arith.constant 0 : i32
    %dma_wait3A_101 = tpu.memref_slice %arg3[%dma_wait3A_100] : memref<320000xi32, #tpu.memory_space<hbm>> -> memref<104xi32, #tpu.memory_space<hbm>>
    %dma_wait3A_102 = arith.constant 0 : i32
    %dma_wait3A_103 = tpu.memref_slice %arg6[%dma_wait3A_96, %dma_wait3A_102] : memref<3x104xi32, #tpu.memory_space<vmem>> -> memref<1x104xi32, #tpu.memory_space<vmem>>
    %dma_wait3A_104 = tpu.memref_squeeze %dma_wait3A_103 : memref<1x104xi32, #tpu.memory_space<vmem>> -> memref<104xi32, #tpu.memory_space<vmem>>
    %dma_wait3A_105 = arith.constant 0 : i32
    %dma_wait3A_106 = tpu.memref_slice %arg3[%dma_wait3A_105] : memref<320000xi32, #tpu.memory_space<hbm>> -> memref<104xi32, #tpu.memory_space<hbm>>
    tpu.wait_dma2 semaphore(%arg18 : memref<!tpu.dma_semaphore, #tpu.memory_space<semaphore_mem>>) src(%dma_wait3A_106 : memref<104xi32, #tpu.memory_space<hbm>>) dst(%dma_wait3A_104 : memref<104xi32, #tpu.memory_space<vmem>>)
    %dma_start3A_107 = arith.constant 1 : i32
    %dma_start3A_108 = arith.constant 0 : i32
    %dma_start3A_109 = tpu.memref_slice %arg6[%dma_start3A_107, %dma_start3A_108] : memref<3x104xi32, #tpu.memory_space<vmem>> -> memref<1x104xi32, #tpu.memory_space<vmem>>
    %dma_start3A_110 = tpu.memref_squeeze %dma_start3A_109 : memref<1x104xi32, #tpu.memory_space<vmem>> -> memref<104xi32, #tpu.memory_space<vmem>>
    %dma_start3A_111 = arith.constant 0 : i32
    %dma_start3A_112 = arith.constant 0 : i32
    %dma_start3A_113 = tpu.memref_slice %arg2[%dma_start3A_111, %dma_start3A_112] : memref<10240x128xf32, #tpu.memory_space<hbm>> -> memref<10240x128xf32, #tpu.memory_space<hbm>>
    tpu.enqueue_indirect_dma source(%dma_start3A_113 : memref<10240x128xf32, #tpu.memory_space<hbm>>) target(%arg11 : memref<104x128xf32, #tpu.memory_space<vmem>>) offsets(%dma_start3A_110 : memref<104xi32, #tpu.memory_space<vmem>>) semaphore(%arg20 : memref<!tpu.dma_semaphore, #tpu.memory_space<semaphore_mem>>)
    %dma_wait3A_114 = arith.constant 2 : i32
    %dma_wait3A_115 = arith.constant 0 : i32
    %dma_wait3A_116 = tpu.memref_slice %arg6[%dma_wait3A_114, %dma_wait3A_115] : memref<3x104xi32, #tpu.memory_space<vmem>> -> memref<1x104xi32, #tpu.memory_space<vmem>>
    %dma_wait3A_117 = tpu.memref_squeeze %dma_wait3A_116 : memref<1x104xi32, #tpu.memory_space<vmem>> -> memref<104xi32, #tpu.memory_space<vmem>>
    %dma_wait3A_118 = arith.constant 0 : i32
    %dma_wait3A_119 = tpu.memref_slice %arg3[%dma_wait3A_118] : memref<320000xi32, #tpu.memory_space<hbm>> -> memref<104xi32, #tpu.memory_space<hbm>>
    %dma_wait3A_120 = arith.constant 0 : i32
    %dma_wait3A_121 = tpu.memref_slice %arg6[%dma_wait3A_114, %dma_wait3A_120] : memref<3x104xi32, #tpu.memory_space<vmem>> -> memref<1x104xi32, #tpu.memory_space<vmem>>
    %dma_wait3A_122 = tpu.memref_squeeze %dma_wait3A_121 : memref<1x104xi32, #tpu.memory_space<vmem>> -> memref<104xi32, #tpu.memory_space<vmem>>
    %dma_wait3A_123 = arith.constant 0 : i32
    %dma_wait3A_124 = tpu.memref_slice %arg3[%dma_wait3A_123] : memref<320000xi32, #tpu.memory_space<hbm>> -> memref<104xi32, #tpu.memory_space<hbm>>
    tpu.wait_dma2 semaphore(%arg21 : memref<!tpu.dma_semaphore, #tpu.memory_space<semaphore_mem>>) src(%dma_wait3A_124 : memref<104xi32, #tpu.memory_space<hbm>>) dst(%dma_wait3A_122 : memref<104xi32, #tpu.memory_space<vmem>>)
    %dma_start3A_125 = arith.constant 2 : i32
    %dma_start3A_126 = arith.constant 0 : i32
    %dma_start3A_127 = tpu.memref_slice %arg6[%dma_start3A_125, %dma_start3A_126] : memref<3x104xi32, #tpu.memory_space<vmem>> -> memref<1x104xi32, #tpu.memory_space<vmem>>
    %dma_start3A_128 = tpu.memref_squeeze %dma_start3A_127 : memref<1x104xi32, #tpu.memory_space<vmem>> -> memref<104xi32, #tpu.memory_space<vmem>>
    %dma_start3A_129 = arith.constant 0 : i32
    %dma_start3A_130 = arith.constant 0 : i32
    %dma_start3A_131 = tpu.memref_slice %arg2[%dma_start3A_129, %dma_start3A_130] : memref<10240x128xf32, #tpu.memory_space<hbm>> -> memref<10240x128xf32, #tpu.memory_space<hbm>>
    tpu.enqueue_indirect_dma source(%dma_start3A_131 : memref<10240x128xf32, #tpu.memory_space<hbm>>) target(%arg12 : memref<104x128xf32, #tpu.memory_space<vmem>>) offsets(%dma_start3A_128 : memref<104xi32, #tpu.memory_space<vmem>>) semaphore(%arg23 : memref<!tpu.dma_semaphore, #tpu.memory_space<semaphore_mem>>)
    %scan3A_132 = arith.constant 0 : i32
    %scan3A_133 = arith.constant 0 : i32
    %scan3A_134 = arith.constant 31 : i32
    %scan3A_135 = arith.addi %scan3A_133, %scan3A_134 : i32
    %scan3A_136 = arith.constant 1 : i32
    %scan3A_137 = scf.for %scan3A_206 = %scan3A_133 to %scan3A_135 step %scan3A_136 iter_args(%scan3A_207 = %scan3A_132) -> (i32)  : i32 {
      %mul3A_208 = arith.constant 3 : i32
      %mul3A_209 = arith.muli %mul3A_208, %scan3A_206 : i32
      %dma_wait3A_210 = arith.constant 0 : i32
      %dma_wait3A_211 = arith.constant 0 : i32
      %dma_wait3A_212 = tpu.memref_slice %arg6[%dma_wait3A_210, %dma_wait3A_211] : memref<3x104xi32, #tpu.memory_space<vmem>> -> memref<1x104xi32, #tpu.memory_space<vmem>>
      %dma_wait3A_213 = tpu.memref_squeeze %dma_wait3A_212 : memref<1x104xi32, #tpu.memory_space<vmem>> -> memref<104xi32, #tpu.memory_space<vmem>>
      %dma_wait3A_214 = arith.constant 0 : i32
      %dma_wait3A_215 = arith.constant 0 : i32
      %dma_wait3A_216 = tpu.memref_slice %arg2[%dma_wait3A_214, %dma_wait3A_215] : memref<10240x128xf32, #tpu.memory_space<hbm>> -> memref<10240x128xf32, #tpu.memory_space<hbm>>
      tpu.wait_indirect_dma semaphore(%arg17 : memref<!tpu.dma_semaphore, #tpu.memory_space<semaphore_mem>>) src(%dma_wait3A_216 : memref<10240x128xf32, #tpu.memory_space<hbm>>) dst(%arg10 : memref<104x128xf32, #tpu.memory_space<vmem>>)
      %dma_wait3A_217 = arith.constant 0 : i32
      %dma_wait3A_218 = arith.constant 0 : i32
      %dma_wait3A_219 = tpu.memref_slice %arg7[%dma_wait3A_217, %dma_wait3A_218] : memref<3x104xi32, #tpu.memory_space<vmem>> -> memref<1x104xi32, #tpu.memory_space<vmem>>
      %dma_wait3A_220 = tpu.memref_squeeze %dma_wait3A_219 : memref<1x104xi32, #tpu.memory_space<vmem>> -> memref<104xi32, #tpu.memory_space<vmem>>
      %dma_wait3A_221 = arith.constant 0 : i32
      %dma_wait3A_222 = tpu.memref_slice %arg4[%dma_wait3A_221] : memref<320000xi32, #tpu.memory_space<hbm>> -> memref<104xi32, #tpu.memory_space<hbm>>
      %dma_wait3A_223 = arith.constant 0 : i32
      %dma_wait3A_224 = tpu.memref_slice %arg7[%dma_wait3A_217, %dma_wait3A_223] : memref<3x104xi32, #tpu.memory_space<vmem>> -> memref<1x104xi32, #tpu.memory_space<vmem>>
      %dma_wait3A_225 = tpu.memref_squeeze %dma_wait3A_224 : memref<1x104xi32, #tpu.memory_space<vmem>> -> memref<104xi32, #tpu.memory_space<vmem>>
      %dma_wait3A_226 = arith.constant 0 : i32
      %dma_wait3A_227 = tpu.memref_slice %arg4[%dma_wait3A_226] : memref<320000xi32, #tpu.memory_space<hbm>> -> memref<104xi32, #tpu.memory_space<hbm>>
      tpu.wait_dma2 semaphore(%arg16 : memref<!tpu.dma_semaphore, #tpu.memory_space<semaphore_mem>>) src(%dma_wait3A_227 : memref<104xi32, #tpu.memory_space<hbm>>) dst(%dma_wait3A_225 : memref<104xi32, #tpu.memory_space<vmem>>)
      %run_scoped3A_228 = arith.constant 0 : i32
      "tpu.region"() ({
        %run_scoped3A_397 = tpu.sem_alloc : memref<!tpu.dma_semaphore, #tpu.memory_space<semaphore_mem>>
        %dma_start3A_398 = arith.constant 0 : i32
        %dma_start3A_399 = tpu.memref_slice %arg7[%run_scoped3A_228, %dma_start3A_398] : memref<3x104xi32, #tpu.memory_space<vmem>> -> memref<1x104xi32, #tpu.memory_space<vmem>>
        %dma_start3A_400 = tpu.memref_squeeze %dma_start3A_399 : memref<1x104xi32, #tpu.memory_space<vmem>> -> memref<104xi32, #tpu.memory_space<vmem>>
        %dma_start3A_401 = arith.constant 0 : i32
        %dma_start3A_402 = arith.constant 0 : i32
        %dma_start3A_403 = tpu.memref_slice %arg14[%dma_start3A_401, %dma_start3A_402] : memref<10240x128xf32, #tpu.memory_space<vmem_shared>> -> memref<10240x128xf32, #tpu.memory_space<vmem_shared>>
        tpu.enqueue_indirect_dma source(%arg10 : memref<104x128xf32, #tpu.memory_space<vmem>>) target(%dma_start3A_403 : memref<10240x128xf32, #tpu.memory_space<vmem_shared>>) offsets(%dma_start3A_400 : memref<104xi32, #tpu.memory_space<vmem>>) semaphore(%run_scoped3A_397 : memref<!tpu.dma_semaphore, #tpu.memory_space<semaphore_mem>>) {add = true}
        %dma_wait3A_404 = arith.constant 0 : i32
        %dma_wait3A_405 = tpu.memref_slice %arg7[%run_scoped3A_228, %dma_wait3A_404] : memref<3x104xi32, #tpu.memory_space<vmem>> -> memref<1x104xi32, #tpu.memory_space<vmem>>
        %dma_wait3A_406 = tpu.memref_squeeze %dma_wait3A_405 : memref<1x104xi32, #tpu.memory_space<vmem>> -> memref<104xi32, #tpu.memory_space<vmem>>
        %dma_wait3A_407 = arith.constant 0 : i32
        %dma_wait3A_408 = arith.constant 0 : i32
        %dma_wait3A_409 = tpu.memref_slice %arg14[%dma_wait3A_407, %dma_wait3A_408] : memref<10240x128xf32, #tpu.memory_space<vmem_shared>> -> memref<10240x128xf32, #tpu.memory_space<vmem_shared>>
        tpu.wait_indirect_dma semaphore(%run_scoped3A_397 : memref<!tpu.dma_semaphore, #tpu.memory_space<semaphore_mem>>) src(%arg10 : memref<104x128xf32, #tpu.memory_space<vmem>>) dst(%dma_wait3A_409 : memref<10240x128xf32, #tpu.memory_space<vmem_shared>>)
        tpu.yield
      }) : () -> ()
      %add3A_229 = arith.constant 3 : i32
      %add3A_230 = arith.addi %mul3A_209, %add3A_229 : i32
      %add3A_231 = arith.constant 0 : i32
      %add3A_232 = arith.addi %add3A_230, %add3A_231 : i32
      %mul3A_233 = arith.constant 104 : i32
      %mul3A_234 = arith.muli %add3A_232, %mul3A_233 : i32
      %add3A_235 = arith.addi %mul3A_4, %mul3A_234 : i32
      %dma_start3A_236 = arith.constant 0 : i32
      %dma_start3A_237 = arith.constant 0 : i32
      %dma_start3A_238 = tpu.memref_slice %arg6[%dma_start3A_236, %dma_start3A_237] : memref<3x104xi32, #tpu.memory_space<vmem>> -> memref<1x104xi32, #tpu.memory_space<vmem>>
      %dma_start3A_239 = tpu.memref_squeeze %dma_start3A_238 : memref<1x104xi32, #tpu.memory_space<vmem>> -> memref<104xi32, #tpu.memory_space<vmem>>
      %dma_start3A_240 = tpu.memref_slice %arg3[%add3A_235] : memref<320000xi32, #tpu.memory_space<hbm>> -> memref<104xi32, #tpu.memory_space<hbm>>
      %dma_start3A_241 = arith.constant 0 : i32
      %dma_start3A_242 = tpu.memref_slice %arg6[%dma_start3A_236, %dma_start3A_241] : memref<3x104xi32, #tpu.memory_space<vmem>> -> memref<1x104xi32, #tpu.memory_space<vmem>>
      %dma_start3A_243 = tpu.memref_squeeze %dma_start3A_242 : memref<1x104xi32, #tpu.memory_space<vmem>> -> memref<104xi32, #tpu.memory_space<vmem>>
      %dma_start3A_244 = tpu.memref_slice %arg3[%add3A_235] : memref<320000xi32, #tpu.memory_space<hbm>> -> memref<104xi32, #tpu.memory_space<hbm>>
      tpu.enqueue_dma source(%dma_start3A_244 : memref<104xi32, #tpu.memory_space<hbm>>) target(%dma_start3A_243 : memref<104xi32, #tpu.memory_space<vmem>>) target_semaphore(%arg15 : memref<!tpu.dma_semaphore, #tpu.memory_space<semaphore_mem>>)
      %dma_start3A_245 = arith.constant 0 : i32
      %dma_start3A_246 = arith.constant 0 : i32
      %dma_start3A_247 = tpu.memref_slice %arg7[%dma_start3A_245, %dma_start3A_246] : memref<3x104xi32, #tpu.memory_space<vmem>> -> memref<1x104xi32, #tpu.memory_space<vmem>>
      %dma_start3A_248 = tpu.memref_squeeze %dma_start3A_247 : memref<1x104xi32, #tpu.memory_space<vmem>> -> memref<104xi32, #tpu.memory_space<vmem>>
      %dma_start3A_249 = tpu.memref_slice %arg4[%add3A_235] : memref<320000xi32, #tpu.memory_space<hbm>> -> memref<104xi32, #tpu.memory_space<hbm>>
      %dma_start3A_250 = arith.constant 0 : i32
      %dma_start3A_251 = tpu.memref_slice %arg7[%dma_start3A_245, %dma_start3A_250] : memref<3x104xi32, #tpu.memory_space<vmem>> -> memref<1x104xi32, #tpu.memory_space<vmem>>
      %dma_start3A_252 = tpu.memref_squeeze %dma_start3A_251 : memref<1x104xi32, #tpu.memory_space<vmem>> -> memref<104xi32, #tpu.memory_space<vmem>>
      %dma_start3A_253 = tpu.memref_slice %arg4[%add3A_235] : memref<320000xi32, #tpu.memory_space<hbm>> -> memref<104xi32, #tpu.memory_space<hbm>>
      tpu.enqueue_dma source(%dma_start3A_253 : memref<104xi32, #tpu.memory_space<hbm>>) target(%dma_start3A_252 : memref<104xi32, #tpu.memory_space<vmem>>) target_semaphore(%arg16 : memref<!tpu.dma_semaphore, #tpu.memory_space<semaphore_mem>>)
      %dma_wait3A_254 = arith.constant 0 : i32
      %dma_wait3A_255 = arith.constant 0 : i32
      %dma_wait3A_256 = tpu.memref_slice %arg6[%dma_wait3A_254, %dma_wait3A_255] : memref<3x104xi32, #tpu.memory_space<vmem>> -> memref<1x104xi32, #tpu.memory_space<vmem>>
      %dma_wait3A_257 = tpu.memref_squeeze %dma_wait3A_256 : memref<1x104xi32, #tpu.memory_space<vmem>> -> memref<104xi32, #tpu.memory_space<vmem>>
      %dma_wait3A_258 = arith.constant 0 : i32
      %dma_wait3A_259 = tpu.memref_slice %arg3[%dma_wait3A_258] : memref<320000xi32, #tpu.memory_space<hbm>> -> memref<104xi32, #tpu.memory_space<hbm>>
      %dma_wait3A_260 = arith.constant 0 : i32
      %dma_wait3A_261 = tpu.memref_slice %arg6[%dma_wait3A_254, %dma_wait3A_260] : memref<3x104xi32, #tpu.memory_space<vmem>> -> memref<1x104xi32, #tpu.memory_space<vmem>>
      %dma_wait3A_262 = tpu.memref_squeeze %dma_wait3A_261 : memref<1x104xi32, #tpu.memory_space<vmem>> -> memref<104xi32, #tpu.memory_space<vmem>>
      %dma_wait3A_263 = arith.constant 0 : i32
      %dma_wait3A_264 = tpu.memref_slice %arg3[%dma_wait3A_263] : memref<320000xi32, #tpu.memory_space<hbm>> -> memref<104xi32, #tpu.memory_space<hbm>>
      tpu.wait_dma2 semaphore(%arg15 : memref<!tpu.dma_semaphore, #tpu.memory_space<semaphore_mem>>) src(%dma_wait3A_264 : memref<104xi32, #tpu.memory_space<hbm>>) dst(%dma_wait3A_262 : memref<104xi32, #tpu.memory_space<vmem>>)
      %dma_start3A_265 = arith.constant 0 : i32
      %dma_start3A_266 = arith.constant 0 : i32
      %dma_start3A_267 = tpu.memref_slice %arg6[%dma_start3A_265, %dma_start3A_266] : memref<3x104xi32, #tpu.memory_space<vmem>> -> memref<1x104xi32, #tpu.memory_space<vmem>>
      %dma_start3A_268 = tpu.memref_squeeze %dma_start3A_267 : memref<1x104xi32, #tpu.memory_space<vmem>> -> memref<104xi32, #tpu.memory_space<vmem>>
      %dma_start3A_269 = arith.constant 0 : i32
      %dma_start3A_270 = arith.constant 0 : i32
      %dma_start3A_271 = tpu.memref_slice %arg2[%dma_start3A_269, %dma_start3A_270] : memref<10240x128xf32, #tpu.memory_space<hbm>> -> memref<10240x128xf32, #tpu.memory_space<hbm>>
      tpu.enqueue_indirect_dma source(%dma_start3A_271 : memref<10240x128xf32, #tpu.memory_space<hbm>>) target(%arg10 : memref<104x128xf32, #tpu.memory_space<vmem>>) offsets(%dma_start3A_268 : memref<104xi32, #tpu.memory_space<vmem>>) semaphore(%arg17 : memref<!tpu.dma_semaphore, #tpu.memory_space<semaphore_mem>>)
      %dma_wait3A_272 = arith.constant 1 : i32
      %dma_wait3A_273 = arith.constant 0 : i32
      %dma_wait3A_274 = tpu.memref_slice %arg6[%dma_wait3A_272, %dma_wait3A_273] : memref<3x104xi32, #tpu.memory_space<vmem>> -> memref<1x104xi32, #tpu.memory_space<vmem>>
      %dma_wait3A_275 = tpu.memref_squeeze %dma_wait3A_274 : memref<1x104xi32, #tpu.memory_space<vmem>> -> memref<104xi32, #tpu.memory_space<vmem>>
      %dma_wait3A_276 = arith.constant 0 : i32
      %dma_wait3A_277 = arith.constant 0 : i32
      %dma_wait3A_278 = tpu.memref_slice %arg2[%dma_wait3A_276, %dma_wait3A_277] : memref<10240x128xf32, #tpu.memory_space<hbm>> -> memref<10240x128xf32, #tpu.memory_space<hbm>>
      tpu.wait_indirect_dma semaphore(%arg20 : memref<!tpu.dma_semaphore, #tpu.memory_space<semaphore_mem>>) src(%dma_wait3A_278 : memref<10240x128xf32, #tpu.memory_space<hbm>>) dst(%arg11 : memref<104x128xf32, #tpu.memory_space<vmem>>)
      %dma_wait3A_279 = arith.constant 1 : i32
      %dma_wait3A_280 = arith.constant 0 : i32
      %dma_wait3A_281 = tpu.memref_slice %arg7[%dma_wait3A_279, %dma_wait3A_280] : memref<3x104xi32, #tpu.memory_space<vmem>> -> memref<1x104xi32, #tpu.memory_space<vmem>>
      %dma_wait3A_282 = tpu.memref_squeeze %dma_wait3A_281 : memref<1x104xi32, #tpu.memory_space<vmem>> -> memref<104xi32, #tpu.memory_space<vmem>>
      %dma_wait3A_283 = arith.constant 0 : i32
      %dma_wait3A_284 = tpu.memref_slice %arg4[%dma_wait3A_283] : memref<320000xi32, #tpu.memory_space<hbm>> -> memref<104xi32, #tpu.memory_space<hbm>>
      %dma_wait3A_285 = arith.constant 0 : i32
      %dma_wait3A_286 = tpu.memref_slice %arg7[%dma_wait3A_279, %dma_wait3A_285] : memref<3x104xi32, #tpu.memory_space<vmem>> -> memref<1x104xi32, #tpu.memory_space<vmem>>
      %dma_wait3A_287 = tpu.memref_squeeze %dma_wait3A_286 : memref<1x104xi32, #tpu.memory_space<vmem>> -> memref<104xi32, #tpu.memory_space<vmem>>
      %dma_wait3A_288 = arith.constant 0 : i32
      %dma_wait3A_289 = tpu.memref_slice %arg4[%dma_wait3A_288] : memref<320000xi32, #tpu.memory_space<hbm>> -> memref<104xi32, #tpu.memory_space<hbm>>
      tpu.wait_dma2 semaphore(%arg19 : memref<!tpu.dma_semaphore, #tpu.memory_space<semaphore_mem>>) src(%dma_wait3A_289 : memref<104xi32, #tpu.memory_space<hbm>>) dst(%dma_wait3A_287 : memref<104xi32, #tpu.memory_space<vmem>>)
      %run_scoped3A_290 = arith.constant 1 : i32
      "tpu.region"() ({
        %run_scoped3A_397 = tpu.sem_alloc : memref<!tpu.dma_semaphore, #tpu.memory_space<semaphore_mem>>
        %dma_start3A_398 = arith.constant 0 : i32
        %dma_start3A_399 = tpu.memref_slice %arg7[%run_scoped3A_290, %dma_start3A_398] : memref<3x104xi32, #tpu.memory_space<vmem>> -> memref<1x104xi32, #tpu.memory_space<vmem>>
        %dma_start3A_400 = tpu.memref_squeeze %dma_start3A_399 : memref<1x104xi32, #tpu.memory_space<vmem>> -> memref<104xi32, #tpu.memory_space<vmem>>
        %dma_start3A_401 = arith.constant 0 : i32
        %dma_start3A_402 = arith.constant 0 : i32
        %dma_start3A_403 = tpu.memref_slice %arg14[%dma_start3A_401, %dma_start3A_402] : memref<10240x128xf32, #tpu.memory_space<vmem_shared>> -> memref<10240x128xf32, #tpu.memory_space<vmem_shared>>
        tpu.enqueue_indirect_dma source(%arg11 : memref<104x128xf32, #tpu.memory_space<vmem>>) target(%dma_start3A_403 : memref<10240x128xf32, #tpu.memory_space<vmem_shared>>) offsets(%dma_start3A_400 : memref<104xi32, #tpu.memory_space<vmem>>) semaphore(%run_scoped3A_397 : memref<!tpu.dma_semaphore, #tpu.memory_space<semaphore_mem>>) {add = true}
        %dma_wait3A_404 = arith.constant 0 : i32
        %dma_wait3A_405 = tpu.memref_slice %arg7[%run_scoped3A_290, %dma_wait3A_404] : memref<3x104xi32, #tpu.memory_space<vmem>> -> memref<1x104xi32, #tpu.memory_space<vmem>>
        %dma_wait3A_406 = tpu.memref_squeeze %dma_wait3A_405 : memref<1x104xi32, #tpu.memory_space<vmem>> -> memref<104xi32, #tpu.memory_space<vmem>>
        %dma_wait3A_407 = arith.constant 0 : i32
        %dma_wait3A_408 = arith.constant 0 : i32
        %dma_wait3A_409 = tpu.memref_slice %arg14[%dma_wait3A_407, %dma_wait3A_408] : memref<10240x128xf32, #tpu.memory_space<vmem_shared>> -> memref<10240x128xf32, #tpu.memory_space<vmem_shared>>
        tpu.wait_indirect_dma semaphore(%run_scoped3A_397 : memref<!tpu.dma_semaphore, #tpu.memory_space<semaphore_mem>>) src(%arg11 : memref<104x128xf32, #tpu.memory_space<vmem>>) dst(%dma_wait3A_409 : memref<10240x128xf32, #tpu.memory_space<vmem_shared>>)
        tpu.yield
      }) : () -> ()
      %add3A_291 = arith.constant 3 : i32
      %add3A_292 = arith.addi %mul3A_209, %add3A_291 : i32
      %add3A_293 = arith.constant 1 : i32
      %add3A_294 = arith.addi %add3A_292, %add3A_293 : i32
      %mul3A_295 = arith.constant 104 : i32
      %mul3A_296 = arith.muli %add3A_294, %mul3A_295 : i32
      %add3A_297 = arith.addi %mul3A_4, %mul3A_296 : i32
      %dma_start3A_298 = arith.constant 1 : i32
      %dma_start3A_299 = arith.constant 0 : i32
      %dma_start3A_300 = tpu.memref_slice %arg6[%dma_start3A_298, %dma_start3A_299] : memref<3x104xi32, #tpu.memory_space<vmem>> -> memref<1x104xi32, #tpu.memory_space<vmem>>
      %dma_start3A_301 = tpu.memref_squeeze %dma_start3A_300 : memref<1x104xi32, #tpu.memory_space<vmem>> -> memref<104xi32, #tpu.memory_space<vmem>>
      %dma_start3A_302 = tpu.memref_slice %arg3[%add3A_297] : memref<320000xi32, #tpu.memory_space<hbm>> -> memref<104xi32, #tpu.memory_space<hbm>>
      %dma_start3A_303 = arith.constant 0 : i32
      %dma_start3A_304 = tpu.memref_slice %arg6[%dma_start3A_298, %dma_start3A_303] : memref<3x104xi32, #tpu.memory_space<vmem>> -> memref<1x104xi32, #tpu.memory_space<vmem>>
      %dma_start3A_305 = tpu.memref_squeeze %dma_start3A_304 : memref<1x104xi32, #tpu.memory_space<vmem>> -> memref<104xi32, #tpu.memory_space<vmem>>
      %dma_start3A_306 = tpu.memref_slice %arg3[%add3A_297] : memref<320000xi32, #tpu.memory_space<hbm>> -> memref<104xi32, #tpu.memory_space<hbm>>
      tpu.enqueue_dma source(%dma_start3A_306 : memref<104xi32, #tpu.memory_space<hbm>>) target(%dma_start3A_305 : memref<104xi32, #tpu.memory_space<vmem>>) target_semaphore(%arg18 : memref<!tpu.dma_semaphore, #tpu.memory_space<semaphore_mem>>)
      %dma_start3A_307 = arith.constant 1 : i32
      %dma_start3A_308 = arith.constant 0 : i32
      %dma_start3A_309 = tpu.memref_slice %arg7[%dma_start3A_307, %dma_start3A_308] : memref<3x104xi32, #tpu.memory_space<vmem>> -> memref<1x104xi32, #tpu.memory_space<vmem>>
      %dma_start3A_310 = tpu.memref_squeeze %dma_start3A_309 : memref<1x104xi32, #tpu.memory_space<vmem>> -> memref<104xi32, #tpu.memory_space<vmem>>
      %dma_start3A_311 = tpu.memref_slice %arg4[%add3A_297] : memref<320000xi32, #tpu.memory_space<hbm>> -> memref<104xi32, #tpu.memory_space<hbm>>
      %dma_start3A_312 = arith.constant 0 : i32
      %dma_start3A_313 = tpu.memref_slice %arg7[%dma_start3A_307, %dma_start3A_312] : memref<3x104xi32, #tpu.memory_space<vmem>> -> memref<1x104xi32, #tpu.memory_space<vmem>>
      %dma_start3A_314 = tpu.memref_squeeze %dma_start3A_313 : memref<1x104xi32, #tpu.memory_space<vmem>> -> memref<104xi32, #tpu.memory_space<vmem>>
      %dma_start3A_315 = tpu.memref_slice %arg4[%add3A_297] : memref<320000xi32, #tpu.memory_space<hbm>> -> memref<104xi32, #tpu.memory_space<hbm>>
      tpu.enqueue_dma source(%dma_start3A_315 : memref<104xi32, #tpu.memory_space<hbm>>) target(%dma_start3A_314 : memref<104xi32, #tpu.memory_space<vmem>>) target_semaphore(%arg19 : memref<!tpu.dma_semaphore, #tpu.memory_space<semaphore_mem>>)
      %dma_wait3A_316 = arith.constant 1 : i32
      %dma_wait3A_317 = arith.constant 0 : i32
      %dma_wait3A_318 = tpu.memref_slice %arg6[%dma_wait3A_316, %dma_wait3A_317] : memref<3x104xi32, #tpu.memory_space<vmem>> -> memref<1x104xi32, #tpu.memory_space<vmem>>
      %dma_wait3A_319 = tpu.memref_squeeze %dma_wait3A_318 : memref<1x104xi32, #tpu.memory_space<vmem>> -> memref<104xi32, #tpu.memory_space<vmem>>
      %dma_wait3A_320 = arith.constant 0 : i32
      %dma_wait3A_321 = tpu.memref_slice %arg3[%dma_wait3A_320] : memref<320000xi32, #tpu.memory_space<hbm>> -> memref<104xi32, #tpu.memory_space<hbm>>
      %dma_wait3A_322 = arith.constant 0 : i32
      %dma_wait3A_323 = tpu.memref_slice %arg6[%dma_wait3A_316, %dma_wait3A_322] : memref<3x104xi32, #tpu.memory_space<vmem>> -> memref<1x104xi32, #tpu.memory_space<vmem>>
      %dma_wait3A_324 = tpu.memref_squeeze %dma_wait3A_323 : memref<1x104xi32, #tpu.memory_space<vmem>> -> memref<104xi32, #tpu.memory_space<vmem>>
      %dma_wait3A_325 = arith.constant 0 : i32
      %dma_wait3A_326 = tpu.memref_slice %arg3[%dma_wait3A_325] : memref<320000xi32, #tpu.memory_space<hbm>> -> memref<104xi32, #tpu.memory_space<hbm>>
      tpu.wait_dma2 semaphore(%arg18 : memref<!tpu.dma_semaphore, #tpu.memory_space<semaphore_mem>>) src(%dma_wait3A_326 : memref<104xi32, #tpu.memory_space<hbm>>) dst(%dma_wait3A_324 : memref<104xi32, #tpu.memory_space<vmem>>)
      %dma_start3A_327 = arith.constant 1 : i32
      %dma_start3A_328 = arith.constant 0 : i32
      %dma_start3A_329 = tpu.memref_slice %arg6[%dma_start3A_327, %dma_start3A_328] : memref<3x104xi32, #tpu.memory_space<vmem>> -> memref<1x104xi32, #tpu.memory_space<vmem>>
      %dma_start3A_330 = tpu.memref_squeeze %dma_start3A_329 : memref<1x104xi32, #tpu.memory_space<vmem>> -> memref<104xi32, #tpu.memory_space<vmem>>
      %dma_start3A_331 = arith.constant 0 : i32
      %dma_start3A_332 = arith.constant 0 : i32
      %dma_start3A_333 = tpu.memref_slice %arg2[%dma_start3A_331, %dma_start3A_332] : memref<10240x128xf32, #tpu.memory_space<hbm>> -> memref<10240x128xf32, #tpu.memory_space<hbm>>
      tpu.enqueue_indirect_dma source(%dma_start3A_333 : memref<10240x128xf32, #tpu.memory_space<hbm>>) target(%arg11 : memref<104x128xf32, #tpu.memory_space<vmem>>) offsets(%dma_start3A_330 : memref<104xi32, #tpu.memory_space<vmem>>) semaphore(%arg20 : memref<!tpu.dma_semaphore, #tpu.memory_space<semaphore_mem>>)
      %dma_wait3A_334 = arith.constant 2 : i32
      %dma_wait3A_335 = arith.constant 0 : i32
      %dma_wait3A_336 = tpu.memref_slice %arg6[%dma_wait3A_334, %dma_wait3A_335] : memref<3x104xi32, #tpu.memory_space<vmem>> -> memref<1x104xi32, #tpu.memory_space<vmem>>
      %dma_wait3A_337 = tpu.memref_squeeze %dma_wait3A_336 : memref<1x104xi32, #tpu.memory_space<vmem>> -> memref<104xi32, #tpu.memory_space<vmem>>
      %dma_wait3A_338 = arith.constant 0 : i32
      %dma_wait3A_339 = arith.constant 0 : i32
      %dma_wait3A_340 = tpu.memref_slice %arg2[%dma_wait3A_338, %dma_wait3A_339] : memref<10240x128xf32, #tpu.memory_space<hbm>> -> memref<10240x128xf32, #tpu.memory_space<hbm>>
      tpu.wait_indirect_dma semaphore(%arg23 : memref<!tpu.dma_semaphore, #tpu.memory_space<semaphore_mem>>) src(%dma_wait3A_340 : memref<10240x128xf32, #tpu.memory_space<hbm>>) dst(%arg12 : memref<104x128xf32, #tpu.memory_space<vmem>>)
      %dma_wait3A_341 = arith.constant 2 : i32
      %dma_wait3A_342 = arith.constant 0 : i32
      %dma_wait3A_343 = tpu.memref_slice %arg7[%dma_wait3A_341, %dma_wait3A_342] : memref<3x104xi32, #tpu.memory_space<vmem>> -> memref<1x104xi32, #tpu.memory_space<vmem>>
      %dma_wait3A_344 = tpu.memref_squeeze %dma_wait3A_343 : memref<1x104xi32, #tpu.memory_space<vmem>> -> memref<104xi32, #tpu.memory_space<vmem>>
      %dma_wait3A_345 = arith.constant 0 : i32
      %dma_wait3A_346 = tpu.memref_slice %arg4[%dma_wait3A_345] : memref<320000xi32, #tpu.memory_space<hbm>> -> memref<104xi32, #tpu.memory_space<hbm>>
      %dma_wait3A_347 = arith.constant 0 : i32
      %dma_wait3A_348 = tpu.memref_slice %arg7[%dma_wait3A_341, %dma_wait3A_347] : memref<3x104xi32, #tpu.memory_space<vmem>> -> memref<1x104xi32, #tpu.memory_space<vmem>>
      %dma_wait3A_349 = tpu.memref_squeeze %dma_wait3A_348 : memref<1x104xi32, #tpu.memory_space<vmem>> -> memref<104xi32, #tpu.memory_space<vmem>>
      %dma_wait3A_350 = arith.constant 0 : i32
      %dma_wait3A_351 = tpu.memref_slice %arg4[%dma_wait3A_350] : memref<320000xi32, #tpu.memory_space<hbm>> -> memref<104xi32, #tpu.memory_space<hbm>>
      tpu.wait_dma2 semaphore(%arg22 : memref<!tpu.dma_semaphore, #tpu.memory_space<semaphore_mem>>) src(%dma_wait3A_351 : memref<104xi32, #tpu.memory_space<hbm>>) dst(%dma_wait3A_349 : memref<104xi32, #tpu.memory_space<vmem>>)
      %run_scoped3A_352 = arith.constant 2 : i32
      "tpu.region"() ({
        %run_scoped3A_397 = tpu.sem_alloc : memref<!tpu.dma_semaphore, #tpu.memory_space<semaphore_mem>>
        %dma_start3A_398 = arith.constant 0 : i32
        %dma_start3A_399 = tpu.memref_slice %arg7[%run_scoped3A_352, %dma_start3A_398] : memref<3x104xi32, #tpu.memory_space<vmem>> -> memref<1x104xi32, #tpu.memory_space<vmem>>
        %dma_start3A_400 = tpu.memref_squeeze %dma_start3A_399 : memref<1x104xi32, #tpu.memory_space<vmem>> -> memref<104xi32, #tpu.memory_space<vmem>>
        %dma_start3A_401 = arith.constant 0 : i32
        %dma_start3A_402 = arith.constant 0 : i32
        %dma_start3A_403 = tpu.memref_slice %arg14[%dma_start3A_401, %dma_start3A_402] : memref<10240x128xf32, #tpu.memory_space<vmem_shared>> -> memref<10240x128xf32, #tpu.memory_space<vmem_shared>>
        tpu.enqueue_indirect_dma source(%arg12 : memref<104x128xf32, #tpu.memory_space<vmem>>) target(%dma_start3A_403 : memref<10240x128xf32, #tpu.memory_space<vmem_shared>>) offsets(%dma_start3A_400 : memref<104xi32, #tpu.memory_space<vmem>>) semaphore(%run_scoped3A_397 : memref<!tpu.dma_semaphore, #tpu.memory_space<semaphore_mem>>) {add = true}
        %dma_wait3A_404 = arith.constant 0 : i32
        %dma_wait3A_405 = tpu.memref_slice %arg7[%run_scoped3A_352, %dma_wait3A_404] : memref<3x104xi32, #tpu.memory_space<vmem>> -> memref<1x104xi32, #tpu.memory_space<vmem>>
        %dma_wait3A_406 = tpu.memref_squeeze %dma_wait3A_405 : memref<1x104xi32, #tpu.memory_space<vmem>> -> memref<104xi32, #tpu.memory_space<vmem>>
        %dma_wait3A_407 = arith.constant 0 : i32
        %dma_wait3A_408 = arith.constant 0 : i32
        %dma_wait3A_409 = tpu.memref_slice %arg14[%dma_wait3A_407, %dma_wait3A_408] : memref<10240x128xf32, #tpu.memory_space<vmem_shared>> -> memref<10240x128xf32, #tpu.memory_space<vmem_shared>>
        tpu.wait_indirect_dma semaphore(%run_scoped3A_397 : memref<!tpu.dma_semaphore, #tpu.memory_space<semaphore_mem>>) src(%arg12 : memref<104x128xf32, #tpu.memory_space<vmem>>) dst(%dma_wait3A_409 : memref<10240x128xf32, #tpu.memory_space<vmem_shared>>)
        tpu.yield
      }) : () -> ()
      %add3A_353 = arith.constant 3 : i32
      %add3A_354 = arith.addi %mul3A_209, %add3A_353 : i32
      %add3A_355 = arith.constant 2 : i32
      %add3A_356 = arith.addi %add3A_354, %add3A_355 : i32
      %mul3A_357 = arith.constant 104 : i32
      %mul3A_358 = arith.muli %add3A_356, %mul3A_357 : i32
      %add3A_359 = arith.addi %mul3A_4, %mul3A_358 : i32
      %dma_start3A_360 = arith.constant 2 : i32
      %dma_start3A_361 = arith.constant 0 : i32
      %dma_start3A_362 = tpu.memref_slice %arg6[%dma_start3A_360, %dma_start3A_361] : memref<3x104xi32, #tpu.memory_space<vmem>> -> memref<1x104xi32, #tpu.memory_space<vmem>>
      %dma_start3A_363 = tpu.memref_squeeze %dma_start3A_362 : memref<1x104xi32, #tpu.memory_space<vmem>> -> memref<104xi32, #tpu.memory_space<vmem>>
      %dma_start3A_364 = tpu.memref_slice %arg3[%add3A_359] : memref<320000xi32, #tpu.memory_space<hbm>> -> memref<104xi32, #tpu.memory_space<hbm>>
      %dma_start3A_365 = arith.constant 0 : i32
      %dma_start3A_366 = tpu.memref_slice %arg6[%dma_start3A_360, %dma_start3A_365] : memref<3x104xi32, #tpu.memory_space<vmem>> -> memref<1x104xi32, #tpu.memory_space<vmem>>
      %dma_start3A_367 = tpu.memref_squeeze %dma_start3A_366 : memref<1x104xi32, #tpu.memory_space<vmem>> -> memref<104xi32, #tpu.memory_space<vmem>>
      %dma_start3A_368 = tpu.memref_slice %arg3[%add3A_359] : memref<320000xi32, #tpu.memory_space<hbm>> -> memref<104xi32, #tpu.memory_space<hbm>>
      tpu.enqueue_dma source(%dma_start3A_368 : memref<104xi32, #tpu.memory_space<hbm>>) target(%dma_start3A_367 : memref<104xi32, #tpu.memory_space<vmem>>) target_semaphore(%arg21 : memref<!tpu.dma_semaphore, #tpu.memory_space<semaphore_mem>>)
      %dma_start3A_369 = arith.constant 2 : i32
      %dma_start3A_370 = arith.constant 0 : i32
      %dma_start3A_371 = tpu.memref_slice %arg7[%dma_start3A_369, %dma_start3A_370] : memref<3x104xi32, #tpu.memory_space<vmem>> -> memref<1x104xi32, #tpu.memory_space<vmem>>
      %dma_start3A_372 = tpu.memref_squeeze %dma_start3A_371 : memref<1x104xi32, #tpu.memory_space<vmem>> -> memref<104xi32, #tpu.memory_space<vmem>>
      %dma_start3A_373 = tpu.memref_slice %arg4[%add3A_359] : memref<320000xi32, #tpu.memory_space<hbm>> -> memref<104xi32, #tpu.memory_space<hbm>>
      %dma_start3A_374 = arith.constant 0 : i32
      %dma_start3A_375 = tpu.memref_slice %arg7[%dma_start3A_369, %dma_start3A_374] : memref<3x104xi32, #tpu.memory_space<vmem>> -> memref<1x104xi32, #tpu.memory_space<vmem>>
      %dma_start3A_376 = tpu.memref_squeeze %dma_start3A_375 : memref<1x104xi32, #tpu.memory_space<vmem>> -> memref<104xi32, #tpu.memory_space<vmem>>
      %dma_start3A_377 = tpu.memref_slice %arg4[%add3A_359] : memref<320000xi32, #tpu.memory_space<hbm>> -> memref<104xi32, #tpu.memory_space<hbm>>
      tpu.enqueue_dma source(%dma_start3A_377 : memref<104xi32, #tpu.memory_space<hbm>>) target(%dma_start3A_376 : memref<104xi32, #tpu.memory_space<vmem>>) target_semaphore(%arg22 : memref<!tpu.dma_semaphore, #tpu.memory_space<semaphore_mem>>)
      %dma_wait3A_378 = arith.constant 2 : i32
      %dma_wait3A_379 = arith.constant 0 : i32
      %dma_wait3A_380 = tpu.memref_slice %arg6[%dma_wait3A_378, %dma_wait3A_379] : memref<3x104xi32, #tpu.memory_space<vmem>> -> memref<1x104xi32, #tpu.memory_space<vmem>>
      %dma_wait3A_381 = tpu.memref_squeeze %dma_wait3A_380 : memref<1x104xi32, #tpu.memory_space<vmem>> -> memref<104xi32, #tpu.memory_space<vmem>>
      %dma_wait3A_382 = arith.constant 0 : i32
      %dma_wait3A_383 = tpu.memref_slice %arg3[%dma_wait3A_382] : memref<320000xi32, #tpu.memory_space<hbm>> -> memref<104xi32, #tpu.memory_space<hbm>>
      %dma_wait3A_384 = arith.constant 0 : i32
      %dma_wait3A_385 = tpu.memref_slice %arg6[%dma_wait3A_378, %dma_wait3A_384] : memref<3x104xi32, #tpu.memory_space<vmem>> -> memref<1x104xi32, #tpu.memory_space<vmem>>
      %dma_wait3A_386 = tpu.memref_squeeze %dma_wait3A_385 : memref<1x104xi32, #tpu.memory_space<vmem>> -> memref<104xi32, #tpu.memory_space<vmem>>
      %dma_wait3A_387 = arith.constant 0 : i32
      %dma_wait3A_388 = tpu.memref_slice %arg3[%dma_wait3A_387] : memref<320000xi32, #tpu.memory_space<hbm>> -> memref<104xi32, #tpu.memory_space<hbm>>
      tpu.wait_dma2 semaphore(%arg21 : memref<!tpu.dma_semaphore, #tpu.memory_space<semaphore_mem>>) src(%dma_wait3A_388 : memref<104xi32, #tpu.memory_space<hbm>>) dst(%dma_wait3A_386 : memref<104xi32, #tpu.memory_space<vmem>>)
      %dma_start3A_389 = arith.constant 2 : i32
      %dma_start3A_390 = arith.constant 0 : i32
      %dma_start3A_391 = tpu.memref_slice %arg6[%dma_start3A_389, %dma_start3A_390] : memref<3x104xi32, #tpu.memory_space<vmem>> -> memref<1x104xi32, #tpu.memory_space<vmem>>
      %dma_start3A_392 = tpu.memref_squeeze %dma_start3A_391 : memref<1x104xi32, #tpu.memory_space<vmem>> -> memref<104xi32, #tpu.memory_space<vmem>>
      %dma_start3A_393 = arith.constant 0 : i32
      %dma_start3A_394 = arith.constant 0 : i32
      %dma_start3A_395 = tpu.memref_slice %arg2[%dma_start3A_393, %dma_start3A_394] : memref<10240x128xf32, #tpu.memory_space<hbm>> -> memref<10240x128xf32, #tpu.memory_space<hbm>>
      tpu.enqueue_indirect_dma source(%dma_start3A_395 : memref<10240x128xf32, #tpu.memory_space<hbm>>) target(%arg12 : memref<104x128xf32, #tpu.memory_space<vmem>>) offsets(%dma_start3A_392 : memref<104xi32, #tpu.memory_space<vmem>>) semaphore(%arg23 : memref<!tpu.dma_semaphore, #tpu.memory_space<semaphore_mem>>)
      %scan3A_396 = arith.constant 0 : i32
      scf.yield %scan3A_396 : i32
    }
    %scan3A_138 = arith.constant 31 : i32
    %dma_wait3A_139 = arith.constant 0 : i32
    %dma_wait3A_140 = arith.constant 0 : i32
    %dma_wait3A_141 = tpu.memref_slice %arg6[%dma_wait3A_139, %dma_wait3A_140] : memref<3x104xi32, #tpu.memory_space<vmem>> -> memref<1x104xi32, #tpu.memory_space<vmem>>
    %dma_wait3A_142 = tpu.memref_squeeze %dma_wait3A_141 : memref<1x104xi32, #tpu.memory_space<vmem>> -> memref<104xi32, #tpu.memory_space<vmem>>
    %dma_wait3A_143 = arith.constant 0 : i32
    %dma_wait3A_144 = arith.constant 0 : i32
    %dma_wait3A_145 = tpu.memref_slice %arg2[%dma_wait3A_143, %dma_wait3A_144] : memref<10240x128xf32, #tpu.memory_space<hbm>> -> memref<10240x128xf32, #tpu.memory_space<hbm>>
    tpu.wait_indirect_dma semaphore(%arg17 : memref<!tpu.dma_semaphore, #tpu.memory_space<semaphore_mem>>) src(%dma_wait3A_145 : memref<10240x128xf32, #tpu.memory_space<hbm>>) dst(%arg10 : memref<104x128xf32, #tpu.memory_space<vmem>>)
    %dma_wait3A_146 = arith.constant 0 : i32
    %dma_wait3A_147 = arith.constant 0 : i32
    %dma_wait3A_148 = tpu.memref_slice %arg7[%dma_wait3A_146, %dma_wait3A_147] : memref<3x104xi32, #tpu.memory_space<vmem>> -> memref<1x104xi32, #tpu.memory_space<vmem>>
    %dma_wait3A_149 = tpu.memref_squeeze %dma_wait3A_148 : memref<1x104xi32, #tpu.memory_space<vmem>> -> memref<104xi32, #tpu.memory_space<vmem>>
    %dma_wait3A_150 = arith.constant 0 : i32
    %dma_wait3A_151 = tpu.memref_slice %arg4[%dma_wait3A_150] : memref<320000xi32, #tpu.memory_space<hbm>> -> memref<104xi32, #tpu.memory_space<hbm>>
    %dma_wait3A_152 = arith.constant 0 : i32
    %dma_wait3A_153 = tpu.memref_slice %arg7[%dma_wait3A_146, %dma_wait3A_152] : memref<3x104xi32, #tpu.memory_space<vmem>> -> memref<1x104xi32, #tpu.memory_space<vmem>>
    %dma_wait3A_154 = tpu.memref_squeeze %dma_wait3A_153 : memref<1x104xi32, #tpu.memory_space<vmem>> -> memref<104xi32, #tpu.memory_space<vmem>>
    %dma_wait3A_155 = arith.constant 0 : i32
    %dma_wait3A_156 = tpu.memref_slice %arg4[%dma_wait3A_155] : memref<320000xi32, #tpu.memory_space<hbm>> -> memref<104xi32, #tpu.memory_space<hbm>>
    tpu.wait_dma2 semaphore(%arg16 : memref<!tpu.dma_semaphore, #tpu.memory_space<semaphore_mem>>) src(%dma_wait3A_156 : memref<104xi32, #tpu.memory_space<hbm>>) dst(%dma_wait3A_154 : memref<104xi32, #tpu.memory_space<vmem>>)
    %run_scoped3A = arith.constant 0 : i32
    "tpu.region"() ({
      %run_scoped3A_206 = tpu.sem_alloc : memref<!tpu.dma_semaphore, #tpu.memory_space<semaphore_mem>>
      %dma_start3A_207 = arith.constant 0 : i32
      %dma_start3A_208 = tpu.memref_slice %arg7[%run_scoped3A, %dma_start3A_207] : memref<3x104xi32, #tpu.memory_space<vmem>> -> memref<1x104xi32, #tpu.memory_space<vmem>>
      %dma_start3A_209 = tpu.memref_squeeze %dma_start3A_208 : memref<1x104xi32, #tpu.memory_space<vmem>> -> memref<104xi32, #tpu.memory_space<vmem>>
      %dma_start3A_210 = arith.constant 0 : i32
      %dma_start3A_211 = arith.constant 0 : i32
      %dma_start3A_212 = tpu.memref_slice %arg14[%dma_start3A_210, %dma_start3A_211] : memref<10240x128xf32, #tpu.memory_space<vmem_shared>> -> memref<10240x128xf32, #tpu.memory_space<vmem_shared>>
      tpu.enqueue_indirect_dma source(%arg10 : memref<104x128xf32, #tpu.memory_space<vmem>>) target(%dma_start3A_212 : memref<10240x128xf32, #tpu.memory_space<vmem_shared>>) offsets(%dma_start3A_209 : memref<104xi32, #tpu.memory_space<vmem>>) semaphore(%run_scoped3A_206 : memref<!tpu.dma_semaphore, #tpu.memory_space<semaphore_mem>>) {add = true}
      %dma_wait3A_213 = arith.constant 0 : i32
      %dma_wait3A_214 = tpu.memref_slice %arg7[%run_scoped3A, %dma_wait3A_213] : memref<3x104xi32, #tpu.memory_space<vmem>> -> memref<1x104xi32, #tpu.memory_space<vmem>>
      %dma_wait3A_215 = tpu.memref_squeeze %dma_wait3A_214 : memref<1x104xi32, #tpu.memory_space<vmem>> -> memref<104xi32, #tpu.memory_space<vmem>>
      %dma_wait3A_216 = arith.constant 0 : i32
      %dma_wait3A_217 = arith.constant 0 : i32
      %dma_wait3A_218 = tpu.memref_slice %arg14[%dma_wait3A_216, %dma_wait3A_217] : memref<10240x128xf32, #tpu.memory_space<vmem_shared>> -> memref<10240x128xf32, #tpu.memory_space<vmem_shared>>
      tpu.wait_indirect_dma semaphore(%run_scoped3A_206 : memref<!tpu.dma_semaphore, #tpu.memory_space<semaphore_mem>>) src(%arg10 : memref<104x128xf32, #tpu.memory_space<vmem>>) dst(%dma_wait3A_218 : memref<10240x128xf32, #tpu.memory_space<vmem_shared>>)
      tpu.yield
    }) : () -> ()
    %dma_wait3A_157 = arith.constant 1 : i32
    %dma_wait3A_158 = arith.constant 0 : i32
    %dma_wait3A_159 = tpu.memref_slice %arg6[%dma_wait3A_157, %dma_wait3A_158] : memref<3x104xi32, #tpu.memory_space<vmem>> -> memref<1x104xi32, #tpu.memory_space<vmem>>
    %dma_wait3A_160 = tpu.memref_squeeze %dma_wait3A_159 : memref<1x104xi32, #tpu.memory_space<vmem>> -> memref<104xi32, #tpu.memory_space<vmem>>
    %dma_wait3A_161 = arith.constant 0 : i32
    %dma_wait3A_162 = arith.constant 0 : i32
    %dma_wait3A_163 = tpu.memref_slice %arg2[%dma_wait3A_161, %dma_wait3A_162] : memref<10240x128xf32, #tpu.memory_space<hbm>> -> memref<10240x128xf32, #tpu.memory_space<hbm>>
    tpu.wait_indirect_dma semaphore(%arg20 : memref<!tpu.dma_semaphore, #tpu.memory_space<semaphore_mem>>) src(%dma_wait3A_163 : memref<10240x128xf32, #tpu.memory_space<hbm>>) dst(%arg11 : memref<104x128xf32, #tpu.memory_space<vmem>>)
    %dma_wait3A_164 = arith.constant 1 : i32
    %dma_wait3A_165 = arith.constant 0 : i32
    %dma_wait3A_166 = tpu.memref_slice %arg7[%dma_wait3A_164, %dma_wait3A_165] : memref<3x104xi32, #tpu.memory_space<vmem>> -> memref<1x104xi32, #tpu.memory_space<vmem>>
    %dma_wait3A_167 = tpu.memref_squeeze %dma_wait3A_166 : memref<1x104xi32, #tpu.memory_space<vmem>> -> memref<104xi32, #tpu.memory_space<vmem>>
    %dma_wait3A_168 = arith.constant 0 : i32
    %dma_wait3A_169 = tpu.memref_slice %arg4[%dma_wait3A_168] : memref<320000xi32, #tpu.memory_space<hbm>> -> memref<104xi32, #tpu.memory_space<hbm>>
    %dma_wait3A_170 = arith.constant 0 : i32
    %dma_wait3A_171 = tpu.memref_slice %arg7[%dma_wait3A_164, %dma_wait3A_170] : memref<3x104xi32, #tpu.memory_space<vmem>> -> memref<1x104xi32, #tpu.memory_space<vmem>>
    %dma_wait3A_172 = tpu.memref_squeeze %dma_wait3A_171 : memref<1x104xi32, #tpu.memory_space<vmem>> -> memref<104xi32, #tpu.memory_space<vmem>>
    %dma_wait3A_173 = arith.constant 0 : i32
    %dma_wait3A_174 = tpu.memref_slice %arg4[%dma_wait3A_173] : memref<320000xi32, #tpu.memory_space<hbm>> -> memref<104xi32, #tpu.memory_space<hbm>>
    tpu.wait_dma2 semaphore(%arg19 : memref<!tpu.dma_semaphore, #tpu.memory_space<semaphore_mem>>) src(%dma_wait3A_174 : memref<104xi32, #tpu.memory_space<hbm>>) dst(%dma_wait3A_172 : memref<104xi32, #tpu.memory_space<vmem>>)
    %run_scoped3A_175 = arith.constant 1 : i32
    "tpu.region"() ({
      %run_scoped3A_206 = tpu.sem_alloc : memref<!tpu.dma_semaphore, #tpu.memory_space<semaphore_mem>>
      %dma_start3A_207 = arith.constant 0 : i32
      %dma_start3A_208 = tpu.memref_slice %arg7[%run_scoped3A_175, %dma_start3A_207] : memref<3x104xi32, #tpu.memory_space<vmem>> -> memref<1x104xi32, #tpu.memory_space<vmem>>
      %dma_start3A_209 = tpu.memref_squeeze %dma_start3A_208 : memref<1x104xi32, #tpu.memory_space<vmem>> -> memref<104xi32, #tpu.memory_space<vmem>>
      %dma_start3A_210 = arith.constant 0 : i32
      %dma_start3A_211 = arith.constant 0 : i32
      %dma_start3A_212 = tpu.memref_slice %arg14[%dma_start3A_210, %dma_start3A_211] : memref<10240x128xf32, #tpu.memory_space<vmem_shared>> -> memref<10240x128xf32, #tpu.memory_space<vmem_shared>>
      tpu.enqueue_indirect_dma source(%arg11 : memref<104x128xf32, #tpu.memory_space<vmem>>) target(%dma_start3A_212 : memref<10240x128xf32, #tpu.memory_space<vmem_shared>>) offsets(%dma_start3A_209 : memref<104xi32, #tpu.memory_space<vmem>>) semaphore(%run_scoped3A_206 : memref<!tpu.dma_semaphore, #tpu.memory_space<semaphore_mem>>) {add = true}
      %dma_wait3A_213 = arith.constant 0 : i32
      %dma_wait3A_214 = tpu.memref_slice %arg7[%run_scoped3A_175, %dma_wait3A_213] : memref<3x104xi32, #tpu.memory_space<vmem>> -> memref<1x104xi32, #tpu.memory_space<vmem>>
      %dma_wait3A_215 = tpu.memref_squeeze %dma_wait3A_214 : memref<1x104xi32, #tpu.memory_space<vmem>> -> memref<104xi32, #tpu.memory_space<vmem>>
      %dma_wait3A_216 = arith.constant 0 : i32
      %dma_wait3A_217 = arith.constant 0 : i32
      %dma_wait3A_218 = tpu.memref_slice %arg14[%dma_wait3A_216, %dma_wait3A_217] : memref<10240x128xf32, #tpu.memory_space<vmem_shared>> -> memref<10240x128xf32, #tpu.memory_space<vmem_shared>>
      tpu.wait_indirect_dma semaphore(%run_scoped3A_206 : memref<!tpu.dma_semaphore, #tpu.memory_space<semaphore_mem>>) src(%arg11 : memref<104x128xf32, #tpu.memory_space<vmem>>) dst(%dma_wait3A_218 : memref<10240x128xf32, #tpu.memory_space<vmem_shared>>)
      tpu.yield
    }) : () -> ()
    %dma_wait3A_176 = arith.constant 2 : i32
    %dma_wait3A_177 = arith.constant 0 : i32
    %dma_wait3A_178 = tpu.memref_slice %arg6[%dma_wait3A_176, %dma_wait3A_177] : memref<3x104xi32, #tpu.memory_space<vmem>> -> memref<1x104xi32, #tpu.memory_space<vmem>>
    %dma_wait3A_179 = tpu.memref_squeeze %dma_wait3A_178 : memref<1x104xi32, #tpu.memory_space<vmem>> -> memref<104xi32, #tpu.memory_space<vmem>>
    %dma_wait3A_180 = arith.constant 0 : i32
    %dma_wait3A_181 = arith.constant 0 : i32
    %dma_wait3A_182 = tpu.memref_slice %arg2[%dma_wait3A_180, %dma_wait3A_181] : memref<10240x128xf32, #tpu.memory_space<hbm>> -> memref<10240x128xf32, #tpu.memory_space<hbm>>
    tpu.wait_indirect_dma semaphore(%arg23 : memref<!tpu.dma_semaphore, #tpu.memory_space<semaphore_mem>>) src(%dma_wait3A_182 : memref<10240x128xf32, #tpu.memory_space<hbm>>) dst(%arg12 : memref<104x128xf32, #tpu.memory_space<vmem>>)
    %dma_wait3A_183 = arith.constant 2 : i32
    %dma_wait3A_184 = arith.constant 0 : i32
    %dma_wait3A_185 = tpu.memref_slice %arg7[%dma_wait3A_183, %dma_wait3A_184] : memref<3x104xi32, #tpu.memory_space<vmem>> -> memref<1x104xi32, #tpu.memory_space<vmem>>
    %dma_wait3A_186 = tpu.memref_squeeze %dma_wait3A_185 : memref<1x104xi32, #tpu.memory_space<vmem>> -> memref<104xi32, #tpu.memory_space<vmem>>
    %dma_wait3A_187 = arith.constant 0 : i32
    %dma_wait3A_188 = tpu.memref_slice %arg4[%dma_wait3A_187] : memref<320000xi32, #tpu.memory_space<hbm>> -> memref<104xi32, #tpu.memory_space<hbm>>
    %dma_wait3A_189 = arith.constant 0 : i32
    %dma_wait3A_190 = tpu.memref_slice %arg7[%dma_wait3A_183, %dma_wait3A_189] : memref<3x104xi32, #tpu.memory_space<vmem>> -> memref<1x104xi32, #tpu.memory_space<vmem>>
    %dma_wait3A_191 = tpu.memref_squeeze %dma_wait3A_190 : memref<1x104xi32, #tpu.memory_space<vmem>> -> memref<104xi32, #tpu.memory_space<vmem>>
    %dma_wait3A_192 = arith.constant 0 : i32
    %dma_wait3A_193 = tpu.memref_slice %arg4[%dma_wait3A_192] : memref<320000xi32, #tpu.memory_space<hbm>> -> memref<104xi32, #tpu.memory_space<hbm>>
    tpu.wait_dma2 semaphore(%arg22 : memref<!tpu.dma_semaphore, #tpu.memory_space<semaphore_mem>>) src(%dma_wait3A_193 : memref<104xi32, #tpu.memory_space<hbm>>) dst(%dma_wait3A_191 : memref<104xi32, #tpu.memory_space<vmem>>)
    %run_scoped3A_194 = arith.constant 2 : i32
    "tpu.region"() ({
      %run_scoped3A_206 = tpu.sem_alloc : memref<!tpu.dma_semaphore, #tpu.memory_space<semaphore_mem>>
      %dma_start3A_207 = arith.constant 0 : i32
      %dma_start3A_208 = tpu.memref_slice %arg7[%run_scoped3A_194, %dma_start3A_207] : memref<3x104xi32, #tpu.memory_space<vmem>> -> memref<1x104xi32, #tpu.memory_space<vmem>>
      %dma_start3A_209 = tpu.memref_squeeze %dma_start3A_208 : memref<1x104xi32, #tpu.memory_space<vmem>> -> memref<104xi32, #tpu.memory_space<vmem>>
      %dma_start3A_210 = arith.constant 0 : i32
      %dma_start3A_211 = arith.constant 0 : i32
      %dma_start3A_212 = tpu.memref_slice %arg14[%dma_start3A_210, %dma_start3A_211] : memref<10240x128xf32, #tpu.memory_space<vmem_shared>> -> memref<10240x128xf32, #tpu.memory_space<vmem_shared>>
      tpu.enqueue_indirect_dma source(%arg12 : memref<104x128xf32, #tpu.memory_space<vmem>>) target(%dma_start3A_212 : memref<10240x128xf32, #tpu.memory_space<vmem_shared>>) offsets(%dma_start3A_209 : memref<104xi32, #tpu.memory_space<vmem>>) semaphore(%run_scoped3A_206 : memref<!tpu.dma_semaphore, #tpu.memory_space<semaphore_mem>>) {add = true}
      %dma_wait3A_213 = arith.constant 0 : i32
      %dma_wait3A_214 = tpu.memref_slice %arg7[%run_scoped3A_194, %dma_wait3A_213] : memref<3x104xi32, #tpu.memory_space<vmem>> -> memref<1x104xi32, #tpu.memory_space<vmem>>
      %dma_wait3A_215 = tpu.memref_squeeze %dma_wait3A_214 : memref<1x104xi32, #tpu.memory_space<vmem>> -> memref<104xi32, #tpu.memory_space<vmem>>
      %dma_wait3A_216 = arith.constant 0 : i32
      %dma_wait3A_217 = arith.constant 0 : i32
      %dma_wait3A_218 = tpu.memref_slice %arg14[%dma_wait3A_216, %dma_wait3A_217] : memref<10240x128xf32, #tpu.memory_space<vmem_shared>> -> memref<10240x128xf32, #tpu.memory_space<vmem_shared>>
      tpu.wait_indirect_dma semaphore(%run_scoped3A_206 : memref<!tpu.dma_semaphore, #tpu.memory_space<semaphore_mem>>) src(%arg12 : memref<104x128xf32, #tpu.memory_space<vmem>>) dst(%dma_wait3A_218 : memref<10240x128xf32, #tpu.memory_space<vmem_shared>>)
      tpu.yield
    }) : () -> ()
    %add3A_195 = arith.constant 9984 : i32
    %add3A_196 = arith.addi %mul3A_4, %add3A_195 : i32
    "tpu.region"() ({
      %run_scoped3A_206 = tpu.sem_alloc : memref<!tpu.dma_semaphore, #tpu.memory_space<semaphore_mem>>
      %dma_start3A_207 = tpu.memref_slice %arg3[%add3A_196] : memref<320000xi32, #tpu.memory_space<hbm>> -> memref<16xi32, #tpu.memory_space<hbm>>
      %dma_start3A_208 = tpu.memref_slice %arg3[%add3A_196] : memref<320000xi32, #tpu.memory_space<hbm>> -> memref<16xi32, #tpu.memory_space<hbm>>
      tpu.enqueue_dma source(%dma_start3A_208 : memref<16xi32, #tpu.memory_space<hbm>>) target(%arg8 : memref<16xi32, #tpu.memory_space<vmem>>) target_semaphore(%run_scoped3A_206 : memref<!tpu.dma_semaphore, #tpu.memory_space<semaphore_mem>>)
      %dma_wait3A_209 = tpu.memref_slice %arg3[%add3A_196] : memref<320000xi32, #tpu.memory_space<hbm>> -> memref<16xi32, #tpu.memory_space<hbm>>
      %dma_wait3A_210 = tpu.memref_slice %arg3[%add3A_196] : memref<320000xi32, #tpu.memory_space<hbm>> -> memref<16xi32, #tpu.memory_space<hbm>>
      tpu.wait_dma2 semaphore(%run_scoped3A_206 : memref<!tpu.dma_semaphore, #tpu.memory_space<semaphore_mem>>) src(%dma_wait3A_210 : memref<16xi32, #tpu.memory_space<hbm>>) dst(%arg8 : memref<16xi32, #tpu.memory_space<vmem>>)
      tpu.yield
    }) : () -> ()
    %run_scoped3A_197 = arith.constant 0 : i32
    "tpu.region"() ({
      %run_scoped3A_206 = tpu.sem_alloc : memref<!tpu.dma_semaphore, #tpu.memory_space<semaphore_mem>>
      %dma_start3A_207 = arith.constant 0 : i32
      %dma_start3A_208 = tpu.memref_slice %arg9[%run_scoped3A_197, %dma_start3A_207] : memref<1x16xi32, #tpu.memory_space<vmem>> -> memref<1x16xi32, #tpu.memory_space<vmem>>
      %dma_start3A_209 = tpu.memref_squeeze %dma_start3A_208 : memref<1x16xi32, #tpu.memory_space<vmem>> -> memref<16xi32, #tpu.memory_space<vmem>>
      %dma_start3A_210 = tpu.memref_slice %arg4[%add3A_196] : memref<320000xi32, #tpu.memory_space<hbm>> -> memref<16xi32, #tpu.memory_space<hbm>>
      %dma_start3A_211 = arith.constant 0 : i32
      %dma_start3A_212 = tpu.memref_slice %arg9[%run_scoped3A_197, %dma_start3A_211] : memref<1x16xi32, #tpu.memory_space<vmem>> -> memref<1x16xi32, #tpu.memory_space<vmem>>
      %dma_start3A_213 = tpu.memref_squeeze %dma_start3A_212 : memref<1x16xi32, #tpu.memory_space<vmem>> -> memref<16xi32, #tpu.memory_space<vmem>>
      %dma_start3A_214 = tpu.memref_slice %arg4[%add3A_196] : memref<320000xi32, #tpu.memory_space<hbm>> -> memref<16xi32, #tpu.memory_space<hbm>>
      tpu.enqueue_dma source(%dma_start3A_214 : memref<16xi32, #tpu.memory_space<hbm>>) target(%dma_start3A_213 : memref<16xi32, #tpu.memory_space<vmem>>) target_semaphore(%run_scoped3A_206 : memref<!tpu.dma_semaphore, #tpu.memory_space<semaphore_mem>>)
      %dma_wait3A_215 = arith.constant 0 : i32
      %dma_wait3A_216 = tpu.memref_slice %arg9[%run_scoped3A_197, %dma_wait3A_215] : memref<1x16xi32, #tpu.memory_space<vmem>> -> memref<1x16xi32, #tpu.memory_space<vmem>>
      %dma_wait3A_217 = tpu.memref_squeeze %dma_wait3A_216 : memref<1x16xi32, #tpu.memory_space<vmem>> -> memref<16xi32, #tpu.memory_space<vmem>>
      %dma_wait3A_218 = tpu.memref_slice %arg4[%add3A_196] : memref<320000xi32, #tpu.memory_space<hbm>> -> memref<16xi32, #tpu.memory_space<hbm>>
      %dma_wait3A_219 = arith.constant 0 : i32
      %dma_wait3A_220 = tpu.memref_slice %arg9[%run_scoped3A_197, %dma_wait3A_219] : memref<1x16xi32, #tpu.memory_space<vmem>> -> memref<1x16xi32, #tpu.memory_space<vmem>>
      %dma_wait3A_221 = tpu.memref_squeeze %dma_wait3A_220 : memref<1x16xi32, #tpu.memory_space<vmem>> -> memref<16xi32, #tpu.memory_space<vmem>>
      %dma_wait3A_222 = tpu.memref_slice %arg4[%add3A_196] : memref<320000xi32, #tpu.memory_space<hbm>> -> memref<16xi32, #tpu.memory_space<hbm>>
      tpu.wait_dma2 semaphore(%run_scoped3A_206 : memref<!tpu.dma_semaphore, #tpu.memory_space<semaphore_mem>>) src(%dma_wait3A_222 : memref<16xi32, #tpu.memory_space<hbm>>) dst(%dma_wait3A_221 : memref<16xi32, #tpu.memory_space<vmem>>)
      tpu.yield
    }) : () -> ()
    %dma_start3A_198 = arith.constant 0 : i32
    %dma_start3A_199 = arith.constant 0 : i32
    %dma_start3A_200 = tpu.memref_slice %arg2[%dma_start3A_198, %dma_start3A_199] : memref<10240x128xf32, #tpu.memory_space<hbm>> -> memref<10240x128xf32, #tpu.memory_space<hbm>>
    tpu.enqueue_indirect_dma source(%dma_start3A_200 : memref<10240x128xf32, #tpu.memory_space<hbm>>) target(%arg13 : memref<16x128xf32, #tpu.memory_space<vmem>>) offsets(%arg8 : memref<16xi32, #tpu.memory_space<vmem>>) semaphore(%arg24 : memref<!tpu.dma_semaphore, #tpu.memory_space<semaphore_mem>>)
    %dma_wait3A_201 = arith.constant 0 : i32
    %dma_wait3A_202 = arith.constant 0 : i32
    %dma_wait3A_203 = tpu.memref_slice %arg2[%dma_wait3A_201, %dma_wait3A_202] : memref<10240x128xf32, #tpu.memory_space<hbm>> -> memref<10240x128xf32, #tpu.memory_space<hbm>>
    tpu.wait_indirect_dma semaphore(%arg24 : memref<!tpu.dma_semaphore, #tpu.memory_space<semaphore_mem>>) src(%dma_wait3A_203 : memref<10240x128xf32, #tpu.memory_space<hbm>>) dst(%arg13 : memref<16x128xf32, #tpu.memory_space<vmem>>)
    %run_scoped3A_204 = arith.constant 0 : i32
    "tpu.region"() ({
      %run_scoped3A_206 = tpu.sem_alloc : memref<!tpu.dma_semaphore, #tpu.memory_space<semaphore_mem>>
      %dma_start3A_207 = arith.constant 0 : i32
      %dma_start3A_208 = tpu.memref_slice %arg9[%run_scoped3A_204, %dma_start3A_207] : memref<1x16xi32, #tpu.memory_space<vmem>> -> memref<1x16xi32, #tpu.memory_space<vmem>>
      %dma_start3A_209 = tpu.memref_squeeze %dma_start3A_208 : memref<1x16xi32, #tpu.memory_space<vmem>> -> memref<16xi32, #tpu.memory_space<vmem>>
      %dma_start3A_210 = arith.constant 0 : i32
      %dma_start3A_211 = arith.constant 0 : i32
      %dma_start3A_212 = tpu.memref_slice %arg14[%dma_start3A_210, %dma_start3A_211] : memref<10240x128xf32, #tpu.memory_space<vmem_shared>> -> memref<10240x128xf32, #tpu.memory_space<vmem_shared>>
      tpu.enqueue_indirect_dma source(%arg13 : memref<16x128xf32, #tpu.memory_space<vmem>>) target(%dma_start3A_212 : memref<10240x128xf32, #tpu.memory_space<vmem_shared>>) offsets(%dma_start3A_209 : memref<16xi32, #tpu.memory_space<vmem>>) semaphore(%run_scoped3A_206 : memref<!tpu.dma_semaphore, #tpu.memory_space<semaphore_mem>>) {add = true}
      %dma_wait3A_213 = arith.constant 0 : i32
      %dma_wait3A_214 = tpu.memref_slice %arg9[%run_scoped3A_204, %dma_wait3A_213] : memref<1x16xi32, #tpu.memory_space<vmem>> -> memref<1x16xi32, #tpu.memory_space<vmem>>
      %dma_wait3A_215 = tpu.memref_squeeze %dma_wait3A_214 : memref<1x16xi32, #tpu.memory_space<vmem>> -> memref<16xi32, #tpu.memory_space<vmem>>
      %dma_wait3A_216 = arith.constant 0 : i32
      %dma_wait3A_217 = arith.constant 0 : i32
      %dma_wait3A_218 = tpu.memref_slice %arg14[%dma_wait3A_216, %dma_wait3A_217] : memref<10240x128xf32, #tpu.memory_space<vmem_shared>> -> memref<10240x128xf32, #tpu.memory_space<vmem_shared>>
      tpu.wait_indirect_dma semaphore(%run_scoped3A_206 : memref<!tpu.dma_semaphore, #tpu.memory_space<semaphore_mem>>) src(%arg13 : memref<16x128xf32, #tpu.memory_space<vmem>>) dst(%dma_wait3A_218 : memref<10240x128xf32, #tpu.memory_space<vmem_shared>>)
      tpu.yield
    }) : () -> ()
    %barrier3A_205 = arith.constant 0 : index
    tpu.barrier barrier_id(%barrier3A_205)
    "tpu.region"() ({
      %run_scoped3A_206 = tpu.sem_alloc : memref<!tpu.dma_semaphore, #tpu.memory_space<semaphore_mem>>
      %dma_start3A_207 = arith.constant 0 : i32
      %dma_start3A_208 = tpu.memref_slice %arg5[%arg0, %mul3A_2, %dma_start3A_207] : memref<2x10240x128xf32, #tpu.memory_space<hbm>> -> memref<1x640x128xf32, #tpu.memory_space<hbm>>
      %dma_start3A_209 = tpu.memref_squeeze %dma_start3A_208 : memref<1x640x128xf32, #tpu.memory_space<hbm>> -> memref<640x128xf32, #tpu.memory_space<hbm>>
      %dma_start3A_210 = arith.constant 0 : i32
      %dma_start3A_211 = tpu.memref_slice %arg14[%mul3A_2, %dma_start3A_210] : memref<10240x128xf32, #tpu.memory_space<vmem_shared>> -> memref<640x128xf32, #tpu.memory_space<vmem_shared>>
      tpu.enqueue_dma source(%dma_start3A_211 : memref<640x128xf32, #tpu.memory_space<vmem_shared>>) target(%dma_start3A_209 : memref<640x128xf32, #tpu.memory_space<hbm>>) target_semaphore(%run_scoped3A_206 : memref<!tpu.dma_semaphore, #tpu.memory_space<semaphore_mem>>)
      %dma_wait3A_212 = arith.constant 0 : i32
      %dma_wait3A_213 = tpu.memref_slice %arg5[%arg0, %mul3A_2, %dma_wait3A_212] : memref<2x10240x128xf32, #tpu.memory_space<hbm>> -> memref<1x640x128xf32, #tpu.memory_space<hbm>>
      %dma_wait3A_214 = tpu.memref_squeeze %dma_wait3A_213 : memref<1x640x128xf32, #tpu.memory_space<hbm>> -> memref<640x128xf32, #tpu.memory_space<hbm>>
      %dma_wait3A_215 = arith.constant 0 : i32
      %dma_wait3A_216 = tpu.memref_slice %arg14[%mul3A_2, %dma_wait3A_215] : memref<10240x128xf32, #tpu.memory_space<vmem_shared>> -> memref<640x128xf32, #tpu.memory_space<vmem_shared>>
      tpu.wait_dma2 semaphore(%run_scoped3A_206 : memref<!tpu.dma_semaphore, #tpu.memory_space<semaphore_mem>>) src(%dma_wait3A_216 : memref<640x128xf32, #tpu.memory_space<vmem_shared>>) dst(%dma_wait3A_214 : memref<640x128xf32, #tpu.memory_space<hbm>>)
      tpu.yield
    }) : () -> ()
    return
  }
}

module attributes {stable_mosaic.version = 14 : i64} {
  func.func @_logmap_body(%arg0: i32, %arg1: memref<1000x128xf32, #tpu.memory_space<vmem>>, %arg2: memref<1000x128xf32, #tpu.memory_space<vmem>>) attributes {dimension_semantics = [#tpu.dimension_semantics<arbitrary>], iteration_bounds = array<i64: 10>, scalar_prefetch = 0 : i64, scratch_operands = 0 : i64, tpu.core_type = #tpu.core_type<tc>, window_params = [{transform_indices = @transform_0, window_bounds = array<i64: 1000, 128>}, {transform_indices = @transform_1, window_bounds = array<i64: 1000, 128>}]} {
    %get3A = arith.constant 0 : index
    %get3A_0 = arith.constant 0 : index
    %get3A_1 = vector.load %arg1[%get3A, %get3A_0] : memref<1000x128xf32, #tpu.memory_space<vmem>>, vector<1000x128xf32>
    %mul3A = arith.mulf %get3A_1, %get3A_1 : vector<1000x128xf32>
    %reduce_sum3A = arith.constant dense<0.000000e+00> : vector<1000xf32>
    %reduce_sum3A_2 = vector.multi_reduction <add>, %mul3A, %reduce_sum3A [1] : vector<1000x128xf32> to vector<1000xf32>
    %broadcast_in_dim3A = vector.shape_cast %reduce_sum3A_2 : vector<1000xf32> to vector<1000x1xf32>
    %sqrt3A = math.sqrt %broadcast_in_dim3A : vector<1000x1xf32>
    %jit3A = arith.constant 9.99999997E-7 : f32
    %jit3A_3 = arith.constant 0.999989986 : f32
    %max3A = vector.broadcast %jit3A : f32 to vector<1000x1xf32>
    %max3A_4 = arith.maximumf %max3A, %sqrt3A : vector<1000x1xf32>
    %min3A = vector.broadcast %jit3A_3 : f32 to vector<1000x1xf32>
    %min3A_5 = arith.minimumf %min3A, %max3A_4 : vector<1000x1xf32>
    %add3A = arith.constant 1.000000e+00 : f32
    %add3A_6 = vector.broadcast %add3A : f32 to vector<1000x1xf32>
    %add3A_7 = arith.addf %add3A_6, %min3A_5 : vector<1000x1xf32>
    %sub3A = arith.constant 1.000000e+00 : f32
    %sub3A_8 = vector.broadcast %sub3A : f32 to vector<1000x1xf32>
    %sub3A_9 = arith.subf %sub3A_8, %min3A_5 : vector<1000x1xf32>
    %div3A = arith.divf %add3A_7, %sub3A_9 : vector<1000x1xf32>
    %log3A = math.log %div3A : vector<1000x1xf32>
    %mul3A_10 = arith.constant 5.000000e-01 : f32
    %mul3A_11 = vector.broadcast %mul3A_10 : f32 to vector<1000x1xf32>
    %mul3A_12 = arith.mulf %mul3A_11, %log3A : vector<1000x1xf32>
    %mul3A_13 = vector.broadcast %mul3A_12 : vector<1000x1xf32> to vector<1000x128xf32>
    %mul3A_14 = arith.mulf %mul3A_13, %get3A_1 : vector<1000x128xf32>
    %div3A_15 = vector.broadcast %min3A_5 : vector<1000x1xf32> to vector<1000x128xf32>
    %div3A_16 = arith.divf %mul3A_14, %div3A_15 : vector<1000x128xf32>
    %swap3A = arith.constant 0 : index
    %swap3A_17 = arith.constant 0 : index
    %swap3A_18 = vector.load %arg2[%swap3A, %swap3A_17] : memref<1000x128xf32, #tpu.memory_space<vmem>>, vector<1000x128xf32>
    tpu.vector_store %arg2[%swap3A, %swap3A_17], %div3A_16 {strides = array<i32>} : memref<1000x128xf32, #tpu.memory_space<vmem>>, vector<1000x128xf32>,
    return
  }
  func.func @transform_0(%arg0: i32) -> (i32, i32) {
    %c0_i32 = arith.constant 0 : i32
    %c0_i32_0 = arith.constant 0 : i32
    return %arg0, %c0_i32 : i32, i32
  }
  func.func @transform_1(%arg0: i32) -> (i32, i32) {
    %c0_i32 = arith.constant 0 : i32
    %c0_i32_0 = arith.constant 0 : i32
    return %arg0, %c0_i32 : i32, i32
  }
}

module attributes {stable_mosaic.version = 14 : i64} {
  func.func @_combine_body(%arg0: i32, %arg1: memref<2x1024x128xf32, #tpu.memory_space<vmem>>, %arg2: memref<2x1024x128xf32, #tpu.memory_space<vmem>>, %arg3: memref<128x128xf32, #tpu.memory_space<vmem>>, %arg4: memref<1024x128xf32, #tpu.memory_space<vmem>>) attributes {dimension_semantics = [#tpu.dimension_semantics<arbitrary>], iteration_bounds = array<i64: 10>, scalar_prefetch = 0 : i64, scratch_operands = 0 : i64, tpu.core_type = #tpu.core_type<tc>, window_params = [{transform_indices = @transform_0, window_bounds = array<i64: 2, 1024, 128>}, {transform_indices = @transform_1, window_bounds = array<i64: 2, 1024, 128>}, {pipeline_mode = #tpu.pipeline_mode<synchronous>, transform_indices = @transform_2, window_bounds = array<i64: 128, 128>}, {transform_indices = @transform_3, window_bounds = array<i64: 1024, 128>}]} {
    %get3A = arith.constant 0 : index
    %get3A_0 = arith.constant 0 : index
    %get3A_1 = arith.constant 0 : index
    %get3A_2 = vector.load %arg1[%get3A, %get3A_0, %get3A_1] : memref<2x1024x128xf32, #tpu.memory_space<vmem>>, vector<1x1024x128xf32>
    %get3A_3 = vector.shape_cast %get3A_2 : vector<1x1024x128xf32> to vector<1024x128xf32>
    %get3A_4 = arith.constant 1 : index
    %get3A_5 = arith.constant 0 : index
    %get3A_6 = arith.constant 0 : index
    %get3A_7 = vector.load %arg1[%get3A_4, %get3A_5, %get3A_6] : memref<2x1024x128xf32, #tpu.memory_space<vmem>>, vector<1x1024x128xf32>
    %get3A_8 = vector.shape_cast %get3A_7 : vector<1x1024x128xf32> to vector<1024x128xf32>
    %add3A = arith.addf %get3A_3, %get3A_8 : vector<1024x128xf32>
    %get3A_9 = arith.constant 0 : index
    %get3A_10 = arith.constant 0 : index
    %get3A_11 = arith.constant 0 : index
    %get3A_12 = vector.load %arg2[%get3A_9, %get3A_10, %get3A_11] : memref<2x1024x128xf32, #tpu.memory_space<vmem>>, vector<2x1024x128xf32>
    %reduce_sum3A = arith.constant dense<0.000000e+00> : vector<1024xf32>
    %reduce_sum3A_13 = vector.multi_reduction <add>, %get3A_12, %reduce_sum3A [0, 2] : vector<2x1024x128xf32> to vector<1024xf32>
    %mul3A = arith.constant 7.812500e-03 : f32
    %mul3A_14 = vector.broadcast %mul3A : f32 to vector<1024xf32>
    %mul3A_15 = arith.mulf %reduce_sum3A_13, %mul3A_14 : vector<1024xf32>
    %jit3A = arith.constant 1.000000e+00 : f32
    %max3A = vector.broadcast %jit3A : f32 to vector<1024xf32>
    %max3A_16 = arith.maximumf %max3A, %mul3A_15 : vector<1024xf32>
    %broadcast_in_dim3A = vector.shape_cast %max3A_16 : vector<1024xf32> to vector<1024x1xf32>
    %div3A = vector.broadcast %broadcast_in_dim3A : vector<1024x1xf32> to vector<1024x128xf32>
    %div3A_17 = arith.divf %add3A, %div3A : vector<1024x128xf32>
    %get3A_18 = arith.constant 0 : index
    %get3A_19 = arith.constant 0 : index
    %get3A_20 = vector.load %arg3[%get3A_18, %get3A_19] : memref<128x128xf32, #tpu.memory_space<vmem>>, vector<128x128xf32>
    %dot_general3A = arith.constant dense<0.000000e+00> : vector<1024x128xf32>
    %dot_general3A_21 = tpu.matmul %div3A_17, %get3A_20, %dot_general3A {dimension_numbers = #tpu.dot_dimension_numbers<[1], [0], [0], [1], [0, 0, 1, 1], [], []>, transpose_lhs_hint = false} : vector<1024x128xf32>, vector<128x128xf32>, vector<1024x128xf32> -> vector<1024x128xf32>
    %mul3A_22 = arith.mulf %dot_general3A_21, %dot_general3A_21 : vector<1024x128xf32>
    %reduce_sum3A_23 = arith.constant dense<0.000000e+00> : vector<1024xf32>
    %reduce_sum3A_24 = vector.multi_reduction <add>, %mul3A_22, %reduce_sum3A_23 [1] : vector<1024x128xf32> to vector<1024xf32>
    %broadcast_in_dim3A_25 = vector.shape_cast %reduce_sum3A_24 : vector<1024xf32> to vector<1024x1xf32>
    %sqrt3A = math.sqrt %broadcast_in_dim3A_25 : vector<1024x1xf32>
    %jit3A_26 = arith.constant 9.99999997E-7 : f32
    %max3A_27 = vector.broadcast %jit3A_26 : f32 to vector<1024x1xf32>
    %max3A_28 = arith.maximumf %max3A_27, %sqrt3A : vector<1024x1xf32>
    %tanh3A = math.tanh %max3A_28 : vector<1024x1xf32>
    %mul3A_29 = vector.broadcast %tanh3A : vector<1024x1xf32> to vector<1024x128xf32>
    %mul3A_30 = arith.mulf %mul3A_29, %dot_general3A_21 : vector<1024x128xf32>
    %div3A_31 = vector.broadcast %max3A_28 : vector<1024x1xf32> to vector<1024x128xf32>
    %div3A_32 = arith.divf %mul3A_30, %div3A_31 : vector<1024x128xf32>
    %swap3A = arith.constant 0 : index
    %swap3A_33 = arith.constant 0 : index
    %swap3A_34 = vector.load %arg4[%swap3A, %swap3A_33] : memref<1024x128xf32, #tpu.memory_space<vmem>>, vector<1024x128xf32>
    tpu.vector_store %arg4[%swap3A, %swap3A_33], %div3A_32 {strides = array<i32>} : memref<1024x128xf32, #tpu.memory_space<vmem>>, vector<1024x128xf32>,
    return
  }
  func.func @transform_0(%arg0: i32) -> (i32, i32, i32) {
    %c0_i32 = arith.constant 0 : i32
    %c0_i32_0 = arith.constant 0 : i32
    %c0_i32_1 = arith.constant 0 : i32
    return %c0_i32, %arg0, %c0_i32_0 : i32, i32, i32
  }
  func.func @transform_1(%arg0: i32) -> (i32, i32, i32) {
    %c0_i32 = arith.constant 0 : i32
    %c0_i32_0 = arith.constant 0 : i32
    %c0_i32_1 = arith.constant 0 : i32
    return %c0_i32, %arg0, %c0_i32_0 : i32, i32, i32
  }
  func.func @transform_2(%arg0: i32) -> (i32, i32) {
    %c0_i32 = arith.constant 0 : i32
    %c0_i32_0 = arith.constant 0 : i32
    %c0_i32_1 = arith.constant 0 : i32
    return %c0_i32, %c0_i32_0 : i32, i32
  }
  func.func @transform_3(%arg0: i32) -> (i32, i32) {
    %c0_i32 = arith.constant 0 : i32
    %c0_i32_0 = arith.constant 0 : i32
    return %arg0, %c0_i32 : i32, i32
  }
}

module attributes {stable_mosaic.version = 14 : i64} {
  func.func @_combine_body(%arg0: i32, %arg1: memref<2x1024x128xf32, #tpu.memory_space<vmem>>, %arg2: memref<2x1024x128xf32, #tpu.memory_space<vmem>>, %arg3: memref<128x128xf32, #tpu.memory_space<vmem>>, %arg4: memref<1024x128xf32, #tpu.memory_space<vmem>>) attributes {dimension_semantics = [#tpu.dimension_semantics<arbitrary>], iteration_bounds = array<i64: 10>, scalar_prefetch = 0 : i64, scratch_operands = 0 : i64, tpu.core_type = #tpu.core_type<tc>, window_params = [{transform_indices = @transform_0, window_bounds = array<i64: 2, 1024, 128>}, {transform_indices = @transform_1, window_bounds = array<i64: 2, 1024, 128>}, {pipeline_mode = #tpu.pipeline_mode<synchronous>, transform_indices = @transform_2, window_bounds = array<i64: 128, 128>}, {transform_indices = @transform_3, window_bounds = array<i64: 1024, 128>}]} {
    %get3A = arith.constant 0 : index
    %get3A_0 = arith.constant 0 : index
    %get3A_1 = arith.constant 0 : index
    %get3A_2 = vector.load %arg1[%get3A, %get3A_0, %get3A_1] : memref<2x1024x128xf32, #tpu.memory_space<vmem>>, vector<1x1024x128xf32>
    %get3A_3 = vector.shape_cast %get3A_2 : vector<1x1024x128xf32> to vector<1024x128xf32>
    %get3A_4 = arith.constant 1 : index
    %get3A_5 = arith.constant 0 : index
    %get3A_6 = arith.constant 0 : index
    %get3A_7 = vector.load %arg1[%get3A_4, %get3A_5, %get3A_6] : memref<2x1024x128xf32, #tpu.memory_space<vmem>>, vector<1x1024x128xf32>
    %get3A_8 = vector.shape_cast %get3A_7 : vector<1x1024x128xf32> to vector<1024x128xf32>
    %add3A = arith.addf %get3A_3, %get3A_8 : vector<1024x128xf32>
    %get3A_9 = arith.constant 0 : index
    %get3A_10 = arith.constant 0 : index
    %get3A_11 = arith.constant 0 : index
    %get3A_12 = vector.load %arg2[%get3A_9, %get3A_10, %get3A_11] : memref<2x1024x128xf32, #tpu.memory_space<vmem>>, vector<2x1024x128xf32>
    %reduce_sum3A = arith.constant dense<0.000000e+00> : vector<1024xf32>
    %reduce_sum3A_13 = vector.multi_reduction <add>, %get3A_12, %reduce_sum3A [0, 2] : vector<2x1024x128xf32> to vector<1024xf32>
    %mul3A = arith.constant 7.812500e-03 : f32
    %mul3A_14 = vector.broadcast %mul3A : f32 to vector<1024xf32>
    %mul3A_15 = arith.mulf %reduce_sum3A_13, %mul3A_14 : vector<1024xf32>
    %jit3A = arith.constant 1.000000e+00 : f32
    %max3A = vector.broadcast %jit3A : f32 to vector<1024xf32>
    %max3A_16 = arith.maximumf %max3A, %mul3A_15 : vector<1024xf32>
    %broadcast_in_dim3A = vector.shape_cast %max3A_16 : vector<1024xf32> to vector<1024x1xf32>
    %div3A = vector.broadcast %broadcast_in_dim3A : vector<1024x1xf32> to vector<1024x128xf32>
    %div3A_17 = arith.divf %add3A, %div3A : vector<1024x128xf32>
    %get3A_18 = arith.constant 0 : index
    %get3A_19 = arith.constant 0 : index
    %get3A_20 = vector.load %arg3[%get3A_18, %get3A_19] : memref<128x128xf32, #tpu.memory_space<vmem>>, vector<128x128xf32>
    %dot_general3A = arith.constant dense<0.000000e+00> : vector<1024x128xf32>
    %dot_general3A_21 = tpu.matmul %div3A_17, %get3A_20, %dot_general3A {dimension_numbers = #tpu.dot_dimension_numbers<[1], [0], [0], [1], [0, 0, 1, 1], [], []>, transpose_lhs_hint = false} : vector<1024x128xf32>, vector<128x128xf32>, vector<1024x128xf32> -> vector<1024x128xf32>
    %mul3A_22 = arith.mulf %dot_general3A_21, %dot_general3A_21 : vector<1024x128xf32>
    %reduce_sum3A_23 = arith.constant dense<0.000000e+00> : vector<1024xf32>
    %reduce_sum3A_24 = vector.multi_reduction <add>, %mul3A_22, %reduce_sum3A_23 [1] : vector<1024x128xf32> to vector<1024xf32>
    %broadcast_in_dim3A_25 = vector.shape_cast %reduce_sum3A_24 : vector<1024xf32> to vector<1024x1xf32>
    %sqrt3A = math.sqrt %broadcast_in_dim3A_25 : vector<1024x1xf32>
    %jit3A_26 = arith.constant 9.99999997E-7 : f32
    %max3A_27 = vector.broadcast %jit3A_26 : f32 to vector<1024x1xf32>
    %max3A_28 = arith.maximumf %max3A_27, %sqrt3A : vector<1024x1xf32>
    %tanh3A = math.tanh %max3A_28 : vector<1024x1xf32>
    %mul3A_29 = vector.broadcast %tanh3A : vector<1024x1xf32> to vector<1024x128xf32>
    %mul3A_30 = arith.mulf %mul3A_29, %dot_general3A_21 : vector<1024x128xf32>
    %div3A_31 = vector.broadcast %max3A_28 : vector<1024x1xf32> to vector<1024x128xf32>
    %div3A_32 = arith.divf %mul3A_30, %div3A_31 : vector<1024x128xf32>
    %mul3A_33 = arith.mulf %div3A_32, %div3A_32 : vector<1024x128xf32>
    %reduce_sum3A_34 = arith.constant dense<0.000000e+00> : vector<1024xf32>
    %reduce_sum3A_35 = vector.multi_reduction <add>, %mul3A_33, %reduce_sum3A_34 [1] : vector<1024x128xf32> to vector<1024xf32>
    %broadcast_in_dim3A_36 = vector.shape_cast %reduce_sum3A_35 : vector<1024xf32> to vector<1024x1xf32>
    %sqrt3A_37 = math.sqrt %broadcast_in_dim3A_36 : vector<1024x1xf32>
    %jit3A_38 = arith.constant 9.99999997E-7 : f32
    %jit3A_39 = arith.constant 0.999989986 : f32
    %max3A_40 = vector.broadcast %jit3A_38 : f32 to vector<1024x1xf32>
    %max3A_41 = arith.maximumf %max3A_40, %sqrt3A_37 : vector<1024x1xf32>
    %min3A = vector.broadcast %jit3A_39 : f32 to vector<1024x1xf32>
    %min3A_42 = arith.minimumf %min3A, %max3A_41 : vector<1024x1xf32>
    %add3A_43 = arith.constant 1.000000e+00 : f32
    %add3A_44 = vector.broadcast %add3A_43 : f32 to vector<1024x1xf32>
    %add3A_45 = arith.addf %add3A_44, %min3A_42 : vector<1024x1xf32>
    %sub3A = arith.constant 1.000000e+00 : f32
    %sub3A_46 = vector.broadcast %sub3A : f32 to vector<1024x1xf32>
    %sub3A_47 = arith.subf %sub3A_46, %min3A_42 : vector<1024x1xf32>
    %div3A_48 = arith.divf %add3A_45, %sub3A_47 : vector<1024x1xf32>
    %log3A = math.log %div3A_48 : vector<1024x1xf32>
    %mul3A_49 = arith.constant 5.000000e-01 : f32
    %mul3A_50 = vector.broadcast %mul3A_49 : f32 to vector<1024x1xf32>
    %mul3A_51 = arith.mulf %mul3A_50, %log3A : vector<1024x1xf32>
    %mul3A_52 = vector.broadcast %mul3A_51 : vector<1024x1xf32> to vector<1024x128xf32>
    %mul3A_53 = arith.mulf %mul3A_52, %div3A_32 : vector<1024x128xf32>
    %div3A_54 = vector.broadcast %min3A_42 : vector<1024x1xf32> to vector<1024x128xf32>
    %div3A_55 = arith.divf %mul3A_53, %div3A_54 : vector<1024x128xf32>
    %swap3A = arith.constant 0 : index
    %swap3A_56 = arith.constant 0 : index
    %swap3A_57 = vector.load %arg4[%swap3A, %swap3A_56] : memref<1024x128xf32, #tpu.memory_space<vmem>>, vector<1024x128xf32>
    tpu.vector_store %arg4[%swap3A, %swap3A_56], %div3A_55 {strides = array<i32>} : memref<1024x128xf32, #tpu.memory_space<vmem>>, vector<1024x128xf32>,
    return
  }
  func.func @transform_0(%arg0: i32) -> (i32, i32, i32) {
    %c0_i32 = arith.constant 0 : i32
    %c0_i32_0 = arith.constant 0 : i32
    %c0_i32_1 = arith.constant 0 : i32
    return %c0_i32, %arg0, %c0_i32_0 : i32, i32, i32
  }
  func.func @transform_1(%arg0: i32) -> (i32, i32, i32) {
    %c0_i32 = arith.constant 0 : i32
    %c0_i32_0 = arith.constant 0 : i32
    %c0_i32_1 = arith.constant 0 : i32
    return %c0_i32, %arg0, %c0_i32_0 : i32, i32, i32
  }
  func.func @transform_2(%arg0: i32) -> (i32, i32) {
    %c0_i32 = arith.constant 0 : i32
    %c0_i32_0 = arith.constant 0 : i32
    %c0_i32_1 = arith.constant 0 : i32
    return %c0_i32, %c0_i32_0 : i32, i32
  }
  func.func @transform_3(%arg0: i32) -> (i32, i32) {
    %c0_i32 = arith.constant 0 : i32
    %c0_i32_0 = arith.constant 0 : i32
    return %arg0, %c0_i32 : i32, i32
  }
}

</mosaic_0001>

<sc_bundles>
// kernel: kernel.10.cloned.1.call-start
scs
__scs_entry_jumppad:
0x0: {  	(pc) =	sbr.rel $0x88, $3  }
0x1: {  	(tag) =	ssettag $0x0;
	lr =	simm.s32 $0x1  }
0x2: {  	[smem:$0x3F9D] =	sst lr;
	_ =	strace $0xD0000000  }
0x3: {  	_ = 	snop  }
0x4: {  	_ = 	snop  }
0x5: {  	_ = 	snop  }
0x6: {  	_ = 	snop  }
0x7: {  	_ = 	snop  }
__scs_overlays_trampoline_lowered:
0x8: {  	[smem:$0x3FAC] =	sst s0  }
0x9: {  	[smem:$0x3FAD] =	sst s1  }
0xa: {  	[smem:$0x3FAE] =	sst s2  }
0xb: {  	[smem:$0x3FAF] =	sst s3  }
0xc: {  	[smem:$0x3FB0] =	sst s4  }
0xd: {  	[smem:$0x3FB1] =	sst s5  }
0xe: {  	[smem:$0x3FB2] =	sst s6  }
0xf: {  	[smem:$0x3FB3] =	sst s7  }
0x10: {  	[smem:$0x3FB4] =	sst s8  }
0x11: {  	[smem:$0x3FB5] =	sst s9;
	s0 =	simm.s32 @!p0 $0x0  }
0x12: {  	s1 =	sld [smem:$0x3F9B];
	s0 =	simm.s32 @p0 $0x1  }
0x13: {  	[smem:$0x3FB6] =	sst s0;
	s0 =	simm.s32 @!p1 $0x0  }
0x14: {  	s2 =	sld [smem:$0x3F9A];
	s0 =	simm.s32 @p1 $0x1  }
0x15: {  	[smem:$0x3FB7] =	sst s0;
	s0 =	simm.s32 @!p2 $0x0  }
0x16: {  	s3 =	sld [smem:$0x3FDB];
	s0 =	simm.s32 @p2 $0x1  }
0x17: {  	s4 =	simm.s32 $0x1BF5;
	[smem:$0x3FB9] =	sst s0  }
0x18: {  	s0 =	sld [smem:$0x3F9C];
	_ =	swait.ge [sflag:s4], $0x0  }
0x19: {  	s7 =	sld [smem:$0x3F9D]  }
0x1a: {  	s8 =	sadd.s32 $0xFFFFE003, lr  }
0x1b: {  	s9 =	sadd.s32 $0xFFFFFEF7, lr;
	s5 =	simm.s32 $0xFFFFFFFF;
	p2 =	slt.u32 s8, $0xFFFFF086  }
0x1c: {  	p1 =	slt.u32 s9, $0xF7A;
	s5 =	simm.s32 @!p2 $0x0  }
0x1d: {  	s5 =	simm.s32 @p1 $0x1;
	p0 =	seq.s32 s7, s2  }
0x1e: {  	s7 =	smul.u32 @!p0 $0xF7A, s2;
	p2 =	seq.s32 @!p0 s5, $0x0  }
0x1f: {  	s9 =	smul.u32 $0xF7A, s1;
	s8 =	simm.s32 @!p0 $0x1BF5;
	p2 =	por !p2, p0  }
0x20: {  	[sflag:s8] =	ssyncset.s32 @!p0 $0xFFFFF086;
	s6 =	sadd.s32 @!p0 s3, s7;
	s7 =	simm.s32 @!p0 $0x108  }
0x21: {  	s3 =	sadd.s32 s3, s9;
	s6 =	sadd.s32 @!p0 $0x88, s6;
	s7 =	simm.s32 @p2 $0x1082  }
0x22: {  	[simem:s7], [sflag:s8] =	dma.local @!p0 [hbm:s6], $0xF7A  }
0x23: {  	s9 =	sor.u32 $0xD0000000, s2;
	s6 =	simm.s32 $0x108;
	_ =	swait.ge @!p0 [sflag:s8], $0x0  }
0x24: {  	s3 =	sadd.s32 $0x88, s3;
	s6 =	simm.s32 @!p1 $0x1082;
	[sflag:s4] =	ssyncset.s32 $0xFFFFF086  }
0x25: {  	[simem:s6], [sflag:s4] =	dma.local [hbm:s3], $0xF7A  }
0x26: {  	[smem:$0x3F9D] =	sst s1;
	(tag) =	ssettag s2;
	_ =	strace s9  }
0x27: {  	s1 =	sld [smem:$0x3FAD]  }
0x28: {  	s2 =	sld [smem:$0x3FAE]  }
0x29: {  	s4 =	sld [smem:$0x3FB0]  }
0x2a: {  	p0 =	seq.s32 s5, $0x0;
	s5 =	sld [smem:$0x3FB1]  }
0x2b: {  	s6 =	sld [smem:$0x3FB2]  }
0x2c: {  	s7 =	sld [smem:$0x3FB3]  }
0x2d: {  	s3 =	simm.s32 $0x108;
	s8 =	sld [smem:$0x3FB4]  }
0x2e: {  	s3 =	simm.s32 @!p0 $0x1082;
	s9 =	sld [smem:$0x3FB5]  }
0x2f: {  	lr =	sadd.s32 s0, s3;
	s0 =	sld [smem:$0x3FAC]  }
0x30: {  	s3 =	sld [smem:$0x3FAF]  }
0x31: {  	[smem:$0x3FB8] =	sst s10  }
0x32: {  	s10 =	sld [smem:$0x3FB6];
	_ =	sdelay $0x3  }
0x33: {  	p0 =	seq.s32 s10, $0x1;
	s10 =	sld [smem:$0x3FB8];
	_ =	sdelay $0x3  }
0x34: {  	[smem:$0x3FB8] =	sst s10  }
0x35: {  	s10 =	sld [smem:$0x3FB7];
	_ =	sdelay $0x3  }
0x36: {  	p1 =	seq.s32 s10, $0x1;
	s10 =	sld [smem:$0x3FB8];
	_ =	sdelay $0x3  }
0x37: {  	[smem:$0x3FB8] =	sst s10  }
0x38: {  	s10 =	sld [smem:$0x3FB9]  }
0x39: {  	_ = 	snop;
	(pc) =	sbr.ind lr, $3  }
0x3a: {  	_ = 	snop  }
0x3b: {  	_ = 	snop  }
0x3c: {  	p2 =	seq.s32 s10, $0x1;
	s10 =	sld [smem:$0x3FB8]  }
0x3d: {  	_ =	shalt  }
0x3e: {  	_ =	shalt  }
0x3f: {  	_ =	shalt  }
0x40: {  	_ =	shalt  }
0x41: {  	_ =	shalt  }
0x42: {  	_ =	shalt  }
0x43: {  	_ =	shalt  }
0x44: {  	_ =	shalt  }
0x45: {  	_ =	shalt  }
0x46: {  	_ =	shalt  }
0x47: {  	_ =	shalt  }
0x48: {  	_ =	shalt  }
0x49: {  	_ =	shalt  }
0x4a: {  	_ =	shalt  }
0x4b: {  	_ =	shalt  }
0x4c: {  	_ =	shalt  }
0x4d: {  	_ =	shalt  }
0x4e: {  	_ =	shalt  }
0x4f: {  	_ =	shalt  }
0x50: {  	_ =	shalt  }
0x51: {  	_ =	shalt  }
0x52: {  	_ =	shalt  }
0x53: {  	_ =	shalt  }
0x54: {  	_ =	shalt  }
0x55: {  	_ =	shalt  }
0x56: {  	_ =	shalt  }
0x57: {  	_ =	shalt  }
0x58: {  	_ =	shalt  }
0x59: {  	_ =	shalt  }
0x5a: {  	_ =	shalt  }
0x5b: {  	_ =	shalt  }
0x5c: {  	_ =	shalt  }
0x5d: {  	_ =	shalt  }
0x5e: {  	_ =	shalt  }
0x5f: {  	_ =	shalt  }
0x60: {  	_ =	shalt  }
0x61: {  	_ =	shalt  }
0x62: {  	_ =	shalt  }
0x63: {  	_ =	shalt  }
0x64: {  	_ =	shalt  }
0x65: {  	_ =	shalt  }
0x66: {  	_ =	shalt  }
0x67: {  	_ =	shalt  }
0x68: {  	_ =	shalt  }
0x69: {  	_ =	shalt  }
0x6a: {  	_ =	shalt  }
0x6b: {  	_ =	shalt  }
0x6c: {  	_ =	shalt  }
0x6d: {  	_ =	shalt  }
0x6e: {  	_ =	shalt  }
0x6f: {  	_ =	shalt  }
0x70: {  	_ =	shalt  }
0x71: {  	_ =	shalt  }
0x72: {  	_ =	shalt  }
0x73: {  	_ =	shalt  }
0x74: {  	_ =	shalt  }
0x75: {  	_ =	shalt  }
0x76: {  	_ =	shalt  }
0x77: {  	_ =	shalt  }
0x78: {  	_ =	shalt  }
0x79: {  	_ =	shalt  }
0x7a: {  	_ =	shalt  }
0x7b: {  	_ =	shalt  }
0x7c: {  	_ =	shalt  }
0x7d: {  	_ =	shalt  }
0x7e: {  	_ =	shalt  }
0x7f: {  	_ =	shalt  }
0x80: {  	_ =	shalt  }
0x81: {  	_ =	shalt  }
0x82: {  	_ =	shalt  }
0x83: {  	_ =	shalt  }
0x84: {  	_ =	shalt  }
0x85: {  	_ =	shalt  }
0x86: {  	_ =	shalt  }
0x87: {  	_ =	shalt  }
.Lfunc_end0:
.L_simem_size_0:
called_computation.1_lowered:
.L_overlay_start_0:
0x88: {  	s2 =	sld [smem:$0x3FD9]  }
0x89: {  	s3 =	sld [smem:$0x3FFE];
	_ =	sdelay $0x1  }
0x8a: {  	s1 =	srdreg.scid  }
0x8b: {  	s0 =	sand.u32 $0x1, s1  }
0x8c: {  	s16 =	sshll.u32 s0, $0xA;
	s2 =	sadd.s32 s3, s2  }
0x8d: {  	s2 =	sadd.s32 s2, s16  }
0x8e: {  	[smem:$0x3FC4] =	sst s2  }
0x8f: {  	_ = 	snop  }
0x90: {  	(tm) =	ssettm $0x1  }
0x91: {  	s17 =	sld [smem:$0x3FFB];
	_ =	sdelay $0x3  }
0x92: {  	_ =	strace s17  }
0x93: {  	s2 =	sld [smem:$0x3FFC];
	_ =	sdelay $0x3  }
0x94: {  	_ =	strace s2  }
0x95: {  	s2 =	sld [smem:$0x3FFD];
	_ =	sdelay $0x3  }
0x96: {  	_ =	strace s2  }
0x97: {  	_ =	strace $0x8FFFFFFF  }
0x98: {  	s18 =	sld [smem:$0x3FDB];
	_ =	sdelay $0x1  }
0x99: {  	s19 =	simm.s32 $_scs_section_size  }
0x9a: {  	s4 =	simm.s32 $_size__tile_overlayer_lowered;
	s5 =	simm.s32 $_tile_overlayer_lowered  }
0x9b: {  	s22 =	simm.s32 $0x1BFF;
	s21 =	sshll.u32 s5, $0x1;
	s2 =	sadd.s32 s19, s18  }
0x9c: {  	s6 =	simm.s32 $0x0;
	s20 =	sshll.u32 s4, $0x1;
	s4 =	sadd.s32 s21, s2  }
0x9d: {  	[timem:s6], [sflag:s22] =	dma.local [hbm:s4], s20  }
0x9e: {  	_ =	swait.ge [sflag:s22], s20  }
0x9f: {  	s3 =	ssub.s32 $0x0, s20;
	[sflag:s22] =	ssyncset.done $0x0  }
0xa0: {  	[sflag:s22] =	ssyncadd.s32 s3;
	_ =	sdelay $0x1  }
0xa1: {  	s23 =	simm.s32 $0x1B8B  }
0xa2: {  	_ =	swait.ge [sflag:s23], $0x1  }
0xa3: {  	[sflag:s23] =	ssyncset.done $0x0  }
0xa4: {  	s25 =	simm.s32 $0x1B8E;
	s24 =	sld [smem:$0x3FFE];
	[sflag:s23] =	ssyncadd.s32 $0xFFFFFFFF  }
0xa5: {  	s26 =	simm.s32 $execute0_lowered;
	[smem:$0x3FD2] =	sst s25  }
0xa6: {  	s4 =	sshll.u32 s26, $0x1;
	_ =	strace $0x80000049;
	[dreg:$0x1] =	wrdreg $0xFFFFFFFF  }
0xa7: {  	s28 =	simm.s32 $_size_execute0_lowered;
	s2 =	sadd.s32 s2, s4;
	[dreg:$0x0] =	wrdreg $0x0  }
0xa8: {  	s4 =	sshll.u32 s28, $0x1;
	[dreg:$0x2] =	wrdreg s2  }
0xa9: {  	[dreg:$0x3] =	wrdreg s4  }
0xaa: {  	[dreg:$0x4] =	wrdreg $0xC0  }
0xab: {  	_ =	task [dreg:s6], $0x5FFFF  }
0xac: {  	[dreg:$0x1] =	wrdreg $0xFFFFFFFF  }
0xad: {  	[dreg:$0x0] =	wrdreg $0x60  }
0xae: {  	[dreg:$0x2] =	wrdreg s24  }
0xaf: {  	[dreg:$0x3] =	wrdreg $0xA9000  }
0xb0: {  	[dreg:$0x4] =	wrdreg $0x9  }
0xb1: {  	_ =	task.clear_ibuf [dreg:s6], $0x5FFFF;
	_ =	strace $0x90000049  }
0xb2: {  	s29 =	simm.s32 $0x9;
	_ =	strace $0x8000004B  }
0xb3: {  	_ =	swait.ge [sflag:s29], $0x1  }
0xb4: {  	[sflag:s29] =	ssyncadd.s32 $0xFFFFFFFF  }
0xb5: {  	_ =	strace $0x9000004B  }
0xb6: {  	_ =	sfence  }
0xb7: {  	s30 =	sld [smem:$0x0];
	_ =	sdelay $0x2  }
0xb8: {  	s31 =	sshll.u32 s1, $0xD;
	s1 =	sshrl.u32 s1, $0x2  }
0xb9: {  	s3 =	sand.u32 $0x4000, s31;
	s1 =	sadd.s32 s1, s30  }
0xba: {  	s0 =	sor.u32 s3, s0;
	s1 =	sshll.u32 s1, $0x11  }
0xbb: {  	s0 =	sor.u32 s1, s0  }
0xbc: {  	s0 =	sadd.s32 $0x8F2B, s0  }
0xbd: {  	[sflag:s0] =	ssyncadd.remote.s32 $0x1  }
0xbe: {  	_ =	sfence.sel $0xFFFF  }
0xbf: {  	[dreg:$0x0] =	wrdreg $0xFFFFFFFF;
	(pc) =	sbr.abs _section_cstart, $3  }
0xc0: {  	[dreg:$0x1] =	wrdreg $0xFFFFFFFF  }
0xc1: {  	_ =	task.clear_ibuf [dreg:s6], $0x2FFFF;
	_ =	strace $0x9FFFFFFF  }
0xc2: {  	(tm) =	ssettm $0x7FFFFFFF  }
0xc3: {  	_ =	shalt  }
tec
execute0_lowered:
.L_overlay_start_1:
0x0: {  	(tag) =	ssettag $0x1  }
0x1: {  	s0 =	rddreg [dreg:$0x0]  }
0x2: {  	s1 =	rddreg [dreg:$0x1];
	s2 =	srdreg.scid  }
0x3: {  	s3 =	simm.s32 $0x0;
	s12 =	stileid.u32;
	s28 =	simm.s32 $0x200  }
0x4: {  	s29 =	simm.s32 $0x80;
	s30 =	simm.s32 $0x280;
	s31 =	simm.s32 $0x100  }
0x5: {  	s2 =	sand.u32 $0x1, s2;
	[smem:$0x7FF] =	sst s3;
	s8 =	smul.u32 $0x14000, s12  }
0x6: {  	s4 =	sadd.s32 $0x14E00, s0;
	s5 =	sadd.s32 $0xB000, s0;
	s10 =	smul.u32 $0x50000, s12  }
0x7: {  	s6 =	sadd.s32 $0x1200, s0;
	s14 =	sshll.u32 s12, $0x1;
	s7 =	smul.u32 $0x140000, s2  }
0x8: {  	s20 =	smul.u32 $0x4E20, s12;
	_ =	strace $0x8000004A;
	s9 =	ssub.s32 $0x2, s2  }
0x9: {  	s11 =	sshrl.u32 s9, $0x1;
	s15 =	sshrl.u32 s10, $0x2;
	s7 =	sadd.s32 s8, s7  }
0xa: {  	s8 =	sor.u32 s2, s14;
	s9 =	ssub.s32 s9, s11;
	s22 =	sadd.s32 s15, s1  }
0xb: {  	s2 =	smul.u32 $0x2710, s2;
	s11 =	simm.s32 $0x7;
	s7 =	sshrl.u32 s7, $0x3  }
0xc: {  	s8 =	smul.u32 $0x2710, s8;
	s13 =	smax.u32 s9, $0x1;
	s15 =	sadd.s32 $0x3400, s22  }
0xd: {  	s9 =	simm.s32 $0x4;
	s0 =	sadd.s32 s7, s0;
	[dreg:$0x11] =	wrdreg s13  }
0xe: {  	s7 =	sadd.s32 $0x13800, s22;
	[dreg:$0x12] =	wrdreg s15;
	s16 =	sshrl.u32 s8, $0x3  }
0xf: {  	s8 =	sadd.s32 $0x68, s8;
	[dreg:$0x7] =	wrdreg s7;
	s0 =	sadd.s32 $0xB4E00, s0  }
0x10: {  	s17 =	sadd.s32 s5, s16;
	s8 =	sshrl.u32 s8, $0x3;
	[dreg:$0x10] =	wrdreg s0  }
0x11: {  	s18 =	sadd.s32 s6, s16;
	s23 =	sadd.s32 $0x1A, s16;
	[dreg:$0x8] =	wrdreg s17  }
0x12: {  	s26 =	sadd.s32 $0x4E0, s16;
	s16 =	sadd.s32 $0x6800, s22;
	[dreg:$0x9] =	wrdreg s18  }
0x13: {  	s2 =	sadd.s32 s2, s20;
	s19 =	sadd.s32 s5, s8;
	[dreg:$0x13] =	wrdreg s16  }
0x14: {  	s13 =	simm.s32 $0x3;
	s21 =	sadd.s32 s6, s8;
	[dreg:$0xa] =	wrdreg s19  }
0x15: {  	s15 =	simm.s32 $0x6;
	s24 =	sadd.s32 s5, s23;
	[dreg:$0xb] =	wrdreg s21  }
0x16: {  	s14 =	sadd.s32 $0x208, s2;
	s25 =	sadd.s32 s6, s23;
	[dreg:$0xc] =	wrdreg s24  }
0x17: {  	s0 =	sshrl.u32 s14, $0x3;
	s10 =	sadd.s32 s5, s26;
	[dreg:$0xd] =	wrdreg s25  }
0x18: {  	s14 =	simm.s32 $0x2;
	s12 =	sadd.s32 s6, s26;
	[dreg:$0xe] =	wrdreg s10  }
0x19: {  	s17 =	sadd.s32 $0x9C00, s22;
	s18 =	sadd.s32 s0, s6;
	[dreg:$0xf] =	wrdreg s12  }
0x1a: {  	s0 =	sadd.s32 s0, s5;
	s26 =	sadd.s32 $0x138, s2;
	[dreg:$0x14] =	wrdreg s17  }
0x1b: {  	s8 =	simm.s32 $0x68;
	s16 =	simm.s32 $0x5;
	[dreg:$0x3] =	wrdreg s18  }
0x1c: {  	s19 =	sadd.s32 $0x1A0, s2;
	s21 =	sadd.s32 $0xD000, s22;
	[dreg:$0x4] =	wrdreg s0  }
0x1d: {  	s24 =	sadd.s32 $0x10400, s22;
	[dreg:$0x17] =	wrdreg s26;
	s26 =	simm.s32 $0xB  }
0x1e: {  	s0 =	simm.s32 $0x300;
	s2 =	simm.s32 $0x1;
	s10 =	simm.s32 $0x3900  }
0x1f: {  	s12 =	simm.s32 $0x6D00;
	s20 =	sshrl.u32 s19, $0x3;
	[dreg:$0x15] =	wrdreg s21  }
0x20: {  	s17 =	simm.s32 $0x9;
	[dreg:$0x16] =	wrdreg s24;
	s23 =	sadd.s32 s20, s6  }
0x21: {  	s18 =	simm.s32 $0x8;
	s25 =	sadd.s32 s20, s5;
	[dreg:$0x5] =	wrdreg s23  }
0x22: {  	v0 =	vimm.f32 $0.0e+00;
	s19 =	simm.s32 $0x0;
	[dreg:$0x6] =	wrdreg s25;
	s25 =	simm.s32 $0x500  }
.LBB2_1:
0x23: {  	s20 =	simm.s32 $0x0;
	s21 =	simm.s32 $0x200  }
.LBB2_2:
0x24: {  	p0 =	sne.s32 s21, $0xCE00;
	[tilespmem:s20+$0x570] =	vst v0  }
0x25: {  	[tilespmem:s20+$0x500] =	vst v0  }
0x26: {  	[tilespmem:s20+$0x510] =	vst v0  }
.Ltmp0:
0x27: {  	[tilespmem:s20+$0x520] =	vst v0;
	(pc) =	sbr.rel @p0 .LBB2_2-.Ltmp0, $4  }
0x28: {  	[tilespmem:s20+$0x530] =	vst v0  }
0x29: {  	[tilespmem:s20+$0x540] =	vst v0  }
0x2a: {  	[tilespmem:s20+$0x550] =	vst v0  }
0x2b: {  	[tilespmem:s20+$0x560] =	vst v0;
	s20 =	sshra.s32 s21, $0x2;
	s21 =	sadd.s32 $0x200, s21  }
0x2c: {  	[tilespmem:s20+$0x570] =	vst v0  }
0x2d: {  	[tilespmem:s20+$0x500] =	vst v0  }
0x2e: {  	[tilespmem:s20+$0x510] =	vst v0  }
0x2f: {  	[tilespmem:s20+$0x520] =	vst v0  }
0x30: {  	[tilespmem:s20+$0x530] =	vst v0  }
0x31: {  	[tilespmem:s20+$0x540] =	vst v0  }
0x32: {  	[tilespmem:s20+$0x550] =	vst v0  }
0x33: {  	[tilespmem:s20+$0x560] =	vst v0  }
0x34: {  	[spmem:s22] =	stream.linear.scatter [tilespmem:s25], [sflag:$0xB], $0x3400, $0x38;
	[tilespmem:$0x1E900] =	vst v63  }
0x35: {  	_ =	swait.ge [sflag:s26], $0x3400  }
0x36: {  	[sflag:s26] =	ssyncset.done $0x0  }
0x37: {  	s7 =	rddreg [dreg:$0x12];
	[sflag:s26] =	ssyncadd.s32 $0xFFFFCC00  }
0x38: {  	[spmem:s7] =	stream.linear.scatter [tilespmem:s25], [sflag:$0xB], $0x3400, $0x38;
	[tilespmem:$0x1E900] =	vst v63  }
0x39: {  	_ =	swait.ge [sflag:s26], $0x3400  }
0x3a: {  	[sflag:s26] =	ssyncset.done $0x0  }
0x3b: {  	s24 =	smov.u32 s22;
	s22 =	rddreg [dreg:$0x13];
	[sflag:s26] =	ssyncadd.s32 $0xFFFFCC00  }
0x3c: {  	[spmem:s22] =	stream.linear.scatter [tilespmem:s25], [sflag:$0xB], $0x3400, $0x38;
	[tilespmem:$0x1E900] =	vst v63  }
0x3d: {  	_ =	swait.ge [sflag:s26], $0x3400  }
0x3e: {  	[sflag:s26] =	ssyncset.done $0x0  }
0x3f: {  	s23 =	rddreg [dreg:$0x14];
	[sflag:s26] =	ssyncadd.s32 $0xFFFFCC00  }
0x40: {  	[spmem:s23] =	stream.linear.scatter [tilespmem:s25], [sflag:$0xB], $0x3400, $0x38;
	[tilespmem:$0x1E900] =	vst v63  }
0x41: {  	_ =	swait.ge [sflag:s26], $0x3400  }
0x42: {  	[sflag:s26] =	ssyncset.done $0x0  }
0x43: {  	s20 =	rddreg [dreg:$0x15];
	[sflag:s26] =	ssyncadd.s32 $0xFFFFCC00  }
0x44: {  	[spmem:s20] =	stream.linear.scatter [tilespmem:s25], [sflag:$0xB], $0x3400, $0x38;
	[tilespmem:$0x1E900] =	vst v63  }
0x45: {  	_ =	swait.ge [sflag:s26], $0x3400  }
0x46: {  	[sflag:s26] =	ssyncset.done $0x0  }
0x47: {  	s21 =	rddreg [dreg:$0x16];
	[sflag:s26] =	ssyncadd.s32 $0xFFFFCC00  }
0x48: {  	[spmem:s21] =	stream.linear.scatter [tilespmem:s25], [sflag:$0xB], $0x3400, $0x38;
	[tilespmem:$0x1E900] =	vst v63  }
0x49: {  	_ =	swait.ge [sflag:s26], $0x3400  }
0x4a: {  	[sflag:s26] =	ssyncset.done $0x0  }
0x4b: {  	s22 =	rddreg [dreg:$0x7];
	[sflag:s26] =	ssyncadd.s32 $0xFFFFCC00  }
0x4c: {  	[spmem:s22] =	stream.linear.scatter [tilespmem:s25], [sflag:$0xB], $0x800, $0x38;
	[tilespmem:$0x1E900] =	vst v63  }
0x4d: {  	_ =	swait.ge [sflag:s26], $0x800  }
0x4e: {  	[sflag:s26] =	ssyncset.done $0x0  }
0x4f: {  	[sflag:s26] =	ssyncadd.s32 $0xFFFFF800  }
0x50: {  	[bflag:$0x0] =	sbarrier.arrive $0xFFFF  }
0x51: {  	s20 =	simm.s32 $0x0;
	s23 =	rddreg [dreg:$0x8]  }
0x52: {  	[tilespmem:s20], [sflag:$0x1] =	stream.linear.gather [hbm4b:s23+s20], $0x68, $0x38;
	[tilespmem:$0x1E900] =	vst v63  }
0x53: {  	s21 =	rddreg [dreg:$0x9]  }
0x54: {  	[tilespmem:s28], [sflag:$0x2] =	stream.linear.gather [hbm4b:s21+s20], $0x68, $0x38;
	[tilespmem:$0x1E900] =	vst v63  }
0x55: {  	s22 =	rddreg [dreg:$0xa]  }
0x56: {  	[tilespmem:s29], [sflag:$0x4] =	stream.linear.gather [hbm4b:s22+s20], $0x68, $0x38;
	[tilespmem:$0x1E900] =	vst v63  }
0x57: {  	s23 =	rddreg [dreg:$0xb]  }
0x58: {  	[tilespmem:s30], [sflag:$0x5] =	stream.linear.gather [hbm4b:s23+s20], $0x68, $0x38;
	[tilespmem:$0x1E900] =	vst v63  }
0x59: {  	s21 =	rddreg [dreg:$0xc]  }
0x5a: {  	[tilespmem:s31], [sflag:$0x7] =	stream.linear.gather [hbm4b:s21+s20], $0x68, $0x38;
	[tilespmem:$0x1E900] =	vst v63  }
0x5b: {  	s22 =	rddreg [dreg:$0xd]  }
0x5c: {  	[tilespmem:s0], [sflag:$0x8] =	stream.linear.gather [hbm4b:s22+s20], $0x68, $0x38;
	[tilespmem:$0x1E900] =	vst v63  }
0x5d: {  	_ =	swait.ge [sflag:s2], $0x68  }
0x5e: {  	[sflag:s2] =	ssyncset.done $0x0  }
0x5f: {  	[sflag:s2] =	ssyncadd.s32 $0xFFFFFF98  }
0x60: {  	[tilespmem:s25], [sflag:$0x3] =	stream.indirect.gather [hbm4b:s4+s8], $0x80, s20, s8, $0xb8;
	[tilespmem:$0x1E900] =	vst v63  }
0x61: {  	_ =	swait.ge [sflag:s9], $0x68  }
0x62: {  	[sflag:s9] =	ssyncset.done $0x0  }
0x63: {  	[sflag:s9] =	ssyncadd.s32 $0xFFFFFF98  }
0x64: {  	[tilespmem:s10], [sflag:$0x6] =	stream.indirect.gather [hbm4b:s4+s8], $0x80, s29, s8, $0xb8;
	[tilespmem:$0x1E900] =	vst v63  }
0x65: {  	_ =	swait.ge [sflag:s11], $0x68  }
0x66: {  	[sflag:s11] =	ssyncset.done $0x0  }
0x67: {  	[sflag:s11] =	ssyncadd.s32 $0xFFFFFF98  }
0x68: {  	[tilespmem:s12], [sflag:$0x9] =	stream.indirect.gather [hbm4b:s4+s8], $0x80, s31, s8, $0xb8;
	[tilespmem:$0x1E900] =	vst v63  }
0x69: {  	_ =	swait.ge [sflag:s13], $0x3400  }
0x6a: {  	[sflag:s13] =	ssyncset.done $0x0  }
0x6b: {  	[sflag:s13] =	ssyncadd.s32 $0xFFFFCC00  }
0x6c: {  	_ =	swait.ge [sflag:s14], $0x68  }
0x6d: {  	[sflag:s14] =	ssyncset.done $0x0  }
0x6e: {  	[sflag:s14] =	ssyncadd.s32 $0xFFFFFF98  }
0x6f: {  	[spmem:s1] =	stream.indirect.scatter.add.f32 [tilespmem:s25], [sflag:$0xB], $0x80, s28, s8, $0xb8;
	[tilespmem:$0x1E900] =	vst v63  }
0x70: {  	_ =	swait.ge [sflag:s26], $0x3400  }
0x71: {  	s7 =	rddreg [dreg:$0x17]  }
0x72: {  	[sflag:s26] =	ssyncset.done $0x0;
	s23 =	sshrl.u32 s7, $0x3  }
0x73: {  	[sflag:s26] =	ssyncadd.s32 $0xFFFFCC00;
	s21 =	sadd.s32 s5, s23  }
0x74: {  	[tilespmem:s3], [sflag:$0x1] =	stream.linear.gather [hbm4b:s21+s3], $0x68, $0x38;
	[tilespmem:$0x1E900] =	vst v63  }
0x75: {  	s20 =	sadd.s32 s6, s23  }
0x76: {  	[tilespmem:s28], [sflag:$0x2] =	stream.linear.gather [hbm4b:s20+s3], $0x68, $0x38;
	[tilespmem:$0x1E900] =	vst v63  }
0x77: {  	_ =	swait.ge [sflag:s2], $0x68  }
0x78: {  	[sflag:s2] =	ssyncset.done $0x0  }
0x79: {  	[sflag:s2] =	ssyncadd.s32 $0xFFFFFF98  }
0x7a: {  	[tilespmem:s25], [sflag:$0x3] =	stream.indirect.gather [hbm4b:s4+s8], $0x80, s3, s8, $0xb8;
	[tilespmem:$0x1E900] =	vst v63  }
0x7b: {  	_ =	swait.ge [sflag:s15], $0x3400  }
0x7c: {  	[sflag:s15] =	ssyncset.done $0x0  }
0x7d: {  	[sflag:s15] =	ssyncadd.s32 $0xFFFFCC00  }
0x7e: {  	_ =	swait.ge [sflag:s16], $0x68  }
0x7f: {  	[sflag:s16] =	ssyncset.done $0x0  }
0x80: {  	[sflag:s16] =	ssyncadd.s32 $0xFFFFFF98  }
0x81: {  	[spmem:s1] =	stream.indirect.scatter.add.f32 [tilespmem:s10], [sflag:$0xB], $0x80, s30, s8, $0xb8;
	[tilespmem:$0x1E900] =	vst v63  }
0x82: {  	_ =	swait.ge [sflag:s26], $0x3400  }
0x83: {  	s21 =	rddreg [dreg:$0x6];
	[sflag:s26] =	ssyncset.done $0x0  }
0x84: {  	s22 =	rddreg [dreg:$0x5];
	[sflag:s26] =	ssyncadd.s32 $0xFFFFCC00;
	s20 =	sadd.s32 $0x0, s21  }
0x85: {  	[tilespmem:s29], [sflag:$0x4] =	stream.linear.gather [hbm4b:s20+s3], $0x68, $0x38;
	[tilespmem:$0x1E900] =	vst v63  }
0x86: {  	s23 =	sadd.s32 $0x0, s22  }
0x87: {  	[tilespmem:s30], [sflag:$0x5] =	stream.linear.gather [hbm4b:s23+s3], $0x68, $0x38;
	[tilespmem:$0x1E900] =	vst v63  }
0x88: {  	_ =	swait.ge [sflag:s9], $0x68  }
0x89: {  	[sflag:s9] =	ssyncset.done $0x0  }
0x8a: {  	[sflag:s9] =	ssyncadd.s32 $0xFFFFFF98  }
0x8b: {  	[tilespmem:s10], [sflag:$0x6] =	stream.indirect.gather [hbm4b:s4+s8], $0x80, s29, s8, $0xb8;
	[tilespmem:$0x1E900] =	vst v63  }
0x8c: {  	_ =	swait.ge [sflag:s17], $0x3400  }
0x8d: {  	[sflag:s17] =	ssyncset.done $0x0  }
0x8e: {  	[sflag:s17] =	ssyncadd.s32 $0xFFFFCC00  }
0x8f: {  	_ =	swait.ge [sflag:s18], $0x68  }
0x90: {  	[sflag:s18] =	ssyncset.done $0x0  }
0x91: {  	[sflag:s18] =	ssyncadd.s32 $0xFFFFFF98  }
0x92: {  	[spmem:s1] =	stream.indirect.scatter.add.f32 [tilespmem:s12], [sflag:$0xB], $0x80, s0, s8, $0xb8;
	[tilespmem:$0x1E900] =	vst v63  }
0x93: {  	_ =	swait.ge [sflag:s26], $0x3400  }
0x94: {  	s21 =	rddreg [dreg:$0x4];
	[sflag:s26] =	ssyncset.done $0x0  }
0x95: {  	s22 =	rddreg [dreg:$0x3];
	[sflag:s26] =	ssyncadd.s32 $0xFFFFCC00;
	s20 =	sadd.s32 $0x0, s21  }
0x96: {  	[tilespmem:s31], [sflag:$0x7] =	stream.linear.gather [hbm4b:s20+s3], $0x68, $0x38;
	[tilespmem:$0x1E900] =	vst v63  }
0x97: {  	s23 =	sadd.s32 $0x0, s22  }
0x98: {  	[tilespmem:s0], [sflag:$0x8] =	stream.linear.gather [hbm4b:s23+s3], $0x68, $0x38;
	[tilespmem:$0x1E900] =	vst v63  }
0x99: {  	_ =	swait.ge [sflag:s11], $0x68  }
0x9a: {  	[sflag:s11] =	ssyncset.done $0x0  }
0x9b: {  	s21 =	sadd.s32 $0x138, s7;
	s20 =	simm.s32 $0x27;
	[sflag:s11] =	ssyncadd.s32 $0xFFFFFF98  }
.LBB2_4:
0x9c: {  	[tilespmem:s12], [sflag:$0x9] =	stream.indirect.gather [hbm4b:s4+s8], $0x80, s31, s8, $0xb8;
	[tilespmem:$0x1E900] =	vst v63  }
0x9d: {  	_ =	swait.ge [sflag:s13], $0x3400  }
0x9e: {  	[sflag:s13] =	ssyncset.done $0x0  }
0x9f: {  	[sflag:s13] =	ssyncadd.s32 $0xFFFFCC00  }
0xa0: {  	_ =	swait.ge [sflag:s14], $0x68  }
0xa1: {  	[sflag:s14] =	ssyncset.done $0x0  }
0xa2: {  	[sflag:s14] =	ssyncadd.s32 $0xFFFFFF98  }
0xa3: {  	[spmem:s1] =	stream.indirect.scatter.add.f32 [tilespmem:s25], [sflag:$0xB], $0x80, s28, s8, $0xb8;
	[tilespmem:$0x1E900] =	vst v63  }
0xa4: {  	_ =	swait.ge [sflag:s26], $0x3400  }
0xa5: {  	s23 =	sshrl.u32 s21, $0x3;
	[sflag:s26] =	ssyncset.done $0x0  }
0xa6: {  	s7 =	sadd.s32 s5, s23;
	[sflag:s26] =	ssyncadd.s32 $0xFFFFCC00  }
0xa7: {  	[tilespmem:s3], [sflag:$0x1] =	stream.linear.gather [hbm4b:s7+s3], $0x68, $0x38;
	[tilespmem:$0x1E900] =	vst v63  }
0xa8: {  	s23 =	sadd.s32 s6, s23  }
0xa9: {  	[tilespmem:s28], [sflag:$0x2] =	stream.linear.gather [hbm4b:s23+s3], $0x68, $0x38;
	[tilespmem:$0x1E900] =	vst v63  }
0xaa: {  	_ =	swait.ge [sflag:s2], $0x68  }
0xab: {  	[sflag:s2] =	ssyncset.done $0x0  }
0xac: {  	[sflag:s2] =	ssyncadd.s32 $0xFFFFFF98  }
0xad: {  	[tilespmem:s25], [sflag:$0x3] =	stream.indirect.gather [hbm4b:s4+s8], $0x80, s3, s8, $0xb8;
	[tilespmem:$0x1E900] =	vst v63  }
0xae: {  	_ =	swait.ge [sflag:s15], $0x3400  }
0xaf: {  	[sflag:s15] =	ssyncset.done $0x0  }
0xb0: {  	[sflag:s15] =	ssyncadd.s32 $0xFFFFCC00  }
0xb1: {  	_ =	swait.ge [sflag:s16], $0x68  }
0xb2: {  	[sflag:s16] =	ssyncset.done $0x0  }
0xb3: {  	[sflag:s16] =	ssyncadd.s32 $0xFFFFFF98  }
0xb4: {  	[spmem:s1] =	stream.indirect.scatter.add.f32 [tilespmem:s10], [sflag:$0xB], $0x80, s30, s8, $0xb8;
	[tilespmem:$0x1E900] =	vst v63  }
0xb5: {  	_ =	swait.ge [sflag:s26], $0x3400  }
0xb6: {  	s22 =	smov.u32 s20;
	s7 =	rddreg [dreg:$0x6];
	[sflag:s26] =	ssyncset.done $0x0  }
0xb7: {  	s23 =	rddreg [dreg:$0x5];
	[sflag:s26] =	ssyncadd.s32 $0xFFFFCC00;
	s7 =	sadd.s32 s22, s7  }
0xb8: {  	[tilespmem:s29], [sflag:$0x4] =	stream.linear.gather [hbm4b:s7+s3], $0x68, $0x38;
	[tilespmem:$0x1E900] =	vst v63  }
0xb9: {  	s23 =	sadd.s32 s22, s23  }
0xba: {  	[tilespmem:s30], [sflag:$0x5] =	stream.linear.gather [hbm4b:s23+s3], $0x68, $0x38;
	[tilespmem:$0x1E900] =	vst v63  }
0xbb: {  	_ =	swait.ge [sflag:s9], $0x68  }
0xbc: {  	[sflag:s9] =	ssyncset.done $0x0  }
0xbd: {  	[sflag:s9] =	ssyncadd.s32 $0xFFFFFF98  }
0xbe: {  	[tilespmem:s10], [sflag:$0x6] =	stream.indirect.gather [hbm4b:s4+s8], $0x80, s29, s8, $0xb8;
	[tilespmem:$0x1E900] =	vst v63  }
0xbf: {  	_ =	swait.ge [sflag:s17], $0x3400  }
0xc0: {  	[sflag:s17] =	ssyncset.done $0x0  }
0xc1: {  	[sflag:s17] =	ssyncadd.s32 $0xFFFFCC00  }
0xc2: {  	_ =	swait.ge [sflag:s18], $0x68  }
0xc3: {  	[sflag:s18] =	ssyncset.done $0x0  }
0xc4: {  	[sflag:s18] =	ssyncadd.s32 $0xFFFFFF98  }
0xc5: {  	[spmem:s1] =	stream.indirect.scatter.add.f32 [tilespmem:s12], [sflag:$0xB], $0x80, s0, s8, $0xb8;
	[tilespmem:$0x1E900] =	vst v63  }
0xc6: {  	_ =	swait.ge [sflag:s26], $0x3400  }
0xc7: {  	p0 =	sne.s32 s20, $0x492;
	s7 =	rddreg [dreg:$0x4];
	[sflag:s26] =	ssyncset.done $0x0  }
0xc8: {  	s23 =	rddreg [dreg:$0x3];
	[sflag:s26] =	ssyncadd.s32 $0xFFFFCC00;
	s7 =	sadd.s32 s22, s7  }
0xc9: {  	[tilespmem:s31], [sflag:$0x7] =	stream.linear.gather [hbm4b:s7+s3], $0x68, $0x38;
	[tilespmem:$0x1E900] =	vst v63  }
.Ltmp1:
0xca: {  	s23 =	sadd.s32 s22, s23;
	(pc) =	sbr.rel @p0 .LBB2_4-.Ltmp1, $4  }
0xcb: {  	[tilespmem:s0], [sflag:$0x8] =	stream.linear.gather [hbm4b:s23+s3], $0x68, $0x38;
	[tilespmem:$0x1E900] =	vst v63  }
0xcc: {  	_ =	swait.ge [sflag:s11], $0x68  }
0xcd: {  	[sflag:s11] =	ssyncset.done $0x0  }
0xce: {  	s20 =	sadd.s32 $0x27, s20;
	s21 =	sadd.s32 $0x138, s21;
	[sflag:s11] =	ssyncadd.s32 $0xFFFFFF98  }
0xcf: {  	[tilespmem:s12], [sflag:$0x9] =	stream.indirect.gather [hbm4b:s4+s8], $0x80, s31, s8, $0xb8;
	[tilespmem:$0x1E900] =	vst v63  }
0xd0: {  	_ =	swait.ge [sflag:s13], $0x3400  }
0xd1: {  	[sflag:s13] =	ssyncset.done $0x0  }
0xd2: {  	[sflag:s13] =	ssyncadd.s32 $0xFFFFCC00  }
0xd3: {  	_ =	swait.ge [sflag:s14], $0x68  }
0xd4: {  	[sflag:s14] =	ssyncset.done $0x0  }
0xd5: {  	[sflag:s14] =	ssyncadd.s32 $0xFFFFFF98  }
0xd6: {  	[spmem:s1] =	stream.indirect.scatter.add.f32 [tilespmem:s25], [sflag:$0xB], $0x80, s28, s8, $0xb8;
	[tilespmem:$0x1E900] =	vst v63  }
0xd7: {  	_ =	swait.ge [sflag:s26], $0x3400  }
0xd8: {  	[sflag:s26] =	ssyncset.done $0x0  }
0xd9: {  	[sflag:s26] =	ssyncadd.s32 $0xFFFFCC00  }
0xda: {  	_ =	swait.ge [sflag:s15], $0x3400  }
0xdb: {  	[sflag:s15] =	ssyncset.done $0x0  }
0xdc: {  	[sflag:s15] =	ssyncadd.s32 $0xFFFFCC00  }
0xdd: {  	_ =	swait.ge [sflag:s16], $0x68  }
0xde: {  	[sflag:s16] =	ssyncset.done $0x0  }
0xdf: {  	[sflag:s16] =	ssyncadd.s32 $0xFFFFFF98  }
0xe0: {  	[spmem:s1] =	stream.indirect.scatter.add.f32 [tilespmem:s10], [sflag:$0xB], $0x80, s30, s8, $0xb8;
	[tilespmem:$0x1E900] =	vst v63  }
0xe1: {  	_ =	swait.ge [sflag:s26], $0x3400  }
0xe2: {  	[sflag:s26] =	ssyncset.done $0x0  }
0xe3: {  	[sflag:s26] =	ssyncadd.s32 $0xFFFFCC00  }
0xe4: {  	_ =	swait.ge [sflag:s17], $0x3400  }
0xe5: {  	[sflag:s17] =	ssyncset.done $0x0  }
0xe6: {  	[sflag:s17] =	ssyncadd.s32 $0xFFFFCC00  }
0xe7: {  	_ =	swait.ge [sflag:s18], $0x68  }
0xe8: {  	[sflag:s18] =	ssyncset.done $0x0  }
0xe9: {  	[sflag:s18] =	ssyncadd.s32 $0xFFFFFF98  }
0xea: {  	[spmem:s1] =	stream.indirect.scatter.add.f32 [tilespmem:s12], [sflag:$0xB], $0x80, s0, s8, $0xb8;
	[tilespmem:$0x1E900] =	vst v63  }
0xeb: {  	_ =	swait.ge [sflag:s26], $0x3400  }
0xec: {  	[sflag:s26] =	ssyncset.done $0x0  }
0xed: {  	s20 =	simm.s32 $0x400;
	s7 =	rddreg [dreg:$0xe];
	[sflag:s26] =	ssyncadd.s32 $0xFFFFCC00  }
0xee: {  	[tilespmem:s20], [sflag:$0xB] =	stream.linear.gather [hbm4b:s7+s3], $0x10, $0x38;
	[tilespmem:$0x1E900] =	vst v63  }
0xef: {  	_ =	swait.ge [sflag:s26], $0x10  }
0xf0: {  	[sflag:s26] =	ssyncset.done $0x0  }
0xf1: {  	s21 =	simm.s32 $0x480;
	s22 =	rddreg [dreg:$0xf];
	[sflag:s26] =	ssyncadd.s32 $0xFFFFFFF0  }
0xf2: {  	[tilespmem:s21], [sflag:$0xB] =	stream.linear.gather [hbm4b:s22+s3], $0x10, $0x38;
	[tilespmem:$0x1E900] =	vst v63  }
0xf3: {  	_ =	swait.ge [sflag:s26], $0x10  }
0xf4: {  	s23 =	simm.s32 $0xA;
	[sflag:s26] =	ssyncset.done $0x0  }
0xf5: {  	s7 =	simm.s32 $0x10;
	s22 =	simm.s32 $0xA100;
	[sflag:s26] =	ssyncadd.s32 $0xFFFFFFF0  }
0xf6: {  	[tilespmem:s22], [sflag:$0xA] =	stream.indirect.gather [hbm4b:s4+s7], $0x80, s20, s7, $0xb8;
	[tilespmem:$0x1E900] =	vst v63  }
0xf7: {  	_ =	swait.ge [sflag:s23], $0x800  }
0xf8: {  	[sflag:s23] =	ssyncset.done $0x0  }
0xf9: {  	[sflag:s23] =	ssyncadd.s32 $0xFFFFF800  }
0xfa: {  	[spmem:s1] =	stream.indirect.scatter.add.f32 [tilespmem:s22], [sflag:$0xB], $0x80, s21, s7, $0xb8;
	[tilespmem:$0x1E900] =	vst v63  }
0xfb: {  	_ =	swait.ge [sflag:s26], $0x800  }
0xfc: {  	[sflag:s26] =	ssyncset.done $0x0  }
0xfd: {  	s20 =	stileid.u32;
	[sflag:s26] =	ssyncadd.s32 $0xFFFFF800  }
0xfe: {  	s7 =	sshll.u32 s20, $0x6;
	[bflag:$0x0] =	sbarrier.arrive $0xFFFF  }
0xff: {  	s21 =	sshrl.u32 s24, $0x3;
	s7 =	sor.u32 $0x1C0B, s7;
	s23 =	rddreg [dreg:$0x10]  }
0x100: {  	[hbm:s23], [sflag:s7] =	dma.local [spmem:s21], $0x2800  }
0x101: {  	_ =	swait.ge [sflag:s26], $0x2800  }
0x102: {  	s19 =	sadd.s32 $0x1, s19;
	s22 =	smov.u32 s24;
	s24 =	rddreg [dreg:$0x11]  }
0x103: {  	p0 =	sne.s32 s19, s24  }
.Ltmp2:
0x104: {  	_ = 	snop;
	(pc) =	sbr.rel @p0 .LBB2_1-.Ltmp2, $3  }
0x105: {  	_ =	sdelay $0x1  }
0x106: {  	[sflag:s26] =	ssyncset.done $0x0  }
0x107: {  	[sflag:s26] =	ssyncadd.s32 $0xFFFFD800  }
0x108: {  	_ =	sfence.sel $0x180000  }
0x109: {  	[bflag:$0x0] =	sbarrier.arrive $0xFFFF  }
0x10a: {  	_ =	strace $0x9000004A  }
0x10b: {  	s0 =	stileid.u32;
	[bflag:$0x2] =	sbarrier.arrive $0xFFFF  }
0x10c: {  	p0 =	sne.s32 s0, $0x0;
	s0 =	rddreg [dreg:$0x2]  }
0x10d: {  	s0 =	sadd.s32 @!p0 $0x100000, s0  }
0x10e: {  	[sflag:s0] =	ssyncadd.tile.s32 @!p0 $0x1;
	_ =	shalt  }
.Lfunc_end2:
_tile_overlayer_lowered:
.L_overlay_start_2:
0x10f: {  	(tag) =	ssettag $0x2  }
0x110: {  	s0 =	rddreg [dreg:$0x0];
	s2 =	stileid.u32  }
0x111: {  	s1 =	rddreg [dreg:$0x1];
	p0 =	sne.s32 s2, $0x0  }
0x112: {  	s3 =	rddreg [dreg:$0x2];
	[bflag:$0x3] =	sbarrier.arrive $0xFFFF;
	s2 =	simm.s32 @!p0 $0x1C0B  }
0x113: {  	[timem:s3], [sflag:s2] =	dma.local @!p0 [hbm:s0], s1  }
0x114: {  	s0 =	simm.s32 @!p0 $0xB  }
0x115: {  	_ =	swait.ge @!p0 [sflag:s0], s1  }
0x116: {  	s1 =	ssub.s32 @!p0 $0x0, s1;
	[sflag:s0] =	ssyncset.done @!p0 $0x0  }
0x117: {  	[sflag:s0] =	ssyncadd.s32 @!p0 s1  }
0x118: {  	[bflag:$0x3] =	sbarrier.arrive $0xFFFF  }
0x119: {  	_ =	shalt  }

// kernel: kernel.7.cloned.1.call-start
scs
__scs_entry_jumppad:
0x0: {  	(pc) =	sbr.rel $0x88, $3  }
0x1: {  	(tag) =	ssettag $0x0;
	lr =	simm.s32 $0x1  }
0x2: {  	[smem:$0x3F9D] =	sst lr;
	_ =	strace $0xD0000000  }
0x3: {  	_ = 	snop  }
0x4: {  	_ = 	snop  }
0x5: {  	_ = 	snop  }
0x6: {  	_ = 	snop  }
0x7: {  	_ = 	snop  }
__scs_overlays_trampoline_lowered:
0x8: {  	[smem:$0x3FAC] =	sst s0  }
0x9: {  	[smem:$0x3FAD] =	sst s1  }
0xa: {  	[smem:$0x3FAE] =	sst s2  }
0xb: {  	[smem:$0x3FAF] =	sst s3  }
0xc: {  	[smem:$0x3FB0] =	sst s4  }
0xd: {  	[smem:$0x3FB1] =	sst s5  }
0xe: {  	[smem:$0x3FB2] =	sst s6  }
0xf: {  	[smem:$0x3FB3] =	sst s7  }
0x10: {  	[smem:$0x3FB4] =	sst s8  }
0x11: {  	[smem:$0x3FB5] =	sst s9;
	s0 =	simm.s32 @!p0 $0x0  }
0x12: {  	s1 =	sld [smem:$0x3F9B];
	s0 =	simm.s32 @p0 $0x1  }
0x13: {  	[smem:$0x3FB6] =	sst s0;
	s0 =	simm.s32 @!p1 $0x0  }
0x14: {  	s2 =	sld [smem:$0x3F9A];
	s0 =	simm.s32 @p1 $0x1  }
0x15: {  	[smem:$0x3FB7] =	sst s0;
	s0 =	simm.s32 @!p2 $0x0  }
0x16: {  	s3 =	sld [smem:$0x3FDB];
	s0 =	simm.s32 @p2 $0x1  }
0x17: {  	s4 =	simm.s32 $0x1BF5;
	[smem:$0x3FB9] =	sst s0  }
0x18: {  	s0 =	sld [smem:$0x3F9C];
	_ =	swait.ge [sflag:s4], $0x0  }
0x19: {  	s7 =	sld [smem:$0x3F9D]  }
0x1a: {  	s8 =	sadd.s32 $0xFFFFE003, lr  }
0x1b: {  	s9 =	sadd.s32 $0xFFFFFEF7, lr;
	s5 =	simm.s32 $0xFFFFFFFF;
	p2 =	slt.u32 s8, $0xFFFFF086  }
0x1c: {  	p1 =	slt.u32 s9, $0xF7A;
	s5 =	simm.s32 @!p2 $0x0  }
0x1d: {  	s5 =	simm.s32 @p1 $0x1;
	p0 =	seq.s32 s7, s2  }
0x1e: {  	s7 =	smul.u32 @!p0 $0xF7A, s2;
	p2 =	seq.s32 @!p0 s5, $0x0  }
0x1f: {  	s9 =	smul.u32 $0xF7A, s1;
	s8 =	simm.s32 @!p0 $0x1BF5;
	p2 =	por !p2, p0  }
0x20: {  	[sflag:s8] =	ssyncset.s32 @!p0 $0xFFFFF086;
	s6 =	sadd.s32 @!p0 s3, s7;
	s7 =	simm.s32 @!p0 $0x108  }
0x21: {  	s3 =	sadd.s32 s3, s9;
	s6 =	sadd.s32 @!p0 $0x88, s6;
	s7 =	simm.s32 @p2 $0x1082  }
0x22: {  	[simem:s7], [sflag:s8] =	dma.local @!p0 [hbm:s6], $0xF7A  }
0x23: {  	s9 =	sor.u32 $0xD0000000, s2;
	s6 =	simm.s32 $0x108;
	_ =	swait.ge @!p0 [sflag:s8], $0x0  }
0x24: {  	s3 =	sadd.s32 $0x88, s3;
	s6 =	simm.s32 @!p1 $0x1082;
	[sflag:s4] =	ssyncset.s32 $0xFFFFF086  }
0x25: {  	[simem:s6], [sflag:s4] =	dma.local [hbm:s3], $0xF7A  }
0x26: {  	[smem:$0x3F9D] =	sst s1;
	(tag) =	ssettag s2;
	_ =	strace s9  }
0x27: {  	s1 =	sld [smem:$0x3FAD]  }
0x28: {  	s2 =	sld [smem:$0x3FAE]  }
0x29: {  	s4 =	sld [smem:$0x3FB0]  }
0x2a: {  	p0 =	seq.s32 s5, $0x0;
	s5 =	sld [smem:$0x3FB1]  }
0x2b: {  	s6 =	sld [smem:$0x3FB2]  }
0x2c: {  	s7 =	sld [smem:$0x3FB3]  }
0x2d: {  	s3 =	simm.s32 $0x108;
	s8 =	sld [smem:$0x3FB4]  }
0x2e: {  	s3 =	simm.s32 @!p0 $0x1082;
	s9 =	sld [smem:$0x3FB5]  }
0x2f: {  	lr =	sadd.s32 s0, s3;
	s0 =	sld [smem:$0x3FAC]  }
0x30: {  	s3 =	sld [smem:$0x3FAF]  }
0x31: {  	[smem:$0x3FB8] =	sst s10  }
0x32: {  	s10 =	sld [smem:$0x3FB6];
	_ =	sdelay $0x3  }
0x33: {  	p0 =	seq.s32 s10, $0x1;
	s10 =	sld [smem:$0x3FB8];
	_ =	sdelay $0x3  }
0x34: {  	[smem:$0x3FB8] =	sst s10  }
0x35: {  	s10 =	sld [smem:$0x3FB7];
	_ =	sdelay $0x3  }
0x36: {  	p1 =	seq.s32 s10, $0x1;
	s10 =	sld [smem:$0x3FB8];
	_ =	sdelay $0x3  }
0x37: {  	[smem:$0x3FB8] =	sst s10  }
0x38: {  	s10 =	sld [smem:$0x3FB9]  }
0x39: {  	_ = 	snop;
	(pc) =	sbr.ind lr, $3  }
0x3a: {  	_ = 	snop  }
0x3b: {  	_ = 	snop  }
0x3c: {  	p2 =	seq.s32 s10, $0x1;
	s10 =	sld [smem:$0x3FB8]  }
0x3d: {  	_ =	shalt  }
0x3e: {  	_ =	shalt  }
0x3f: {  	_ =	shalt  }
0x40: {  	_ =	shalt  }
0x41: {  	_ =	shalt  }
0x42: {  	_ =	shalt  }
0x43: {  	_ =	shalt  }
0x44: {  	_ =	shalt  }
0x45: {  	_ =	shalt  }
0x46: {  	_ =	shalt  }
0x47: {  	_ =	shalt  }
0x48: {  	_ =	shalt  }
0x49: {  	_ =	shalt  }
0x4a: {  	_ =	shalt  }
0x4b: {  	_ =	shalt  }
0x4c: {  	_ =	shalt  }
0x4d: {  	_ =	shalt  }
0x4e: {  	_ =	shalt  }
0x4f: {  	_ =	shalt  }
0x50: {  	_ =	shalt  }
0x51: {  	_ =	shalt  }
0x52: {  	_ =	shalt  }
0x53: {  	_ =	shalt  }
0x54: {  	_ =	shalt  }
0x55: {  	_ =	shalt  }
0x56: {  	_ =	shalt  }
0x57: {  	_ =	shalt  }
0x58: {  	_ =	shalt  }
0x59: {  	_ =	shalt  }
0x5a: {  	_ =	shalt  }
0x5b: {  	_ =	shalt  }
0x5c: {  	_ =	shalt  }
0x5d: {  	_ =	shalt  }
0x5e: {  	_ =	shalt  }
0x5f: {  	_ =	shalt  }
0x60: {  	_ =	shalt  }
0x61: {  	_ =	shalt  }
0x62: {  	_ =	shalt  }
0x63: {  	_ =	shalt  }
0x64: {  	_ =	shalt  }
0x65: {  	_ =	shalt  }
0x66: {  	_ =	shalt  }
0x67: {  	_ =	shalt  }
0x68: {  	_ =	shalt  }
0x69: {  	_ =	shalt  }
0x6a: {  	_ =	shalt  }
0x6b: {  	_ =	shalt  }
0x6c: {  	_ =	shalt  }
0x6d: {  	_ =	shalt  }
0x6e: {  	_ =	shalt  }
0x6f: {  	_ =	shalt  }
0x70: {  	_ =	shalt  }
0x71: {  	_ =	shalt  }
0x72: {  	_ =	shalt  }
0x73: {  	_ =	shalt  }
0x74: {  	_ =	shalt  }
0x75: {  	_ =	shalt  }
0x76: {  	_ =	shalt  }
0x77: {  	_ =	shalt  }
0x78: {  	_ =	shalt  }
0x79: {  	_ =	shalt  }
0x7a: {  	_ =	shalt  }
0x7b: {  	_ =	shalt  }
0x7c: {  	_ =	shalt  }
0x7d: {  	_ =	shalt  }
0x7e: {  	_ =	shalt  }
0x7f: {  	_ =	shalt  }
0x80: {  	_ =	shalt  }
0x81: {  	_ =	shalt  }
0x82: {  	_ =	shalt  }
0x83: {  	_ =	shalt  }
0x84: {  	_ =	shalt  }
0x85: {  	_ =	shalt  }
0x86: {  	_ =	shalt  }
0x87: {  	_ =	shalt  }
.Lfunc_end0:
.L_simem_size_0:
called_computation_lowered:
.L_overlay_start_0:
0x88: {  	s2 =	sld [smem:$0x3FD9]  }
0x89: {  	s3 =	sld [smem:$0x3FFE];
	_ =	sdelay $0x1  }
0x8a: {  	s1 =	srdreg.scid  }
0x8b: {  	s0 =	sand.u32 $0x1, s1  }
0x8c: {  	s17 =	sshll.u32 s0, $0xA;
	s2 =	sadd.s32 s3, s2  }
0x8d: {  	s2 =	sadd.s32 s2, s17  }
0x8e: {  	[smem:$0x3FC4] =	sst s2  }
0x8f: {  	_ = 	snop  }
0x90: {  	s2 =	sld [smem:$0x3FD0];
	(tm) =	ssettm $0x1  }
0x91: {  	s18 =	sld [smem:$0x3FFB];
	_ =	sdelay $0x3  }
0x92: {  	_ =	strace s18  }
0x93: {  	s3 =	sld [smem:$0x3FFC];
	_ =	sdelay $0x3  }
0x94: {  	_ =	strace s3  }
0x95: {  	s3 =	sld [smem:$0x3FFD];
	_ =	sdelay $0x3  }
0x96: {  	_ =	strace s3  }
0x97: {  	_ =	strace $0x8FFFFFFF  }
0x98: {  	s19 =	sld [smem:$0x3FDB];
	_ =	sdelay $0x1  }
0x99: {  	s4 =	simm.s32 $_scs_section_size  }
0x9a: {  	s5 =	simm.s32 $_size__tile_overlayer_lowered;
	s6 =	simm.s32 $_tile_overlayer_lowered  }
0x9b: {  	s22 =	simm.s32 $0x1BFF;
	s21 =	sshll.u32 s6, $0x1;
	s3 =	sadd.s32 s4, s19  }
0x9c: {  	s7 =	simm.s32 $0x0;
	s20 =	sshll.u32 s5, $0x1;
	s5 =	sadd.s32 s21, s3  }
0x9d: {  	[timem:s7], [sflag:s22] =	dma.local [hbm:s5], s20  }
0x9e: {  	_ =	swait.ge [sflag:s22], s20  }
0x9f: {  	s4 =	ssub.s32 $0x0, s20;
	[sflag:s22] =	ssyncset.done $0x0  }
0xa0: {  	[sflag:s22] =	ssyncadd.s32 s4;
	_ =	sdelay $0x1  }
0xa1: {  	s23 =	simm.s32 $0x1B8B  }
0xa2: {  	_ =	swait.ge [sflag:s23], $0x1  }
0xa3: {  	[sflag:s23] =	ssyncset.done $0x0  }
0xa4: {  	s25 =	simm.s32 $0x1B8E;
	s24 =	sld [smem:$0x3FFE];
	[sflag:s23] =	ssyncadd.s32 $0xFFFFFFFF  }
0xa5: {  	s26 =	simm.s32 $execute0_lowered;
	[smem:$0x3FD2] =	sst s25  }
0xa6: {  	s5 =	sshll.u32 s26, $0x1;
	_ =	strace $0x80000046;
	[dreg:$0x1] =	wrdreg $0xFFFFFFFF  }
0xa7: {  	s28 =	simm.s32 $_size_execute0_lowered;
	s3 =	sadd.s32 s3, s5;
	[dreg:$0x0] =	wrdreg $0x0  }
0xa8: {  	s5 =	sshll.u32 s28, $0x1;
	[dreg:$0x2] =	wrdreg s3  }
0xa9: {  	[dreg:$0x3] =	wrdreg s5  }
0xaa: {  	[dreg:$0x4] =	wrdreg $0xC0  }
0xab: {  	_ =	task [dreg:s7], $0x5FFFF  }
0xac: {  	[dreg:$0x1] =	wrdreg $0xFFFFFFFF  }
0xad: {  	[dreg:$0x0] =	wrdreg $0x60  }
0xae: {  	[dreg:$0x2] =	wrdreg s2  }
0xaf: {  	[dreg:$0x3] =	wrdreg s24  }
0xb0: {  	[dreg:$0x4] =	wrdreg $0xA9000  }
0xb1: {  	[dreg:$0x5] =	wrdreg $0x9  }
0xb2: {  	_ =	task.clear_ibuf [dreg:s7], $0x6FFFF;
	_ =	strace $0x90000046  }
0xb3: {  	s29 =	simm.s32 $0x9;
	_ =	strace $0x80000048  }
0xb4: {  	_ =	swait.ge [sflag:s29], $0x1  }
0xb5: {  	[sflag:s29] =	ssyncadd.s32 $0xFFFFFFFF  }
0xb6: {  	_ =	strace $0x90000048  }
0xb7: {  	_ =	sfence  }
0xb8: {  	s30 =	sld [smem:$0x0];
	_ =	sdelay $0x2  }
0xb9: {  	s31 =	sshll.u32 s1, $0xD;
	s1 =	sshrl.u32 s1, $0x2  }
0xba: {  	s3 =	sand.u32 $0x4000, s31;
	s1 =	sadd.s32 s1, s30  }
0xbb: {  	s0 =	sor.u32 s3, s0;
	s1 =	sshll.u32 s1, $0x11  }
0xbc: {  	s0 =	sor.u32 s1, s0  }
0xbd: {  	s0 =	sadd.s32 $0x8F2B, s0  }
0xbe: {  	[sflag:s0] =	ssyncadd.remote.s32 $0x1  }
0xbf: {  	_ =	sfence.sel $0xFFFF  }
0xc0: {  	[dreg:$0x0] =	wrdreg $0xFFFFFFFF;
	(pc) =	sbr.abs _section_cstart, $3  }
0xc1: {  	[dreg:$0x1] =	wrdreg $0xFFFFFFFF  }
0xc2: {  	_ =	task.clear_ibuf [dreg:s7], $0x2FFFF;
	_ =	strace $0x9FFFFFFF  }
0xc3: {  	(tm) =	ssettm $0x7FFFFFFF  }
tec
execute0_lowered:
.L_overlay_start_1:
0x0: {  	(tag) =	ssettag $0x1  }
0x1: {  	s1 =	rddreg [dreg:$0x0]  }
0x2: {  	s0 =	rddreg [dreg:$0x1]  }
0x3: {  	s2 =	rddreg [dreg:$0x2]  }
0x4: {  	s3 =	srdreg.scid;
	s4 =	simm.s32 $0x0;
	s12 =	stileid.u32  }
0x5: {  	s30 =	simm.s32 $0x500;
	s31 =	simm.s32 $0xB;
	s8 =	smul.u32 $0x14000, s12  }
0x6: {  	s3 =	sand.u32 $0x1, s3;
	[smem:$0x7FF] =	sst s4;
	s9 =	smul.u32 $0x50000, s12  }
0x7: {  	s5 =	sadd.s32 $0xB000, s0;
	s6 =	sadd.s32 $0x1200, s0;
	s20 =	smul.u32 $0x4E20, s12  }
0x8: {  	s16 =	sshll.u32 s12, $0x1;
	s7 =	smul.u32 $0x140000, s3;
	s10 =	ssub.s32 $0x2, s3  }
0x9: {  	_ =	strace $0x80000047;
	s11 =	sshrl.u32 s10, $0x1;
	s9 =	sshrl.u32 s9, $0x2  }
0xa: {  	s7 =	sadd.s32 s8, s7;
	s8 =	sor.u32 s3, s16;
	s17 =	ssub.s32 s10, s11  }
0xb: {  	s28 =	sadd.s32 s9, s2;
	s3 =	smul.u32 $0x2710, s3;
	s11 =	simm.s32 $0x3  }
0xc: {  	s7 =	sshrl.u32 s7, $0x3;
	s9 =	sadd.s32 $0x13800, s28;
	[dreg:$0x8] =	wrdreg s28  }
0xd: {  	s8 =	smul.u32 $0x2710, s8;
	s0 =	sadd.s32 s7, s0;
	[dreg:$0x9] =	wrdreg s9  }
0xe: {  	s3 =	sadd.s32 s3, s20;
	s7 =	smax.u32 s17, $0x1;
	s17 =	sadd.s32 $0x3400, s28  }
0xf: {  	s18 =	sshrl.u32 s8, $0x3;
	s8 =	sadd.s32 $0x68, s8;
	[dreg:$0x14] =	wrdreg s7  }
0x10: {  	s24 =	sadd.s32 $0x64E00, s0;
	s10 =	sadd.s32 $0x208, s3;
	[dreg:$0x15] =	wrdreg s17  }
0x11: {  	s0 =	sadd.s32 $0x14E00, s0;
	s15 =	sadd.s32 $0x1A0, s3;
	[dreg:$0xd] =	wrdreg s24  }
0x12: {  	s17 =	simm.s32 $0x3900;
	s19 =	sadd.s32 s6, s18;
	[dreg:$0x13] =	wrdreg s0  }
0x13: {  	s8 =	sshrl.u32 s8, $0x3;
	s25 =	sadd.s32 s5, s18;
	[dreg:$0xa] =	wrdreg s19  }
0x14: {  	s22 =	sadd.s32 $0x4E0, s18;
	s24 =	sadd.s32 $0xD0, s3;
	[dreg:$0xe] =	wrdreg s25  }
0x15: {  	s26 =	sadd.s32 $0x1A, s18;
	s21 =	sadd.s32 s6, s8;
	[dreg:$0x1a] =	wrdreg s24  }
0x16: {  	s13 =	sshrl.u32 s10, $0x3;
	s23 =	sadd.s32 s6, s22;
	[dreg:$0xb] =	wrdreg s21  }
0x17: {  	s16 =	sshrl.u32 s15, $0x3;
	s8 =	sadd.s32 s5, s8;
	[dreg:$0xc] =	wrdreg s23  }
0x18: {  	s10 =	simm.s32 $0x6D00;
	s9 =	sadd.s32 s5, s26;
	[dreg:$0xf] =	wrdreg s8  }
0x19: {  	s15 =	simm.s32 $0x0;
	s12 =	sadd.s32 s5, s22;
	[dreg:$0x10] =	wrdreg s9  }
0x1a: {  	s14 =	sadd.s32 s13, s6;
	s0 =	sadd.s32 s13, s5;
	[dreg:$0x12] =	wrdreg s12  }
0x1b: {  	s18 =	sadd.s32 s16, s6;
	s19 =	sadd.s32 $0x6800, s28;
	[dreg:$0x4] =	wrdreg s14  }
0x1c: {  	s20 =	sadd.s32 s16, s5;
	s22 =	sadd.s32 $0x138, s3;
	[dreg:$0x5] =	wrdreg s0  }
0x1d: {  	s3 =	simm.s32 $0x280;
	s13 =	simm.s32 $0x68;
	[dreg:$0x16] =	wrdreg s19  }
0x1e: {  	s24 =	simm.s32 $0x10;
	s16 =	simm.s32 $0x1;
	[dreg:$0x6] =	wrdreg s18  }
0x1f: {  	s8 =	sadd.s32 s6, s26;
	s21 =	sadd.s32 $0x9C00, s28;
	[dreg:$0x7] =	wrdreg s20  }
0x20: {  	s23 =	sadd.s32 $0xD000, s28;
	[dreg:$0x18] =	wrdreg s22;
	s25 =	sshrl.u32 s22, $0x3  }
0x21: {  	s26 =	sadd.s32 $0x10400, s28;
	s0 =	simm.s32 $0x200;
	[dreg:$0x11] =	wrdreg s8  }
0x22: {  	s12 =	simm.s32 $0x2;
	s14 =	simm.s32 $0x5;
	[dreg:$0x17] =	wrdreg s21  }
0x23: {  	s18 =	simm.s32 $0x80;
	s19 =	simm.s32 $0x100;
	[dreg:$0x19] =	wrdreg s23  }
0x24: {  	s9 =	simm.s32 $0x7;
	s20 =	simm.s32 $0x6;
	[dreg:$0x1c] =	wrdreg s26  }
0x25: {  	s22 =	simm.s32 $0x8;
	[dreg:$0x1b] =	wrdreg s25;
	s29 =	sadd.s32 s25, s6  }
0x26: {  	v0 =	vimm.f32 $0.0e+00;
	v1 =	vimm.f32 $1.000000000e+00;
	s23 =	simm.s32 $0x300;
	s8 =	simm.s32 $0x4;
	s21 =	simm.s32 $0x9  }
.LBB2_1:
0x27: {  	[dreg:$0x1d] =	wrdreg s15;
	s7 =	simm.s32 $0x0;
	s15 =	simm.s32 $0x200  }
.LBB2_2:
0x28: {  	p0 =	sne.s32 s15, $0xCE00;
	[tilespmem:s7+$0x570] =	vst v0  }
0x29: {  	[tilespmem:s7+$0x500] =	vst v0  }
0x2a: {  	[tilespmem:s7+$0x510] =	vst v0  }
.Ltmp0:
0x2b: {  	[tilespmem:s7+$0x520] =	vst v0;
	(pc) =	sbr.rel @p0 .LBB2_2-.Ltmp0, $4  }
0x2c: {  	[tilespmem:s7+$0x530] =	vst v0  }
0x2d: {  	[tilespmem:s7+$0x540] =	vst v0  }
0x2e: {  	[tilespmem:s7+$0x550] =	vst v0  }
0x2f: {  	[tilespmem:s7+$0x560] =	vst v0;
	s7 =	sshra.s32 s15, $0x2;
	s15 =	sadd.s32 $0x200, s15  }
0x30: {  	[tilespmem:s7+$0x570] =	vst v0  }
0x31: {  	[tilespmem:s7+$0x500] =	vst v0  }
0x32: {  	[tilespmem:s7+$0x510] =	vst v0  }
0x33: {  	[tilespmem:s7+$0x520] =	vst v0  }
0x34: {  	[tilespmem:s7+$0x530] =	vst v0  }
0x35: {  	[tilespmem:s7+$0x540] =	vst v0  }
0x36: {  	[tilespmem:s7+$0x550] =	vst v0  }
0x37: {  	[tilespmem:s7+$0x560] =	vst v0  }
0x38: {  	[spmem:s28] =	stream.linear.scatter [tilespmem:s30], [sflag:$0xB], $0x3400, $0x38;
	[tilespmem:$0x1E900] =	vst v63  }
0x39: {  	_ =	swait.ge [sflag:s31], $0x3400  }
0x3a: {  	[sflag:s31] =	ssyncset.done $0x0  }
0x3b: {  	s15 =	rddreg [dreg:$0x15];
	[sflag:s31] =	ssyncadd.s32 $0xFFFFCC00  }
0x3c: {  	[spmem:s15] =	stream.linear.scatter [tilespmem:s30], [sflag:$0xB], $0x3400, $0x38;
	[tilespmem:$0x1E900] =	vst v63  }
0x3d: {  	_ =	swait.ge [sflag:s31], $0x3400  }
0x3e: {  	[sflag:s31] =	ssyncset.done $0x0  }
0x3f: {  	s25 =	rddreg [dreg:$0x16];
	[sflag:s31] =	ssyncadd.s32 $0xFFFFCC00  }
0x40: {  	[spmem:s25] =	stream.linear.scatter [tilespmem:s30], [sflag:$0xB], $0x3400, $0x38;
	[tilespmem:$0x1E900] =	vst v63  }
0x41: {  	_ =	swait.ge [sflag:s31], $0x3400  }
0x42: {  	[sflag:s31] =	ssyncset.done $0x0  }
0x43: {  	s26 =	rddreg [dreg:$0x17];
	[sflag:s31] =	ssyncadd.s32 $0xFFFFCC00  }
0x44: {  	[spmem:s26] =	stream.linear.scatter [tilespmem:s30], [sflag:$0xB], $0x3400, $0x38;
	[tilespmem:$0x1E900] =	vst v63  }
0x45: {  	_ =	swait.ge [sflag:s31], $0x3400  }
0x46: {  	[sflag:s31] =	ssyncset.done $0x0  }
0x47: {  	s15 =	rddreg [dreg:$0x19];
	[sflag:s31] =	ssyncadd.s32 $0xFFFFCC00  }
0x48: {  	[spmem:s15] =	stream.linear.scatter [tilespmem:s30], [sflag:$0xB], $0x3400, $0x38;
	[tilespmem:$0x1E900] =	vst v63  }
0x49: {  	_ =	swait.ge [sflag:s31], $0x3400  }
0x4a: {  	[sflag:s31] =	ssyncset.done $0x0  }
0x4b: {  	s25 =	rddreg [dreg:$0x1c];
	[sflag:s31] =	ssyncadd.s32 $0xFFFFCC00  }
0x4c: {  	[spmem:s25] =	stream.linear.scatter [tilespmem:s30], [sflag:$0xB], $0x3400, $0x38;
	[tilespmem:$0x1E900] =	vst v63  }
0x4d: {  	_ =	swait.ge [sflag:s31], $0x3400  }
0x4e: {  	[sflag:s31] =	ssyncset.done $0x0  }
0x4f: {  	s26 =	rddreg [dreg:$0x9];
	[sflag:s31] =	ssyncadd.s32 $0xFFFFCC00  }
0x50: {  	[spmem:s26] =	stream.linear.scatter [tilespmem:s30], [sflag:$0xB], $0x800, $0x38;
	[tilespmem:$0x1E900] =	vst v63  }
0x51: {  	_ =	swait.ge [sflag:s31], $0x800  }
0x52: {  	[sflag:s31] =	ssyncset.done $0x0  }
0x53: {  	s7 =	simm.s32 $0x0;
	s15 =	simm.s32 $0x200;
	[sflag:s31] =	ssyncadd.s32 $0xFFFFF800  }
.LBB2_4:
0x54: {  	p0 =	sne.s32 s15, $0xCE00;
	[tilespmem:s7+$0x570] =	vst v1  }
0x55: {  	[tilespmem:s7+$0x500] =	vst v1  }
0x56: {  	[tilespmem:s7+$0x510] =	vst v1  }
.Ltmp1:
0x57: {  	[tilespmem:s7+$0x520] =	vst v1;
	(pc) =	sbr.rel @p0 .LBB2_4-.Ltmp1, $4  }
0x58: {  	[tilespmem:s7+$0x530] =	vst v1  }
0x59: {  	[tilespmem:s7+$0x540] =	vst v1  }
0x5a: {  	[tilespmem:s7+$0x550] =	vst v1  }
0x5b: {  	[tilespmem:s7+$0x560] =	vst v1;
	s7 =	sshra.s32 s15, $0x2;
	s15 =	sadd.s32 $0x200, s15  }
0x5c: {  	[tilespmem:s7+$0x570] =	vst v1  }
0x5d: {  	[tilespmem:s7+$0x500] =	vst v1  }
0x5e: {  	[tilespmem:s7+$0x510] =	vst v1  }
0x5f: {  	[tilespmem:s7+$0x520] =	vst v1  }
0x60: {  	[tilespmem:s7+$0x530] =	vst v1  }
0x61: {  	[tilespmem:s7+$0x540] =	vst v1  }
0x62: {  	[tilespmem:s7+$0x550] =	vst v1  }
0x63: {  	[tilespmem:s7+$0x560] =	vst v1  }
0x64: {  	[bflag:$0x0] =	sbarrier.arrive $0xFFFF  }
0x65: {  	s26 =	simm.s32 $0x0;
	s15 =	rddreg [dreg:$0xa]  }
0x66: {  	[tilespmem:s0], [sflag:$0x2] =	stream.linear.gather [hbm4b:s15+s26], $0x68, $0x38;
	[tilespmem:$0x1E900] =	vst v63  }
0x67: {  	s25 =	rddreg [dreg:$0xb]  }
0x68: {  	[tilespmem:s3], [sflag:$0x5] =	stream.linear.gather [hbm4b:s25+s26], $0x68, $0x38;
	[tilespmem:$0x1E900] =	vst v63  }
0x69: {  	_ =	swait.ge [sflag:s12], $0x68  }
0x6a: {  	[sflag:s12] =	ssyncset.done $0x0  }
0x6b: {  	[sflag:s12] =	ssyncadd.s32 $0xFFFFFF98  }
0x6c: {  	[spmem:s2] =	stream.indirect.scatter.add.f32 [tilespmem:s30], [sflag:$0xB], $0x80, s0, s13, $0xb8;
	[tilespmem:$0x1E900] =	vst v63  }
0x6d: {  	_ =	swait.ge [sflag:s31], $0x3400  }
0x6e: {  	s15 =	rddreg [dreg:$0x1a]  }
0x6f: {  	[sflag:s31] =	ssyncset.done $0x0;
	s26 =	sshrl.u32 s15, $0x3  }
0x70: {  	[sflag:s31] =	ssyncadd.s32 $0xFFFFCC00;
	s7 =	sadd.s32 s6, s26  }
0x71: {  	[tilespmem:s0], [sflag:$0x2] =	stream.linear.gather [hbm4b:s7+s4], $0x68, $0x38;
	[tilespmem:$0x1E900] =	vst v63  }
0x72: {  	_ =	swait.ge [sflag:s14], $0x68  }
0x73: {  	[sflag:s14] =	ssyncset.done $0x0  }
0x74: {  	[sflag:s14] =	ssyncadd.s32 $0xFFFFFF98  }
0x75: {  	[spmem:s2] =	stream.indirect.scatter.add.f32 [tilespmem:s30], [sflag:$0xB], $0x80, s3, s13, $0xb8;
	[tilespmem:$0x1E900] =	vst v63  }
0x76: {  	_ =	swait.ge [sflag:s31], $0x3400  }
0x77: {  	s25 =	sadd.s32 $0x0, s29;
	[sflag:s31] =	ssyncset.done $0x0  }
0x78: {  	s15 =	sadd.s32 $0xD0, s15;
	s7 =	simm.s32 $0x1A;
	[sflag:s31] =	ssyncadd.s32 $0xFFFFCC00  }
.LBB2_6:
0x79: {  	[tilespmem:s3], [sflag:$0x5] =	stream.linear.gather [hbm4b:s25+s4], $0x68, $0x38;
	[tilespmem:$0x1E900] =	vst v63  }
0x7a: {  	s25 =	smov.u32 s7  }
0x7b: {  	p0 =	sne.s32 s7, $0x4AC;
	s7 =	sadd.s32 $0x1A, s7;
	_ =	swait.ge [sflag:s12], $0x68  }
0x7c: {  	[sflag:s12] =	ssyncset.done $0x0  }
0x7d: {  	[sflag:s12] =	ssyncadd.s32 $0xFFFFFF98  }
0x7e: {  	[spmem:s2] =	stream.indirect.scatter.add.f32 [tilespmem:s30], [sflag:$0xB], $0x80, s0, s13, $0xb8;
	[tilespmem:$0x1E900] =	vst v63  }
0x7f: {  	_ =	swait.ge [sflag:s31], $0x3400  }
0x80: {  	s26 =	sshrl.u32 s15, $0x3;
	[sflag:s31] =	ssyncset.done $0x0  }
0x81: {  	s26 =	sadd.s32 s6, s26;
	[sflag:s31] =	ssyncadd.s32 $0xFFFFCC00  }
0x82: {  	[tilespmem:s0], [sflag:$0x2] =	stream.linear.gather [hbm4b:s26+s4], $0x68, $0x38;
	[tilespmem:$0x1E900] =	vst v63  }
0x83: {  	_ =	swait.ge [sflag:s14], $0x68  }
0x84: {  	[sflag:s14] =	ssyncset.done $0x0  }
.Ltmp2:
0x85: {  	[sflag:s14] =	ssyncadd.s32 $0xFFFFFF98;
	(pc) =	sbr.rel @p0 .LBB2_6-.Ltmp2, $4  }
0x86: {  	[spmem:s2] =	stream.indirect.scatter.add.f32 [tilespmem:s30], [sflag:$0xB], $0x80, s3, s13, $0xb8;
	[tilespmem:$0x1E900] =	vst v63  }
0x87: {  	_ =	swait.ge [sflag:s31], $0x3400  }
0x88: {  	[sflag:s31] =	ssyncset.done $0x0  }
0x89: {  	s15 =	sadd.s32 $0xD0, s15;
	s25 =	sadd.s32 s25, s29;
	[sflag:s31] =	ssyncadd.s32 $0xFFFFCC00  }
0x8a: {  	[tilespmem:s3], [sflag:$0x5] =	stream.linear.gather [hbm4b:s25+s4], $0x68, $0x38;
	[tilespmem:$0x1E900] =	vst v63  }
0x8b: {  	_ =	swait.ge [sflag:s12], $0x68  }
0x8c: {  	[sflag:s12] =	ssyncset.done $0x0  }
0x8d: {  	[sflag:s12] =	ssyncadd.s32 $0xFFFFFF98  }
0x8e: {  	[spmem:s2] =	stream.indirect.scatter.add.f32 [tilespmem:s30], [sflag:$0xB], $0x80, s0, s13, $0xb8;
	[tilespmem:$0x1E900] =	vst v63  }
0x8f: {  	_ =	swait.ge [sflag:s31], $0x3400  }
0x90: {  	[sflag:s31] =	ssyncset.done $0x0  }
0x91: {  	[sflag:s31] =	ssyncadd.s32 $0xFFFFCC00  }
0x92: {  	_ =	swait.ge [sflag:s14], $0x68  }
0x93: {  	[sflag:s14] =	ssyncset.done $0x0  }
0x94: {  	[sflag:s14] =	ssyncadd.s32 $0xFFFFFF98  }
0x95: {  	[spmem:s2] =	stream.indirect.scatter.add.f32 [tilespmem:s30], [sflag:$0xB], $0x80, s3, s13, $0xb8;
	[tilespmem:$0x1E900] =	vst v63  }
0x96: {  	_ =	swait.ge [sflag:s31], $0x3400  }
0x97: {  	s7 =	simm.s32 $0x0;
	[sflag:s31] =	ssyncset.done $0x0  }
0x98: {  	s26 =	simm.s32 $0x480;
	s15 =	rddreg [dreg:$0xc];
	[sflag:s31] =	ssyncadd.s32 $0xFFFFCC00  }
0x99: {  	[tilespmem:s26], [sflag:$0xB] =	stream.linear.gather [hbm4b:s15+s7], $0x10, $0x38;
	[tilespmem:$0x1E900] =	vst v63  }
0x9a: {  	_ =	swait.ge [sflag:s31], $0x10  }
0x9b: {  	[sflag:s31] =	ssyncset.done $0x0  }
0x9c: {  	[sflag:s31] =	ssyncadd.s32 $0xFFFFFFF0  }
0x9d: {  	[spmem:s2] =	stream.indirect.scatter.add.f32 [tilespmem:s30], [sflag:$0xB], $0x80, s26, s24, $0xb8;
	[tilespmem:$0x1E900] =	vst v63  }
0x9e: {  	_ =	swait.ge [sflag:s31], $0x800  }
0x9f: {  	[sflag:s31] =	ssyncset.done $0x0  }
0xa0: {  	s15 =	stileid.u32;
	[sflag:s31] =	ssyncadd.s32 $0xFFFFF800  }
0xa1: {  	s7 =	sshll.u32 s15, $0x6;
	[bflag:$0x0] =	sbarrier.arrive $0xFFFF  }
0xa2: {  	s24 =	sor.u32 $0x1C0B, s7;
	s26 =	rddreg [dreg:$0xd]  }
0xa3: {  	s25 =	sshrl.u32 s28, $0x3;
	[dreg:$0x1e] =	wrdreg s24  }
0xa4: {  	[dreg:$0x1f] =	wrdreg s25  }
0xa5: {  	[hbm:s26], [sflag:s24] =	dma.local [spmem:s25], $0x2800  }
0xa6: {  	_ =	swait.ge [sflag:s31], $0x2800  }
0xa7: {  	[sflag:s31] =	ssyncset.done $0x0  }
0xa8: {  	s15 =	simm.s32 $0x200;
	s7 =	simm.s32 $0x0;
	[sflag:s31] =	ssyncadd.s32 $0xFFFFD800  }
.LBB2_8:
0xa9: {  	p0 =	sne.s32 s15, $0xCE00;
	[tilespmem:s7+$0x3970] =	vst v0  }
0xaa: {  	[tilespmem:s7+$0x3900] =	vst v0  }
0xab: {  	[tilespmem:s7+$0x3910] =	vst v0  }
.Ltmp3:
0xac: {  	[tilespmem:s7+$0x3920] =	vst v0;
	(pc) =	sbr.rel @p0 .LBB2_8-.Ltmp3, $4  }
0xad: {  	[tilespmem:s7+$0x3930] =	vst v0  }
0xae: {  	[tilespmem:s7+$0x3940] =	vst v0  }
0xaf: {  	[tilespmem:s7+$0x3950] =	vst v0  }
0xb0: {  	[tilespmem:s7+$0x3960] =	vst v0;
	s7 =	sshra.s32 s15, $0x2;
	s15 =	sadd.s32 $0x200, s15  }
0xb1: {  	[tilespmem:s7+$0x3970] =	vst v0  }
0xb2: {  	[tilespmem:s7+$0x3900] =	vst v0  }
0xb3: {  	[tilespmem:s7+$0x3910] =	vst v0  }
0xb4: {  	[tilespmem:s7+$0x3920] =	vst v0  }
0xb5: {  	[tilespmem:s7+$0x3930] =	vst v0  }
0xb6: {  	[tilespmem:s7+$0x3940] =	vst v0  }
0xb7: {  	[tilespmem:s7+$0x3950] =	vst v0  }
0xb8: {  	[tilespmem:s7+$0x3960] =	vst v0  }
0xb9: {  	[spmem:s28] =	stream.linear.scatter [tilespmem:s17], [sflag:$0xB], $0x3400, $0x38;
	[tilespmem:$0x1E900] =	vst v63  }
0xba: {  	_ =	swait.ge [sflag:s31], $0x3400  }
0xbb: {  	[sflag:s31] =	ssyncset.done $0x0  }
0xbc: {  	s25 =	rddreg [dreg:$0x15];
	[sflag:s31] =	ssyncadd.s32 $0xFFFFCC00  }
0xbd: {  	[spmem:s25] =	stream.linear.scatter [tilespmem:s17], [sflag:$0xB], $0x3400, $0x38;
	[tilespmem:$0x1E900] =	vst v63  }
0xbe: {  	_ =	swait.ge [sflag:s31], $0x3400  }
0xbf: {  	[sflag:s31] =	ssyncset.done $0x0  }
0xc0: {  	s26 =	rddreg [dreg:$0x16];
	[sflag:s31] =	ssyncadd.s32 $0xFFFFCC00  }
0xc1: {  	[spmem:s26] =	stream.linear.scatter [tilespmem:s17], [sflag:$0xB], $0x3400, $0x38;
	[tilespmem:$0x1E900] =	vst v63  }
0xc2: {  	_ =	swait.ge [sflag:s31], $0x3400  }
0xc3: {  	[sflag:s31] =	ssyncset.done $0x0  }
0xc4: {  	s28 =	rddreg [dreg:$0x17];
	[sflag:s31] =	ssyncadd.s32 $0xFFFFCC00  }
0xc5: {  	[spmem:s28] =	stream.linear.scatter [tilespmem:s17], [sflag:$0xB], $0x3400, $0x38;
	[tilespmem:$0x1E900] =	vst v63  }
0xc6: {  	_ =	swait.ge [sflag:s31], $0x3400  }
0xc7: {  	[sflag:s31] =	ssyncset.done $0x0  }
0xc8: {  	s15 =	rddreg [dreg:$0x19];
	[sflag:s31] =	ssyncadd.s32 $0xFFFFCC00  }
0xc9: {  	[spmem:s15] =	stream.linear.scatter [tilespmem:s17], [sflag:$0xB], $0x3400, $0x38;
	[tilespmem:$0x1E900] =	vst v63  }
0xca: {  	_ =	swait.ge [sflag:s31], $0x3400  }
0xcb: {  	[sflag:s31] =	ssyncset.done $0x0  }
0xcc: {  	s24 =	rddreg [dreg:$0x1c];
	[sflag:s31] =	ssyncadd.s32 $0xFFFFCC00  }
0xcd: {  	[spmem:s24] =	stream.linear.scatter [tilespmem:s17], [sflag:$0xB], $0x3400, $0x38;
	[tilespmem:$0x1E900] =	vst v63  }
0xce: {  	_ =	swait.ge [sflag:s31], $0x3400  }
0xcf: {  	[sflag:s31] =	ssyncset.done $0x0  }
0xd0: {  	s25 =	rddreg [dreg:$0x9];
	[sflag:s31] =	ssyncadd.s32 $0xFFFFCC00  }
0xd1: {  	[spmem:s25] =	stream.linear.scatter [tilespmem:s17], [sflag:$0xB], $0x800, $0x38;
	[tilespmem:$0x1E900] =	vst v63  }
0xd2: {  	_ =	swait.ge [sflag:s31], $0x800  }
0xd3: {  	[sflag:s31] =	ssyncset.done $0x0  }
0xd4: {  	[sflag:s31] =	ssyncadd.s32 $0xFFFFF800  }
0xd5: {  	[bflag:$0x0] =	sbarrier.arrive $0xFFFF  }
0xd6: {  	s7 =	simm.s32 $0x0;
	s15 =	rddreg [dreg:$0xe]  }
0xd7: {  	[tilespmem:s7], [sflag:$0x1] =	stream.linear.gather [hbm4b:s15+s7], $0x68, $0x38;
	[tilespmem:$0x1E900] =	vst v63  }
0xd8: {  	s26 =	rddreg [dreg:$0xa]  }
0xd9: {  	[tilespmem:s0], [sflag:$0x2] =	stream.linear.gather [hbm4b:s26+s7], $0x68, $0x38;
	[tilespmem:$0x1E900] =	vst v63  }
0xda: {  	s28 =	rddreg [dreg:$0xf]  }
0xdb: {  	[tilespmem:s18], [sflag:$0x4] =	stream.linear.gather [hbm4b:s28+s7], $0x68, $0x38;
	[tilespmem:$0x1E900] =	vst v63  }
0xdc: {  	s24 =	rddreg [dreg:$0xb]  }
0xdd: {  	[tilespmem:s3], [sflag:$0x5] =	stream.linear.gather [hbm4b:s24+s7], $0x68, $0x38;
	[tilespmem:$0x1E900] =	vst v63  }
0xde: {  	s25 =	rddreg [dreg:$0x10]  }
0xdf: {  	[tilespmem:s19], [sflag:$0x7] =	stream.linear.gather [hbm4b:s25+s7], $0x68, $0x38;
	[tilespmem:$0x1E900] =	vst v63  }
0xe0: {  	s26 =	rddreg [dreg:$0x11]  }
0xe1: {  	[tilespmem:s23], [sflag:$0x8] =	stream.linear.gather [hbm4b:s26+s7], $0x68, $0x38;
	[tilespmem:$0x1E900] =	vst v63  }
0xe2: {  	_ =	swait.ge [sflag:s16], $0x68  }
0xe3: {  	[sflag:s16] =	ssyncset.done $0x0  }
0xe4: {  	[sflag:s16] =	ssyncadd.s32 $0xFFFFFF98  }
0xe5: {  	[tilespmem:s30], [sflag:$0x3] =	stream.indirect.gather [hbm4b:s1+s13], $0x80, s7, s13, $0xb8;
	[tilespmem:$0x1E900] =	vst v63  }
0xe6: {  	_ =	swait.ge [sflag:s8], $0x68  }
0xe7: {  	[sflag:s8] =	ssyncset.done $0x0  }
0xe8: {  	[sflag:s8] =	ssyncadd.s32 $0xFFFFFF98  }
0xe9: {  	[tilespmem:s17], [sflag:$0x6] =	stream.indirect.gather [hbm4b:s1+s13], $0x80, s18, s13, $0xb8;
	[tilespmem:$0x1E900] =	vst v63  }
0xea: {  	_ =	swait.ge [sflag:s9], $0x68  }
0xeb: {  	[sflag:s9] =	ssyncset.done $0x0  }
0xec: {  	[sflag:s9] =	ssyncadd.s32 $0xFFFFFF98  }
0xed: {  	[tilespmem:s10], [sflag:$0x9] =	stream.indirect.gather [hbm4b:s1+s13], $0x80, s19, s13, $0xb8;
	[tilespmem:$0x1E900] =	vst v63  }
0xee: {  	_ =	swait.ge [sflag:s11], $0x3400  }
0xef: {  	[sflag:s11] =	ssyncset.done $0x0  }
0xf0: {  	[sflag:s11] =	ssyncadd.s32 $0xFFFFCC00  }
0xf1: {  	_ =	swait.ge [sflag:s12], $0x68  }
0xf2: {  	[sflag:s12] =	ssyncset.done $0x0  }
0xf3: {  	[sflag:s12] =	ssyncadd.s32 $0xFFFFFF98  }
0xf4: {  	[spmem:s2] =	stream.indirect.scatter.add.f32 [tilespmem:s30], [sflag:$0xB], $0x80, s0, s13, $0xb8;
	[tilespmem:$0x1E900] =	vst v63  }
0xf5: {  	_ =	swait.ge [sflag:s31], $0x3400  }
0xf6: {  	[sflag:s31] =	ssyncset.done $0x0;
	s28 =	rddreg [dreg:$0x1b]  }
0xf7: {  	[sflag:s31] =	ssyncadd.s32 $0xFFFFCC00;
	s24 =	sadd.s32 s5, s28  }
0xf8: {  	[tilespmem:s4], [sflag:$0x1] =	stream.linear.gather [hbm4b:s24+s4], $0x68, $0x38;
	[tilespmem:$0x1E900] =	vst v63  }
0xf9: {  	s25 =	sadd.s32 s6, s28  }
0xfa: {  	[tilespmem:s0], [sflag:$0x2] =	stream.linear.gather [hbm4b:s25+s4], $0x68, $0x38;
	[tilespmem:$0x1E900] =	vst v63  }
0xfb: {  	_ =	swait.ge [sflag:s16], $0x68  }
0xfc: {  	[sflag:s16] =	ssyncset.done $0x0  }
0xfd: {  	[sflag:s16] =	ssyncadd.s32 $0xFFFFFF98  }
0xfe: {  	[tilespmem:s30], [sflag:$0x3] =	stream.indirect.gather [hbm4b:s1+s13], $0x80, s4, s13, $0xb8;
	[tilespmem:$0x1E900] =	vst v63  }
0xff: {  	_ =	swait.ge [sflag:s20], $0x3400  }
0x100: {  	[sflag:s20] =	ssyncset.done $0x0  }
0x101: {  	[sflag:s20] =	ssyncadd.s32 $0xFFFFCC00  }
0x102: {  	_ =	swait.ge [sflag:s14], $0x68  }
0x103: {  	[sflag:s14] =	ssyncset.done $0x0  }
0x104: {  	[sflag:s14] =	ssyncadd.s32 $0xFFFFFF98  }
0x105: {  	[spmem:s2] =	stream.indirect.scatter.add.f32 [tilespmem:s17], [sflag:$0xB], $0x80, s3, s13, $0xb8;
	[tilespmem:$0x1E900] =	vst v63  }
0x106: {  	_ =	swait.ge [sflag:s31], $0x3400  }
0x107: {  	s26 =	rddreg [dreg:$0x7];
	[sflag:s31] =	ssyncset.done $0x0  }
0x108: {  	s28 =	rddreg [dreg:$0x6];
	[sflag:s31] =	ssyncadd.s32 $0xFFFFCC00;
	s7 =	sadd.s32 $0x0, s26  }
0x109: {  	[tilespmem:s18], [sflag:$0x4] =	stream.linear.gather [hbm4b:s7+s4], $0x68, $0x38;
	[tilespmem:$0x1E900] =	vst v63  }
0x10a: {  	s15 =	sadd.s32 $0x0, s28  }
0x10b: {  	[tilespmem:s3], [sflag:$0x5] =	stream.linear.gather [hbm4b:s15+s4], $0x68, $0x38;
	[tilespmem:$0x1E900] =	vst v63  }
0x10c: {  	_ =	swait.ge [sflag:s8], $0x68  }
0x10d: {  	[sflag:s8] =	ssyncset.done $0x0  }
0x10e: {  	[sflag:s8] =	ssyncadd.s32 $0xFFFFFF98  }
0x10f: {  	[tilespmem:s17], [sflag:$0x6] =	stream.indirect.gather [hbm4b:s1+s13], $0x80, s18, s13, $0xb8;
	[tilespmem:$0x1E900] =	vst v63  }
0x110: {  	_ =	swait.ge [sflag:s21], $0x3400  }
0x111: {  	[sflag:s21] =	ssyncset.done $0x0  }
0x112: {  	[sflag:s21] =	ssyncadd.s32 $0xFFFFCC00  }
0x113: {  	_ =	swait.ge [sflag:s22], $0x68  }
0x114: {  	[sflag:s22] =	ssyncset.done $0x0  }
0x115: {  	[sflag:s22] =	ssyncadd.s32 $0xFFFFFF98  }
0x116: {  	[spmem:s2] =	stream.indirect.scatter.add.f32 [tilespmem:s10], [sflag:$0xB], $0x80, s23, s13, $0xb8;
	[tilespmem:$0x1E900] =	vst v63  }
0x117: {  	_ =	swait.ge [sflag:s31], $0x3400  }
0x118: {  	s24 =	rddreg [dreg:$0x5];
	[sflag:s31] =	ssyncset.done $0x0  }
0x119: {  	s25 =	rddreg [dreg:$0x4];
	[sflag:s31] =	ssyncadd.s32 $0xFFFFCC00;
	s7 =	sadd.s32 $0x0, s24  }
0x11a: {  	[tilespmem:s19], [sflag:$0x7] =	stream.linear.gather [hbm4b:s7+s4], $0x68, $0x38;
	[tilespmem:$0x1E900] =	vst v63  }
0x11b: {  	s26 =	sadd.s32 $0x0, s25  }
0x11c: {  	[tilespmem:s23], [sflag:$0x8] =	stream.linear.gather [hbm4b:s26+s4], $0x68, $0x38;
	[tilespmem:$0x1E900] =	vst v63  }
0x11d: {  	_ =	swait.ge [sflag:s9], $0x68  }
0x11e: {  	[sflag:s9] =	ssyncset.done $0x0;
	s28 =	rddreg [dreg:$0x18]  }
0x11f: {  	s15 =	simm.s32 $0x27;
	[sflag:s9] =	ssyncadd.s32 $0xFFFFFF98;
	s26 =	sadd.s32 $0x138, s28  }
.LBB2_10:
0x120: {  	[tilespmem:s10], [sflag:$0x9] =	stream.indirect.gather [hbm4b:s1+s13], $0x80, s19, s13, $0xb8;
	[tilespmem:$0x1E900] =	vst v63  }
0x121: {  	_ =	swait.ge [sflag:s11], $0x3400  }
0x122: {  	[sflag:s11] =	ssyncset.done $0x0  }
0x123: {  	[sflag:s11] =	ssyncadd.s32 $0xFFFFCC00  }
0x124: {  	_ =	swait.ge [sflag:s12], $0x68  }
0x125: {  	[sflag:s12] =	ssyncset.done $0x0  }
0x126: {  	[sflag:s12] =	ssyncadd.s32 $0xFFFFFF98  }
0x127: {  	[spmem:s2] =	stream.indirect.scatter.add.f32 [tilespmem:s30], [sflag:$0xB], $0x80, s0, s13, $0xb8;
	[tilespmem:$0x1E900] =	vst v63  }
0x128: {  	_ =	swait.ge [sflag:s31], $0x3400  }
0x129: {  	s25 =	sshrl.u32 s26, $0x3;
	[sflag:s31] =	ssyncset.done $0x0  }
0x12a: {  	s28 =	sadd.s32 s5, s25;
	[sflag:s31] =	ssyncadd.s32 $0xFFFFCC00  }
0x12b: {  	[tilespmem:s4], [sflag:$0x1] =	stream.linear.gather [hbm4b:s28+s4], $0x68, $0x38;
	[tilespmem:$0x1E900] =	vst v63  }
0x12c: {  	s25 =	sadd.s32 s6, s25  }
0x12d: {  	[tilespmem:s0], [sflag:$0x2] =	stream.linear.gather [hbm4b:s25+s4], $0x68, $0x38;
	[tilespmem:$0x1E900] =	vst v63  }
0x12e: {  	_ =	swait.ge [sflag:s16], $0x68  }
0x12f: {  	[sflag:s16] =	ssyncset.done $0x0  }
0x130: {  	[sflag:s16] =	ssyncadd.s32 $0xFFFFFF98  }
0x131: {  	[tilespmem:s30], [sflag:$0x3] =	stream.indirect.gather [hbm4b:s1+s13], $0x80, s4, s13, $0xb8;
	[tilespmem:$0x1E900] =	vst v63  }
0x132: {  	_ =	swait.ge [sflag:s20], $0x3400  }
0x133: {  	[sflag:s20] =	ssyncset.done $0x0  }
0x134: {  	[sflag:s20] =	ssyncadd.s32 $0xFFFFCC00  }
0x135: {  	_ =	swait.ge [sflag:s14], $0x68  }
0x136: {  	[sflag:s14] =	ssyncset.done $0x0  }
0x137: {  	[sflag:s14] =	ssyncadd.s32 $0xFFFFFF98  }
0x138: {  	[spmem:s2] =	stream.indirect.scatter.add.f32 [tilespmem:s17], [sflag:$0xB], $0x80, s3, s13, $0xb8;
	[tilespmem:$0x1E900] =	vst v63  }
0x139: {  	_ =	swait.ge [sflag:s31], $0x3400  }
0x13a: {  	s7 =	smov.u32 s15;
	s25 =	rddreg [dreg:$0x7];
	[sflag:s31] =	ssyncset.done $0x0  }
0x13b: {  	s24 =	rddreg [dreg:$0x6];
	[sflag:s31] =	ssyncadd.s32 $0xFFFFCC00;
	s25 =	sadd.s32 s7, s25  }
0x13c: {  	[tilespmem:s18], [sflag:$0x4] =	stream.linear.gather [hbm4b:s25+s4], $0x68, $0x38;
	[tilespmem:$0x1E900] =	vst v63  }
0x13d: {  	s28 =	sadd.s32 s7, s24  }
0x13e: {  	[tilespmem:s3], [sflag:$0x5] =	stream.linear.gather [hbm4b:s28+s4], $0x68, $0x38;
	[tilespmem:$0x1E900] =	vst v63  }
0x13f: {  	_ =	swait.ge [sflag:s8], $0x68  }
0x140: {  	[sflag:s8] =	ssyncset.done $0x0  }
0x141: {  	[sflag:s8] =	ssyncadd.s32 $0xFFFFFF98  }
0x142: {  	[tilespmem:s17], [sflag:$0x6] =	stream.indirect.gather [hbm4b:s1+s13], $0x80, s18, s13, $0xb8;
	[tilespmem:$0x1E900] =	vst v63  }
0x143: {  	_ =	swait.ge [sflag:s21], $0x3400  }
0x144: {  	[sflag:s21] =	ssyncset.done $0x0  }
0x145: {  	[sflag:s21] =	ssyncadd.s32 $0xFFFFCC00  }
0x146: {  	_ =	swait.ge [sflag:s22], $0x68  }
0x147: {  	[sflag:s22] =	ssyncset.done $0x0  }
0x148: {  	[sflag:s22] =	ssyncadd.s32 $0xFFFFFF98  }
0x149: {  	[spmem:s2] =	stream.indirect.scatter.add.f32 [tilespmem:s10], [sflag:$0xB], $0x80, s23, s13, $0xb8;
	[tilespmem:$0x1E900] =	vst v63  }
0x14a: {  	_ =	swait.ge [sflag:s31], $0x3400  }
0x14b: {  	p0 =	sne.s32 s15, $0x492;
	s25 =	rddreg [dreg:$0x5];
	[sflag:s31] =	ssyncset.done $0x0  }
0x14c: {  	s24 =	rddreg [dreg:$0x4];
	[sflag:s31] =	ssyncadd.s32 $0xFFFFCC00;
	s25 =	sadd.s32 s7, s25  }
0x14d: {  	[tilespmem:s19], [sflag:$0x7] =	stream.linear.gather [hbm4b:s25+s4], $0x68, $0x38;
	[tilespmem:$0x1E900] =	vst v63  }
.Ltmp4:
0x14e: {  	s7 =	sadd.s32 s7, s24;
	(pc) =	sbr.rel @p0 .LBB2_10-.Ltmp4, $4  }
0x14f: {  	[tilespmem:s23], [sflag:$0x8] =	stream.linear.gather [hbm4b:s7+s4], $0x68, $0x38;
	[tilespmem:$0x1E900] =	vst v63  }
0x150: {  	_ =	swait.ge [sflag:s9], $0x68  }
0x151: {  	[sflag:s9] =	ssyncset.done $0x0  }
0x152: {  	s15 =	sadd.s32 $0x27, s15;
	s26 =	sadd.s32 $0x138, s26;
	[sflag:s9] =	ssyncadd.s32 $0xFFFFFF98  }
0x153: {  	[tilespmem:s10], [sflag:$0x9] =	stream.indirect.gather [hbm4b:s1+s13], $0x80, s19, s13, $0xb8;
	[tilespmem:$0x1E900] =	vst v63  }
0x154: {  	_ =	swait.ge [sflag:s11], $0x3400  }
0x155: {  	[sflag:s11] =	ssyncset.done $0x0  }
0x156: {  	[sflag:s11] =	ssyncadd.s32 $0xFFFFCC00  }
0x157: {  	_ =	swait.ge [sflag:s12], $0x68  }
0x158: {  	[sflag:s12] =	ssyncset.done $0x0  }
0x159: {  	[sflag:s12] =	ssyncadd.s32 $0xFFFFFF98  }
0x15a: {  	[spmem:s2] =	stream.indirect.scatter.add.f32 [tilespmem:s30], [sflag:$0xB], $0x80, s0, s13, $0xb8;
	[tilespmem:$0x1E900] =	vst v63  }
0x15b: {  	_ =	swait.ge [sflag:s31], $0x3400  }
0x15c: {  	[sflag:s31] =	ssyncset.done $0x0  }
0x15d: {  	[sflag:s31] =	ssyncadd.s32 $0xFFFFCC00  }
0x15e: {  	_ =	swait.ge [sflag:s20], $0x3400  }
0x15f: {  	[sflag:s20] =	ssyncset.done $0x0  }
0x160: {  	[sflag:s20] =	ssyncadd.s32 $0xFFFFCC00  }
0x161: {  	_ =	swait.ge [sflag:s14], $0x68  }
0x162: {  	[sflag:s14] =	ssyncset.done $0x0  }
0x163: {  	[sflag:s14] =	ssyncadd.s32 $0xFFFFFF98  }
0x164: {  	[spmem:s2] =	stream.indirect.scatter.add.f32 [tilespmem:s17], [sflag:$0xB], $0x80, s3, s13, $0xb8;
	[tilespmem:$0x1E900] =	vst v63  }
0x165: {  	_ =	swait.ge [sflag:s31], $0x3400  }
0x166: {  	[sflag:s31] =	ssyncset.done $0x0  }
0x167: {  	[sflag:s31] =	ssyncadd.s32 $0xFFFFCC00  }
0x168: {  	_ =	swait.ge [sflag:s21], $0x3400  }
0x169: {  	[sflag:s21] =	ssyncset.done $0x0  }
0x16a: {  	[sflag:s21] =	ssyncadd.s32 $0xFFFFCC00  }
0x16b: {  	_ =	swait.ge [sflag:s22], $0x68  }
0x16c: {  	[sflag:s22] =	ssyncset.done $0x0  }
0x16d: {  	[sflag:s22] =	ssyncadd.s32 $0xFFFFFF98  }
0x16e: {  	[spmem:s2] =	stream.indirect.scatter.add.f32 [tilespmem:s10], [sflag:$0xB], $0x80, s23, s13, $0xb8;
	[tilespmem:$0x1E900] =	vst v63  }
0x16f: {  	_ =	swait.ge [sflag:s31], $0x3400  }
0x170: {  	[sflag:s31] =	ssyncset.done $0x0  }
0x171: {  	s24 =	simm.s32 $0x400;
	s7 =	rddreg [dreg:$0x12];
	[sflag:s31] =	ssyncadd.s32 $0xFFFFCC00  }
0x172: {  	[tilespmem:s24], [sflag:$0xB] =	stream.linear.gather [hbm4b:s7+s4], $0x10, $0x38;
	[tilespmem:$0x1E900] =	vst v63  }
0x173: {  	_ =	swait.ge [sflag:s31], $0x10  }
0x174: {  	[sflag:s31] =	ssyncset.done $0x0  }
0x175: {  	s15 =	simm.s32 $0x480;
	s25 =	rddreg [dreg:$0xc];
	[sflag:s31] =	ssyncadd.s32 $0xFFFFFFF0  }
0x176: {  	[tilespmem:s15], [sflag:$0xB] =	stream.linear.gather [hbm4b:s25+s4], $0x10, $0x38;
	[tilespmem:$0x1E900] =	vst v63  }
0x177: {  	_ =	swait.ge [sflag:s31], $0x10  }
0x178: {  	s26 =	simm.s32 $0xA;
	[sflag:s31] =	ssyncset.done $0x0  }
0x179: {  	s7 =	simm.s32 $0x10;
	s25 =	simm.s32 $0xA100;
	[sflag:s31] =	ssyncadd.s32 $0xFFFFFFF0  }
0x17a: {  	[tilespmem:s25], [sflag:$0xA] =	stream.indirect.gather [hbm4b:s1+s7], $0x80, s24, s7, $0xb8;
	[tilespmem:$0x1E900] =	vst v63  }
0x17b: {  	_ =	swait.ge [sflag:s26], $0x800  }
0x17c: {  	[sflag:s26] =	ssyncset.done $0x0  }
0x17d: {  	[sflag:s26] =	ssyncadd.s32 $0xFFFFF800  }
0x17e: {  	[spmem:s2] =	stream.indirect.scatter.add.f32 [tilespmem:s25], [sflag:$0xB], $0x80, s15, s7, $0xb8;
	[tilespmem:$0x1E900] =	vst v63  }
0x17f: {  	_ =	swait.ge [sflag:s31], $0x800  }
0x180: {  	[sflag:s31] =	ssyncset.done $0x0  }
0x181: {  	[sflag:s31] =	ssyncadd.s32 $0xFFFFF800  }
0x182: {  	[bflag:$0x0] =	sbarrier.arrive $0xFFFF  }
0x183: {  	s15 =	rddreg [dreg:$0x13]  }
0x184: {  	s25 =	rddreg [dreg:$0x1e]  }
0x185: {  	s26 =	rddreg [dreg:$0x1f]  }
0x186: {  	[hbm:s15], [sflag:s25] =	dma.local [spmem:s26], $0x2800  }
0x187: {  	_ =	swait.ge [sflag:s31], $0x2800  }
0x188: {  	s25 =	rddreg [dreg:$0x1d]  }
0x189: {  	s26 =	rddreg [dreg:$0x14];
	s15 =	sadd.s32 $0x1, s25  }
0x18a: {  	p0 =	sne.s32 s15, s26  }
.Ltmp5:
0x18b: {  	_ = 	snop;
	(pc) =	sbr.rel @p0 .LBB2_1-.Ltmp5, $3  }
0x18c: {  	_ =	sdelay $0x1  }
0x18d: {  	[sflag:s31] =	ssyncset.done $0x0  }
0x18e: {  	s24 =	simm.s32 $0x10;
	s28 =	rddreg [dreg:$0x8];
	[sflag:s31] =	ssyncadd.s32 $0xFFFFD800  }
0x18f: {  	_ =	sfence.sel $0x180000  }
0x190: {  	[bflag:$0x0] =	sbarrier.arrive $0xFFFF  }
0x191: {  	_ =	strace $0x90000047  }
0x192: {  	s0 =	stileid.u32;
	[bflag:$0x2] =	sbarrier.arrive $0xFFFF  }
0x193: {  	p0 =	sne.s32 s0, $0x0;
	s0 =	rddreg [dreg:$0x3]  }
0x194: {  	s0 =	sadd.s32 @!p0 $0x100000, s0  }
0x195: {  	[sflag:s0] =	ssyncadd.tile.s32 @!p0 $0x1;
	_ =	shalt  }
.Lfunc_end2:
_tile_overlayer_lowered:
.L_overlay_start_2:
0x196: {  	(tag) =	ssettag $0x2  }
0x197: {  	s0 =	rddreg [dreg:$0x0];
	s2 =	stileid.u32  }
0x198: {  	s1 =	rddreg [dreg:$0x1];
	p0 =	sne.s32 s2, $0x0  }
0x199: {  	s3 =	rddreg [dreg:$0x2];
	[bflag:$0x3] =	sbarrier.arrive $0xFFFF;
	s2 =	simm.s32 @!p0 $0x1C0B  }
0x19a: {  	[timem:s3], [sflag:s2] =	dma.local @!p0 [hbm:s0], s1  }
0x19b: {  	s0 =	simm.s32 @!p0 $0xB  }
0x19c: {  	_ =	swait.ge @!p0 [sflag:s0], s1  }
0x19d: {  	s1 =	ssub.s32 @!p0 $0x0, s1;
	[sflag:s0] =	ssyncset.done @!p0 $0x0  }
0x19e: {  	[sflag:s0] =	ssyncadd.s32 @!p0 s1  }
0x19f: {  	[bflag:$0x3] =	sbarrier.arrive $0xFFFF  }
0x1a0: {  	_ =	shalt  }

</sc_bundles>
